<compile_context>
chip_gen: v7x
topology: tpu7x:2x2x1
jax: 0.10.2.dev20260603
libtpu: 0.0.44.dev20260713+nightly
codegen_flags: <defaults>
</compile_context>

<pallas_src>
import functools

import jax
import jax.numpy as jnp
from jax import lax
from jax.experimental import pallas as pl
from jax.experimental.pallas import tpu as pltpu
from jax.experimental.pallas import tpu_sc as plsc

N = 10000
E = 320000
D = 128
H = 128
EPS = 1e-5

NC = 2
NS = 16
NW = NC * NS
EPW = E // NW

_mesh = plsc.VectorSubcoreMesh(
    core_axis_name="c", subcore_axis_name="s", num_cores=NC, num_subcores=NS)


def _deg_body(dst_hbm, deg_hbm, dst_v, hist_v, sem):
    c = lax.axis_index("c")
    s = lax.axis_index("s")
    wid = c * jnp.int32(NS) + s

    zero16 = jnp.zeros((16,), jnp.float32)

    def zb(i, carry):
        hist_v[pl.ds(i * jnp.int32(16), 16)] = zero16
        return carry

    lax.fori_loop(jnp.int32(0), jnp.int32(N // 16), zb, jnp.int32(0))

    pltpu.sync_copy(dst_hbm.at[wid], dst_v)
    ones16 = jnp.ones((16,), jnp.float32)

    def body(i, carry):
        idx = dst_v[pl.ds(i * jnp.int32(16), 16)]
        plsc.addupdate_scatter(hist_v, [idx], ones16)
        return carry

    lax.fori_loop(jnp.int32(0), jnp.int32(EPW // 16), body, jnp.int32(0))

    pltpu.sync_copy(hist_v, deg_hbm.at[wid])


_deg_call = functools.partial(
    pl.kernel,
    out_type=jax.ShapeDtypeStruct((NW, N), jnp.float32),
    mesh=_mesh,
    compiler_params=pltpu.CompilerParams(needs_layout_passes=False),
    scratch_types=[
        pltpu.VMEM((EPW,), jnp.int32),
        pltpu.VMEM((N,), jnp.float32),
        pltpu.SemaphoreType.DMA,
    ],
)


def _y_body(x_ref, w_ref, degt_ref, y_ref):
    deg = jnp.sum(degt_ref[:, :], axis=1, keepdims=True) + 1.0
    dinv = lax.rsqrt(deg)
    xw = jnp.dot(x_ref[:, :], w_ref[:, :], preferred_element_type=jnp.float32,
                 precision=lax.Precision.HIGHEST)
    y_ref[:, :] = xw * dinv


RB = 2000


def _y_call(x, w1, degt):
    grid = N // RB
    return pl.pallas_call(
        _y_body,
        grid=(grid,),
        in_specs=[
            pl.BlockSpec((RB, D), lambda i: (i, jnp.int32(0))),
            pl.BlockSpec((D, H), lambda i: (jnp.int32(0), jnp.int32(0))),
            pl.BlockSpec((RB, NW), lambda i: (i, jnp.int32(0))),
        ],
        out_specs=pl.BlockSpec((RB, H), lambda i: (i, jnp.int32(0))),
        out_shape=jax.ShapeDtypeStruct((N, H), jnp.float32),
    )(x, w1, degt)


EPT = 10112
SCH = 64
NCH2 = EPT // SCH
NB = 2
NP = 10112
RPS = NP // NS
DPAD = 10016


def _agg_body(y_hbm, src_hbm, dst_hbm, agg_hbm, srcb, dstb, rows, shared,
              s0, s1):
    c = lax.axis_index("c")
    s = lax.axis_index("s")
    wid = c * jnp.int32(NS) + s
    sems = (s0, s1)

    zero16 = jnp.zeros((16,), jnp.float32)

    def zb(i, carry):
        for f in range(H // 16):
            rows[jnp.int32(0), i, pl.ds(f * 16, 16)] = zero16
        return carry

    lax.fori_loop(jnp.int32(0), jnp.int32(SCH), zb, jnp.int32(0))
    for k in range(9):
        pltpu.sync_copy(
            rows.at[jnp.int32(0)],
            shared.at[pl.ds(s * jnp.int32(RPS) + jnp.int32(k * SCH), SCH)])
    pltpu.sync_copy(
        rows.at[jnp.int32(0), pl.ds(0, RPS - 9 * SCH)],
        shared.at[pl.ds(s * jnp.int32(RPS) + jnp.int32(9 * SCH),
                        RPS - 9 * SCH)])

    pltpu.sync_copy(src_hbm.at[wid], srcb)
    pltpu.sync_copy(dst_hbm.at[wid], dstb)
    plsc.subcore_barrier()

    for b in range(NB):
        pltpu.async_copy(
            y_hbm.at[srcb.at[pl.ds(jnp.int32(b * SCH), SCH)]],
            rows.at[jnp.int32(b)], sems[b])

    def grp(g, carry):
        for b in range(NB):
            j = g * jnp.int32(NB) + jnp.int32(b)
            pltpu.make_async_copy(
                y_hbm.at[srcb.at[pl.ds(j * jnp.int32(SCH), SCH)]],
                rows.at[jnp.int32(b)], sems[b]).wait()
            pltpu.sync_copy(rows.at[jnp.int32(b)], shared.at[dstb.at[j]],
                            add=True)

            @pl.when(j + jnp.int32(NB) < jnp.int32(NCH2))
            def _():
                pltpu.async_copy(
                    y_hbm.at[srcb.at[pl.ds((j + jnp.int32(NB)) * jnp.int32(SCH),
                                           SCH)]],
                    rows.at[jnp.int32(b)], sems[b])
        return carry

    lax.fori_loop(jnp.int32(0), jnp.int32(NCH2 // NB), grp, jnp.int32(0))
    plsc.subcore_barrier()

    base = s * jnp.int32(RPS)
    pltpu.sync_copy(shared.at[pl.ds(base, RPS)],
                    agg_hbm.at[c, pl.ds(base, RPS)])


_agg_call = functools.partial(
    pl.kernel,
    out_type=jax.ShapeDtypeStruct((NC, NP, H), jnp.float32),
    mesh=_mesh,
    scratch_types=[
        pltpu.VMEM((EPT,), jnp.int32),
        pltpu.VMEM((NCH2, SCH), jnp.int32),
        pltpu.VMEM((NB, SCH, H), jnp.float32),
        pltpu.VMEM_SHARED((NP, H), jnp.float32),
        pltpu.SemaphoreType.DMA,
        pltpu.SemaphoreType.DMA,
    ],
)


def _h_body(agg_ref, y_ref, degt_ref, b1_ref, h_ref, st_ref):
    deg = jnp.sum(degt_ref[:, :], axis=1, keepdims=True) + 1.0
    dinv = lax.rsqrt(deg)
    tot = (agg_ref[0, :, :] + agg_ref[1, :, :] + y_ref[:, :]) * dinv
    h = jnp.maximum(tot + b1_ref[:, :], 0.0)
    h_ref[:, :] = h

    @pl.when(pl.program_id(0) == 0)
    def _():
        st_ref[:, :] = jnp.zeros_like(st_ref)

    st_ref[0:1, :] += jnp.sum(h, axis=0, keepdims=True)
    st_ref[1:2, :] += jnp.sum(h * h, axis=0, keepdims=True)


def _h_call(agg, y, degt, b1r):
    grid = N // RB
    return pl.pallas_call(
        _h_body,
        grid=(grid,),
        in_specs=[
            pl.BlockSpec((NC, RB, H), lambda i: (jnp.int32(0), i, jnp.int32(0))),
            pl.BlockSpec((RB, H), lambda i: (i, jnp.int32(0))),
            pl.BlockSpec((RB, NW), lambda i: (i, jnp.int32(0))),
            pl.BlockSpec((1, H), lambda i: (jnp.int32(0), jnp.int32(0))),
        ],
        out_specs=[
            pl.BlockSpec((RB, H), lambda i: (i, jnp.int32(0))),
            pl.BlockSpec((2, H), lambda i: (jnp.int32(0), jnp.int32(0))),
        ],
        out_shape=[
            jax.ShapeDtypeStruct((N, H), jnp.float32),
            jax.ShapeDtypeStruct((2, H), jnp.float32),
        ],
    )(agg, y, degt, b1r)


def _pq_body(h_ref, st_ref, g_ref, be_ref, w_ref, bfc_ref, pq_ref):
    inv_n = 1.0 / N
    mean = st_ref[0:1, :] * inv_n
    var = st_ref[1:2, :] * inv_n - mean * mean
    scale = g_ref[:, :] * lax.rsqrt(var + EPS)
    shift = be_ref[:, :] - mean * scale
    h2 = jnp.maximum(h_ref[:, :] * scale + shift, 0.0)
    pq_ref[:, :] = (jnp.dot(h2, w_ref[:, :],
                            preferred_element_type=jnp.float32,
                            precision=lax.Precision.HIGHEST)
                    + bfc_ref[:, :])


def _pq_call(h, st, gr, br, wcat, bfc):
    grid = N // RB
    return pl.pallas_call(
        _pq_body,
        grid=(grid,),
        in_specs=[
            pl.BlockSpec((RB, H), lambda i: (i, jnp.int32(0))),
            pl.BlockSpec((2, H), lambda i: (jnp.int32(0), jnp.int32(0))),
            pl.BlockSpec((1, H), lambda i: (jnp.int32(0), jnp.int32(0))),
            pl.BlockSpec((1, H), lambda i: (jnp.int32(0), jnp.int32(0))),
            pl.BlockSpec((H, 4), lambda i: (jnp.int32(0), jnp.int32(0))),
            pl.BlockSpec((1, 4), lambda i: (jnp.int32(0), jnp.int32(0))),
        ],
        out_specs=pl.BlockSpec((RB, 4), lambda i: (i, jnp.int32(0))),
        out_shape=jax.ShapeDtypeStruct((N, 4), jnp.float32),
    )(h, st, gr, br, wcat, bfc)


def _score_body(pq_hbm, src_hbm, dst_hbm, out_hbm, pqv, srcv, dstv, outv, sem):
    c = lax.axis_index("c")
    s = lax.axis_index("s")
    wid = c * jnp.int32(NS) + s

    pltpu.sync_copy(pq_hbm, pqv)
    pltpu.sync_copy(src_hbm.at[wid], srcv)
    pltpu.sync_copy(dst_hbm.at[wid], dstv)

    lane = lax.iota(jnp.int32, 16)
    expmask = jnp.int32(0x7F800000)
    magmask = jnp.int32(0x7FFFFFFF)
    signmask = jnp.int32(-2147483648)
    ebias = jnp.int32(896 << 20)
    zero16i = jnp.zeros((16,), jnp.int32)

    def f64bits(v):
        b = plsc.bitcast(v, jnp.int32)
        nz = (b & expmask) != zero16i
        hi = (b & signmask) | (((b & magmask) >> jnp.int32(3)) + ebias)
        lo = (b & jnp.int32(7)) << jnp.int32(29)
        return jnp.where(nz, lo, zero16i), jnp.where(nz, hi, zero16i)

    def body(i, carry):
        sv = srcv[pl.ds(i * jnp.int32(16), 16)] * jnp.int32(4)
        dv = dstv[pl.ds(i * jnp.int32(16), 16)] * jnp.int32(4)
        p0 = plsc.load_gather(pqv, [sv])
        p1 = plsc.load_gather(pqv, [sv + jnp.int32(1)])
        q0 = plsc.load_gather(pqv, [dv + jnp.int32(2)])
        q1 = plsc.load_gather(pqv, [dv + jnp.int32(3)])
        lo0, hi0 = f64bits(p0 + q0)
        lo1, hi1 = f64bits(p1 + q1)
        base = i * jnp.int32(16)
        outv[0, pl.ds(base, 16)] = lo0
        outv[1, pl.ds(base, 16)] = lo1
        outv[2, pl.ds(base, 16)] = hi0
        outv[3, pl.ds(base, 16)] = hi1
        return carry

    lax.fori_loop(jnp.int32(0), jnp.int32(EPW // 16), body, jnp.int32(0))
    for p in range(4):
        pltpu.sync_copy(outv.at[jnp.int32(p)],
                        out_hbm.at[jnp.int32(p * NW) + wid])


_score_call = functools.partial(
    pl.kernel,
    out_type=jax.ShapeDtypeStruct((4 * NW, EPW), jnp.int32),
    mesh=_mesh,
    compiler_params=pltpu.CompilerParams(needs_layout_passes=False),
    scratch_types=[
        pltpu.VMEM((N * 4,), jnp.float32),
        pltpu.VMEM((EPW,), jnp.int32),
        pltpu.VMEM((EPW,), jnp.int32),
        pltpu.VMEM((4, EPW), jnp.int32),
        pltpu.SemaphoreType.DMA,
    ],
)


def kernel(x, edge_index, W1, b1, gamma, beta, W_fc, b_fc):
    out_dtype = jnp.result_type(x.dtype, W1.dtype, W_fc.dtype)
    W1 = W1.astype(jnp.float32)
    W_fc = W_fc.astype(jnp.float32)
    ei = edge_index.astype(jnp.int32)
    src, dst = ei[0], ei[1]
    pad = NW * EPT - E
    srcp = jnp.concatenate([src, jnp.zeros((pad,), jnp.int32)]).reshape(
        NW, EPT)
    dstp = jnp.concatenate([dst, jnp.full((pad,), DPAD, jnp.int32)]).reshape(
        NW, NCH2, SCH)
    src2 = src.reshape(NW, EPW)
    dst2 = dst.reshape(NW, EPW)

    deg2 = _deg_call(_deg_body)(dst2)
    degt = deg2.T

    y = _y_call(x, W1, degt)
    agg = _agg_call(_agg_body)(y, srcp, dstp)

    h, st = _h_call(agg, y, degt, b1.reshape(1, H))
    wcat = jnp.concatenate([W_fc[:H], W_fc[H:]], axis=1)
    bfc = jnp.pad(b_fc, (0, 2)).reshape(1, 4)
    pq = _pq_call(h, st, gamma.reshape(1, H), beta.reshape(1, H), wcat, bfc)

    bits = _score_call(_score_body)(pq.reshape(-1), src2, dst2)
    pairs = jnp.transpose(bits.reshape(2, 2, E), (2, 1, 0))
    out64 = lax.bitcast_convert_type(pairs, jnp.float64)
    return out64 if out_dtype == jnp.float64 else out64.astype(out_dtype)

# --- scband reference (transcript-rebuilt; emitter-appended) ---
"""Pipeline reference for scband-gcnmodel-43731357008191 (READ-ONLY COPY).

The authoritative reference and input builder live on the scoring server;
editing this copy changes nothing except your own understanding.
"""

import jax
jax.config.update("jax_enable_x64", True)
import jax.numpy as jnp
import numpy as np

N = 10000
E = 320000
D = 128
H = 128
EPS = 1e-5


def setup_inputs(seed: int = 0) -> dict:
    key = jax.random.key(seed)
    ks = jax.random.split(key, 8)
    x = jax.random.normal(ks[0], (N, D), dtype=jnp.float32)
    edge_index = jax.random.randint(ks[1], (2, E), 0, N, dtype=jnp.int64)
    W1 = jax.random.normal(ks[2], (D, H), dtype=jnp.float32) * (1.0 / np.sqrt(D))
    b1 = jnp.zeros((H,), dtype=jnp.float32)
    gamma = jnp.ones((H,), dtype=jnp.float32)
    beta = jnp.zeros((H,), dtype=jnp.float32)
    W_fc = jax.random.normal(ks[3], (2 * H, 2), dtype=jnp.float32) * (1.0 / np.sqrt(2 * H))
    b_fc = jnp.zeros((2,), dtype=jnp.float32)
    return {"x": x, "edge_index": edge_index, "W1": W1, "b1": b1,
            "gamma": gamma, "beta": beta, "W_fc": W_fc, "b_fc": b_fc}


def _gcn_conv(x, W, b, src, dst, n):
    # PyG GCNConv: add self-loops, symmetric normalization D^{-1/2}(A+I)D^{-1/2} X W + b
    xw = x @ W
    loop = jnp.arange(n, dtype=src.dtype)
    src_sl = jnp.concatenate([src, loop])
    dst_sl = jnp.concatenate([dst, loop])
    ones = jnp.ones_like(src_sl, dtype=xw.dtype)
    deg = jax.ops.segment_sum(ones, dst_sl, num_segments=n)
    dinv = jnp.where(deg > 0, 1.0 / jnp.sqrt(deg), 0.0)
    norm = dinv[src_sl] * dinv[dst_sl]
    msg = xw[src_sl] * norm[:, None]
    out = jax.ops.segment_sum(msg, dst_sl, num_segments=n)
    return out + b


def reference(x, edge_index, W1, b1, gamma, beta, W_fc, b_fc):
    src = edge_index[0]
    dst = edge_index[1]
    h = _gcn_conv(x, W1, b1, src, dst, N)
    h = jax.nn.relu(h)
    # dropout (p=0.9) is identity at inference
    mean = jnp.mean(h, axis=0)
    var = jnp.var(h, axis=0)
    h = (h - mean) / jnp.sqrt(var + EPS) * gamma + beta
    h = jax.nn.relu(h)
    edge_rep = jnp.concatenate([h[src], h[dst]], axis=1)
    edge_scores = edge_rep @ W_fc + b_fc
    return edge_scores

if __name__ == "__main__":
    import jax
    _d = setup_inputs()
    print(jax.jit(kernel)(*tuple(_d.values())))

</pallas_src>

<mosaic_0001>
#map = affine_map<(d0, d1) -> (0, 0)>
module attributes {stable_mosaic.version = 14 : i64} {
  func.func @_deg_body(%arg0: i32, %arg1: i32, %arg2: memref<32x10000xi32, #tpu.memory_space<hbm>>, %arg3: memref<32x10000xf32, #tpu.memory_space<hbm>>, %arg4: memref<10000xi32, #tpu.memory_space<vmem>>, %arg5: memref<10000xf32, #tpu.memory_space<vmem>>, %arg6: memref<!tpu.dma_semaphore, #tpu.memory_space<semaphore_mem>>) attributes {dimension_semantics = [#tpu.dimension_semantics<core_parallel>, #tpu.dimension_semantics<subcore_parallel>], iteration_bounds = array<i64: 2, 16>, scalar_prefetch = 0 : i64, scratch_operands = 3 : i64, tpu.core_type = #tpu.core_type<sc_vector_subcore>, window_params = [{transform_indices = #map}, {transform_indices = #map}]} {
    %mul3A = arith.constant 16 : i32
    %mul3A_0 = arith.muli %arg0, %mul3A : i32
    %add3A = arith.addi %mul3A_0, %arg1 : i32
    %broadcast_in_dim3A = arith.constant 0.000000e+00 : f32
    %broadcast_in_dim3A_1 = vector.broadcast %broadcast_in_dim3A : f32 to vector<16xf32>
    %while3A = arith.constant 0 : i32
    %while3A_2 = arith.constant 0 : i32
    %while3A_3 = arith.constant 625 : i32
    %while3A_4 = arith.subi %while3A_3, %while3A_2 : i32
    %while3A_5 = arith.addi %while3A_2, %while3A_4 : i32
    %while3A_6 = arith.constant 1 : i32
    %while3A_7 = arith.divsi %while3A_4, %while3A_6 : i32
    %while3A_8 = arith.muli %while3A_7, %while3A_6 : i32
    %while3A_9 = arith.addi %while3A_2, %while3A_8 : i32
    %while3A_10 = arith.constant 1 : i32
    scf.for %while3A_25 = %while3A_2 to %while3A_9 step %while3A_10  : i32 {
      %mul3A_26 = arith.constant 16 : i32
      %mul3A_27 = arith.muli %while3A_25, %mul3A_26 : i32
      %swap3A = arith.index_cast %mul3A_27 : i32 to index
      %swap3A_28 = tpu.vector_load %arg5[%swap3A] {strides = array<i32>} : memref<10000xf32, #tpu.memory_space<vmem>>, vector<16xf32>,
      tpu.vector_store %arg5[%swap3A], %broadcast_in_dim3A_1 {strides = array<i32>} : memref<10000xf32, #tpu.memory_space<vmem>>, vector<16xf32>,
    }
    %while3A_11 = arith.constant 1 : i32
    scf.for %while3A_25 = %while3A_9 to %while3A_5 step %while3A_11  : i32 {
      %mul3A_26 = arith.constant 16 : i32
      %mul3A_27 = arith.muli %while3A_25, %mul3A_26 : i32
      %swap3A = arith.index_cast %mul3A_27 : i32 to index
      %swap3A_28 = tpu.vector_load %arg5[%swap3A] {strides = array<i32>} : memref<10000xf32, #tpu.memory_space<vmem>>, vector<16xf32>,
      tpu.vector_store %arg5[%swap3A], %broadcast_in_dim3A_1 {strides = array<i32>} : memref<10000xf32, #tpu.memory_space<vmem>>, vector<16xf32>,
    }
    "tpu.region"() ({
      %run_scoped3A = tpu.sem_alloc : memref<!tpu.dma_semaphore, #tpu.memory_space<semaphore_mem>>
      %dma_start3A = arith.constant 0 : i32
      %dma_start3A_25 = tpu.memref_slice %arg2[%add3A, %dma_start3A] : memref<32x10000xi32, #tpu.memory_space<hbm>> -> memref<1x10000xi32, #tpu.memory_space<hbm>>
      %dma_start3A_26 = tpu.memref_squeeze %dma_start3A_25 : memref<1x10000xi32, #tpu.memory_space<hbm>> -> memref<10000xi32, #tpu.memory_space<hbm>>
      %dma_start3A_27 = arith.constant 0 : i32
      %dma_start3A_28 = tpu.memref_slice %arg2[%add3A, %dma_start3A_27] : memref<32x10000xi32, #tpu.memory_space<hbm>> -> memref<1x10000xi32, #tpu.memory_space<hbm>>
      %dma_start3A_29 = tpu.memref_squeeze %dma_start3A_28 : memref<1x10000xi32, #tpu.memory_space<hbm>> -> memref<10000xi32, #tpu.memory_space<hbm>>
      tpu.enqueue_dma source(%dma_start3A_29 : memref<10000xi32, #tpu.memory_space<hbm>>) target(%arg4 : memref<10000xi32, #tpu.memory_space<vmem>>) target_semaphore(%run_scoped3A : memref<!tpu.dma_semaphore, #tpu.memory_space<semaphore_mem>>)
      %dma_wait3A = arith.constant 0 : i32
      %dma_wait3A_30 = tpu.memref_slice %arg2[%add3A, %dma_wait3A] : memref<32x10000xi32, #tpu.memory_space<hbm>> -> memref<1x10000xi32, #tpu.memory_space<hbm>>
      %dma_wait3A_31 = tpu.memref_squeeze %dma_wait3A_30 : memref<1x10000xi32, #tpu.memory_space<hbm>> -> memref<10000xi32, #tpu.memory_space<hbm>>
      %dma_wait3A_32 = arith.constant 0 : i32
      %dma_wait3A_33 = tpu.memref_slice %arg2[%add3A, %dma_wait3A_32] : memref<32x10000xi32, #tpu.memory_space<hbm>> -> memref<1x10000xi32, #tpu.memory_space<hbm>>
      %dma_wait3A_34 = tpu.memref_squeeze %dma_wait3A_33 : memref<1x10000xi32, #tpu.memory_space<hbm>> -> memref<10000xi32, #tpu.memory_space<hbm>>
      tpu.wait_dma2 semaphore(%run_scoped3A : memref<!tpu.dma_semaphore, #tpu.memory_space<semaphore_mem>>) src(%dma_wait3A_34 : memref<10000xi32, #tpu.memory_space<hbm>>) dst(%arg4 : memref<10000xi32, #tpu.memory_space<vmem>>)
      tpu.yield
    }) : () -> ()
    %broadcast_in_dim3A_12 = arith.constant 1.000000e+00 : f32
    %broadcast_in_dim3A_13 = vector.broadcast %broadcast_in_dim3A_12 : f32 to vector<16xf32>
    %while3A_14 = arith.constant 0 : i32
    %while3A_15 = arith.constant 0 : i32
    %while3A_16 = arith.constant 625 : i32
    %while3A_17 = arith.subi %while3A_16, %while3A_15 : i32
    %while3A_18 = arith.addi %while3A_15, %while3A_17 : i32
    %while3A_19 = arith.constant 1 : i32
    %while3A_20 = arith.divsi %while3A_17, %while3A_19 : i32
    %while3A_21 = arith.muli %while3A_20, %while3A_19 : i32
    %while3A_22 = arith.addi %while3A_15, %while3A_21 : i32
    %while3A_23 = arith.constant 1 : i32
    scf.for %while3A_25 = %while3A_15 to %while3A_22 step %while3A_23  : i32 {
      %mul3A_26 = arith.constant 16 : i32
      %mul3A_27 = arith.muli %while3A_25, %mul3A_26 : i32
      %get3A = arith.index_cast %mul3A_27 : i32 to index
      %get3A_28 = tpu.vector_load %arg4[%get3A] {strides = array<i32>} : memref<10000xi32, #tpu.memory_space<vmem>>, vector<16xi32>,
      tpu.vector_store_idx %arg5[%get3A_28], %broadcast_in_dim3A_13 {add = true} : memref<10000xf32, #tpu.memory_space<vmem>>[vector<16xi32>], vector<16xf32>,
    }
    %while3A_24 = arith.constant 1 : i32
    scf.for %while3A_25 = %while3A_22 to %while3A_18 step %while3A_24  : i32 {
      %mul3A_26 = arith.constant 16 : i32
      %mul3A_27 = arith.muli %while3A_25, %mul3A_26 : i32
      %get3A = arith.index_cast %mul3A_27 : i32 to index
      %get3A_28 = tpu.vector_load %arg4[%get3A] {strides = array<i32>} : memref<10000xi32, #tpu.memory_space<vmem>>, vector<16xi32>,
      tpu.vector_store_idx %arg5[%get3A_28], %broadcast_in_dim3A_13 {add = true} : memref<10000xf32, #tpu.memory_space<vmem>>[vector<16xi32>], vector<16xf32>,
    }
    "tpu.region"() ({
      %run_scoped3A = tpu.sem_alloc : memref<!tpu.dma_semaphore, #tpu.memory_space<semaphore_mem>>
      %dma_start3A = arith.constant 0 : i32
      %dma_start3A_25 = tpu.memref_slice %arg3[%add3A, %dma_start3A] : memref<32x10000xf32, #tpu.memory_space<hbm>> -> memref<1x10000xf32, #tpu.memory_space<hbm>>
      %dma_start3A_26 = tpu.memref_squeeze %dma_start3A_25 : memref<1x10000xf32, #tpu.memory_space<hbm>> -> memref<10000xf32, #tpu.memory_space<hbm>>
      %dma_start3A_27 = arith.constant 0 : i32
      %dma_start3A_28 = tpu.memref_slice %arg3[%add3A, %dma_start3A_27] : memref<32x10000xf32, #tpu.memory_space<hbm>> -> memref<1x10000xf32, #tpu.memory_space<hbm>>
      %dma_start3A_29 = tpu.memref_squeeze %dma_start3A_28 : memref<1x10000xf32, #tpu.memory_space<hbm>> -> memref<10000xf32, #tpu.memory_space<hbm>>
      tpu.enqueue_dma source(%arg5 : memref<10000xf32, #tpu.memory_space<vmem>>) target(%dma_start3A_29 : memref<10000xf32, #tpu.memory_space<hbm>>) target_semaphore(%run_scoped3A : memref<!tpu.dma_semaphore, #tpu.memory_space<semaphore_mem>>)
      %dma_wait3A = arith.constant 0 : i32
      %dma_wait3A_30 = tpu.memref_slice %arg3[%add3A, %dma_wait3A] : memref<32x10000xf32, #tpu.memory_space<hbm>> -> memref<1x10000xf32, #tpu.memory_space<hbm>>
      %dma_wait3A_31 = tpu.memref_squeeze %dma_wait3A_30 : memref<1x10000xf32, #tpu.memory_space<hbm>> -> memref<10000xf32, #tpu.memory_space<hbm>>
      %dma_wait3A_32 = arith.constant 0 : i32
      %dma_wait3A_33 = tpu.memref_slice %arg3[%add3A, %dma_wait3A_32] : memref<32x10000xf32, #tpu.memory_space<hbm>> -> memref<1x10000xf32, #tpu.memory_space<hbm>>
      %dma_wait3A_34 = tpu.memref_squeeze %dma_wait3A_33 : memref<1x10000xf32, #tpu.memory_space<hbm>> -> memref<10000xf32, #tpu.memory_space<hbm>>
      tpu.wait_dma2 semaphore(%run_scoped3A : memref<!tpu.dma_semaphore, #tpu.memory_space<semaphore_mem>>) src(%arg5 : memref<10000xf32, #tpu.memory_space<vmem>>) dst(%dma_wait3A_34 : memref<10000xf32, #tpu.memory_space<hbm>>)
      tpu.yield
    }) : () -> ()
    return
  }
}

#map = affine_map<(d0, d1) -> (0, 0)>
#map1 = affine_map<(d0, d1) -> (0, 0, 0)>
module attributes {stable_mosaic.version = 14 : i64} {
  func.func @_agg_body(%arg0: i32, %arg1: i32, %arg2: memref<10000x128xf32, #tpu.memory_space<hbm>>, %arg3: memref<32x10112xi32, #tpu.memory_space<hbm>>, %arg4: memref<32x158x64xi32, #tpu.memory_space<hbm>>, %arg5: memref<2x10112x128xf32, #tpu.memory_space<hbm>>, %arg6: memref<10112xi32, #tpu.memory_space<vmem>>, %arg7: memref<158x64xi32, #tpu.memory_space<vmem>>, %arg8: memref<2x64x128xf32, #tpu.memory_space<vmem>>, %arg9: memref<10112x128xf32, #tpu.memory_space<vmem_shared>>, %arg10: memref<!tpu.dma_semaphore, #tpu.memory_space<semaphore_mem>>, %arg11: memref<!tpu.dma_semaphore, #tpu.memory_space<semaphore_mem>>) attributes {dimension_semantics = [#tpu.dimension_semantics<core_parallel>, #tpu.dimension_semantics<subcore_parallel>], iteration_bounds = array<i64: 2, 16>, scalar_prefetch = 0 : i64, scratch_operands = 6 : i64, tpu.core_type = #tpu.core_type<sc_vector_subcore>, window_params = [{transform_indices = #map}, {transform_indices = #map}, {transform_indices = #map1}, {transform_indices = #map1}]} {
    %mul3A = arith.constant 16 : i32
    %mul3A_0 = arith.muli %arg0, %mul3A : i32
    %add3A = arith.addi %mul3A_0, %arg1 : i32
    %broadcast_in_dim3A = arith.constant 0.000000e+00 : f32
    %broadcast_in_dim3A_1 = vector.broadcast %broadcast_in_dim3A : f32 to vector<16xf32>
    %while3A = arith.constant 0 : i32
    %while3A_2 = arith.constant 0 : i32
    %while3A_3 = arith.constant 64 : i32
    %while3A_4 = arith.subi %while3A_3, %while3A_2 : i32
    %while3A_5 = arith.addi %while3A_2, %while3A_4 : i32
    %while3A_6 = arith.constant 1 : i32
    %while3A_7 = arith.divsi %while3A_4, %while3A_6 : i32
    %while3A_8 = arith.muli %while3A_7, %while3A_6 : i32
    %while3A_9 = arith.addi %while3A_2, %while3A_8 : i32
    %while3A_10 = arith.constant 1 : i32
    scf.for %while3A_94 = %while3A_2 to %while3A_9 step %while3A_10  : i32 {
      %swap3A = arith.constant 0 : i32
      %swap3A_95 = arith.index_cast %swap3A : i32 to index
      %swap3A_96 = arith.index_cast %while3A_94 : i32 to index
      %swap3A_97 = arith.constant 0 : index
      %swap3A_98 = tpu.vector_load %arg8[%swap3A_95, %swap3A_96, %swap3A_97] {strides = array<i32>} : memref<2x64x128xf32, #tpu.memory_space<vmem>>, vector<1x1x16xf32>,
      %swap3A_99 = vector.shape_cast %swap3A_98 : vector<1x1x16xf32> to vector<16xf32>
      %swap3A_100 = vector.shape_cast %broadcast_in_dim3A_1 : vector<16xf32> to vector<1x1x16xf32>
      tpu.vector_store %arg8[%swap3A_95, %swap3A_96, %swap3A_97], %swap3A_100 {strides = array<i32>} : memref<2x64x128xf32, #tpu.memory_space<vmem>>, vector<1x1x16xf32>,
      %swap3A_101 = arith.constant 0 : i32
      %swap3A_102 = arith.index_cast %swap3A_101 : i32 to index
      %swap3A_103 = arith.index_cast %while3A_94 : i32 to index
      %swap3A_104 = arith.constant 16 : index
      %swap3A_105 = tpu.vector_load %arg8[%swap3A_102, %swap3A_103, %swap3A_104] {strides = array<i32>} : memref<2x64x128xf32, #tpu.memory_space<vmem>>, vector<1x1x16xf32>,
      %swap3A_106 = vector.shape_cast %swap3A_105 : vector<1x1x16xf32> to vector<16xf32>
      %swap3A_107 = vector.shape_cast %broadcast_in_dim3A_1 : vector<16xf32> to vector<1x1x16xf32>
      tpu.vector_store %arg8[%swap3A_102, %swap3A_103, %swap3A_104], %swap3A_107 {strides = array<i32>} : memref<2x64x128xf32, #tpu.memory_space<vmem>>, vector<1x1x16xf32>,
      %swap3A_108 = arith.constant 0 : i32
      %swap3A_109 = arith.index_cast %swap3A_108 : i32 to index
      %swap3A_110 = arith.index_cast %while3A_94 : i32 to index
      %swap3A_111 = arith.constant 32 : index
      %swap3A_112 = tpu.vector_load %arg8[%swap3A_109, %swap3A_110, %swap3A_111] {strides = array<i32>} : memref<2x64x128xf32, #tpu.memory_space<vmem>>, vector<1x1x16xf32>,
      %swap3A_113 = vector.shape_cast %swap3A_112 : vector<1x1x16xf32> to vector<16xf32>
      %swap3A_114 = vector.shape_cast %broadcast_in_dim3A_1 : vector<16xf32> to vector<1x1x16xf32>
      tpu.vector_store %arg8[%swap3A_109, %swap3A_110, %swap3A_111], %swap3A_114 {strides = array<i32>} : memref<2x64x128xf32, #tpu.memory_space<vmem>>, vector<1x1x16xf32>,
      %swap3A_115 = arith.constant 0 : i32
      %swap3A_116 = arith.index_cast %swap3A_115 : i32 to index
      %swap3A_117 = arith.index_cast %while3A_94 : i32 to index
      %swap3A_118 = arith.constant 48 : index
      %swap3A_119 = tpu.vector_load %arg8[%swap3A_116, %swap3A_117, %swap3A_118] {strides = array<i32>} : memref<2x64x128xf32, #tpu.memory_space<vmem>>, vector<1x1x16xf32>,
      %swap3A_120 = vector.shape_cast %swap3A_119 : vector<1x1x16xf32> to vector<16xf32>
      %swap3A_121 = vector.shape_cast %broadcast_in_dim3A_1 : vector<16xf32> to vector<1x1x16xf32>
      tpu.vector_store %arg8[%swap3A_116, %swap3A_117, %swap3A_118], %swap3A_121 {strides = array<i32>} : memref<2x64x128xf32, #tpu.memory_space<vmem>>, vector<1x1x16xf32>,
      %swap3A_122 = arith.constant 0 : i32
      %swap3A_123 = arith.index_cast %swap3A_122 : i32 to index
      %swap3A_124 = arith.index_cast %while3A_94 : i32 to index
      %swap3A_125 = arith.constant 64 : index
      %swap3A_126 = tpu.vector_load %arg8[%swap3A_123, %swap3A_124, %swap3A_125] {strides = array<i32>} : memref<2x64x128xf32, #tpu.memory_space<vmem>>, vector<1x1x16xf32>,
      %swap3A_127 = vector.shape_cast %swap3A_126 : vector<1x1x16xf32> to vector<16xf32>
      %swap3A_128 = vector.shape_cast %broadcast_in_dim3A_1 : vector<16xf32> to vector<1x1x16xf32>
      tpu.vector_store %arg8[%swap3A_123, %swap3A_124, %swap3A_125], %swap3A_128 {strides = array<i32>} : memref<2x64x128xf32, #tpu.memory_space<vmem>>, vector<1x1x16xf32>,
      %swap3A_129 = arith.constant 0 : i32
      %swap3A_130 = arith.index_cast %swap3A_129 : i32 to index
      %swap3A_131 = arith.index_cast %while3A_94 : i32 to index
      %swap3A_132 = arith.constant 80 : index
      %swap3A_133 = tpu.vector_load %arg8[%swap3A_130, %swap3A_131, %swap3A_132] {strides = array<i32>} : memref<2x64x128xf32, #tpu.memory_space<vmem>>, vector<1x1x16xf32>,
      %swap3A_134 = vector.shape_cast %swap3A_133 : vector<1x1x16xf32> to vector<16xf32>
      %swap3A_135 = vector.shape_cast %broadcast_in_dim3A_1 : vector<16xf32> to vector<1x1x16xf32>
      tpu.vector_store %arg8[%swap3A_130, %swap3A_131, %swap3A_132], %swap3A_135 {strides = array<i32>} : memref<2x64x128xf32, #tpu.memory_space<vmem>>, vector<1x1x16xf32>,
      %swap3A_136 = arith.constant 0 : i32
      %swap3A_137 = arith.index_cast %swap3A_136 : i32 to index
      %swap3A_138 = arith.index_cast %while3A_94 : i32 to index
      %swap3A_139 = arith.constant 96 : index
      %swap3A_140 = tpu.vector_load %arg8[%swap3A_137, %swap3A_138, %swap3A_139] {strides = array<i32>} : memref<2x64x128xf32, #tpu.memory_space<vmem>>, vector<1x1x16xf32>,
      %swap3A_141 = vector.shape_cast %swap3A_140 : vector<1x1x16xf32> to vector<16xf32>
      %swap3A_142 = vector.shape_cast %broadcast_in_dim3A_1 : vector<16xf32> to vector<1x1x16xf32>
      tpu.vector_store %arg8[%swap3A_137, %swap3A_138, %swap3A_139], %swap3A_142 {strides = array<i32>} : memref<2x64x128xf32, #tpu.memory_space<vmem>>, vector<1x1x16xf32>,
      %swap3A_143 = arith.constant 0 : i32
      %swap3A_144 = arith.index_cast %swap3A_143 : i32 to index
      %swap3A_145 = arith.index_cast %while3A_94 : i32 to index
      %swap3A_146 = arith.constant 112 : index
      %swap3A_147 = tpu.vector_load %arg8[%swap3A_144, %swap3A_145, %swap3A_146] {strides = array<i32>} : memref<2x64x128xf32, #tpu.memory_space<vmem>>, vector<1x1x16xf32>,
      %swap3A_148 = vector.shape_cast %swap3A_147 : vector<1x1x16xf32> to vector<16xf32>
      %swap3A_149 = vector.shape_cast %broadcast_in_dim3A_1 : vector<16xf32> to vector<1x1x16xf32>
      tpu.vector_store %arg8[%swap3A_144, %swap3A_145, %swap3A_146], %swap3A_149 {strides = array<i32>} : memref<2x64x128xf32, #tpu.memory_space<vmem>>, vector<1x1x16xf32>,
    }
    %while3A_11 = arith.constant 1 : i32
    scf.for %while3A_94 = %while3A_9 to %while3A_5 step %while3A_11  : i32 {
      %swap3A = arith.constant 0 : i32
      %swap3A_95 = arith.index_cast %swap3A : i32 to index
      %swap3A_96 = arith.index_cast %while3A_94 : i32 to index
      %swap3A_97 = arith.constant 0 : index
      %swap3A_98 = tpu.vector_load %arg8[%swap3A_95, %swap3A_96, %swap3A_97] {strides = array<i32>} : memref<2x64x128xf32, #tpu.memory_space<vmem>>, vector<1x1x16xf32>,
      %swap3A_99 = vector.shape_cast %swap3A_98 : vector<1x1x16xf32> to vector<16xf32>
      %swap3A_100 = vector.shape_cast %broadcast_in_dim3A_1 : vector<16xf32> to vector<1x1x16xf32>
      tpu.vector_store %arg8[%swap3A_95, %swap3A_96, %swap3A_97], %swap3A_100 {strides = array<i32>} : memref<2x64x128xf32, #tpu.memory_space<vmem>>, vector<1x1x16xf32>,
      %swap3A_101 = arith.constant 0 : i32
      %swap3A_102 = arith.index_cast %swap3A_101 : i32 to index
      %swap3A_103 = arith.index_cast %while3A_94 : i32 to index
      %swap3A_104 = arith.constant 16 : index
      %swap3A_105 = tpu.vector_load %arg8[%swap3A_102, %swap3A_103, %swap3A_104] {strides = array<i32>} : memref<2x64x128xf32, #tpu.memory_space<vmem>>, vector<1x1x16xf32>,
      %swap3A_106 = vector.shape_cast %swap3A_105 : vector<1x1x16xf32> to vector<16xf32>
      %swap3A_107 = vector.shape_cast %broadcast_in_dim3A_1 : vector<16xf32> to vector<1x1x16xf32>
      tpu.vector_store %arg8[%swap3A_102, %swap3A_103, %swap3A_104], %swap3A_107 {strides = array<i32>} : memref<2x64x128xf32, #tpu.memory_space<vmem>>, vector<1x1x16xf32>,
      %swap3A_108 = arith.constant 0 : i32
      %swap3A_109 = arith.index_cast %swap3A_108 : i32 to index
      %swap3A_110 = arith.index_cast %while3A_94 : i32 to index
      %swap3A_111 = arith.constant 32 : index
      %swap3A_112 = tpu.vector_load %arg8[%swap3A_109, %swap3A_110, %swap3A_111] {strides = array<i32>} : memref<2x64x128xf32, #tpu.memory_space<vmem>>, vector<1x1x16xf32>,
      %swap3A_113 = vector.shape_cast %swap3A_112 : vector<1x1x16xf32> to vector<16xf32>
      %swap3A_114 = vector.shape_cast %broadcast_in_dim3A_1 : vector<16xf32> to vector<1x1x16xf32>
      tpu.vector_store %arg8[%swap3A_109, %swap3A_110, %swap3A_111], %swap3A_114 {strides = array<i32>} : memref<2x64x128xf32, #tpu.memory_space<vmem>>, vector<1x1x16xf32>,
      %swap3A_115 = arith.constant 0 : i32
      %swap3A_116 = arith.index_cast %swap3A_115 : i32 to index
      %swap3A_117 = arith.index_cast %while3A_94 : i32 to index
      %swap3A_118 = arith.constant 48 : index
      %swap3A_119 = tpu.vector_load %arg8[%swap3A_116, %swap3A_117, %swap3A_118] {strides = array<i32>} : memref<2x64x128xf32, #tpu.memory_space<vmem>>, vector<1x1x16xf32>,
      %swap3A_120 = vector.shape_cast %swap3A_119 : vector<1x1x16xf32> to vector<16xf32>
      %swap3A_121 = vector.shape_cast %broadcast_in_dim3A_1 : vector<16xf32> to vector<1x1x16xf32>
      tpu.vector_store %arg8[%swap3A_116, %swap3A_117, %swap3A_118], %swap3A_121 {strides = array<i32>} : memref<2x64x128xf32, #tpu.memory_space<vmem>>, vector<1x1x16xf32>,
      %swap3A_122 = arith.constant 0 : i32
      %swap3A_123 = arith.index_cast %swap3A_122 : i32 to index
      %swap3A_124 = arith.index_cast %while3A_94 : i32 to index
      %swap3A_125 = arith.constant 64 : index
      %swap3A_126 = tpu.vector_load %arg8[%swap3A_123, %swap3A_124, %swap3A_125] {strides = array<i32>} : memref<2x64x128xf32, #tpu.memory_space<vmem>>, vector<1x1x16xf32>,
      %swap3A_127 = vector.shape_cast %swap3A_126 : vector<1x1x16xf32> to vector<16xf32>
      %swap3A_128 = vector.shape_cast %broadcast_in_dim3A_1 : vector<16xf32> to vector<1x1x16xf32>
      tpu.vector_store %arg8[%swap3A_123, %swap3A_124, %swap3A_125], %swap3A_128 {strides = array<i32>} : memref<2x64x128xf32, #tpu.memory_space<vmem>>, vector<1x1x16xf32>,
      %swap3A_129 = arith.constant 0 : i32
      %swap3A_130 = arith.index_cast %swap3A_129 : i32 to index
      %swap3A_131 = arith.index_cast %while3A_94 : i32 to index
      %swap3A_132 = arith.constant 80 : index
      %swap3A_133 = tpu.vector_load %arg8[%swap3A_130, %swap3A_131, %swap3A_132] {strides = array<i32>} : memref<2x64x128xf32, #tpu.memory_space<vmem>>, vector<1x1x16xf32>,
      %swap3A_134 = vector.shape_cast %swap3A_133 : vector<1x1x16xf32> to vector<16xf32>
      %swap3A_135 = vector.shape_cast %broadcast_in_dim3A_1 : vector<16xf32> to vector<1x1x16xf32>
      tpu.vector_store %arg8[%swap3A_130, %swap3A_131, %swap3A_132], %swap3A_135 {strides = array<i32>} : memref<2x64x128xf32, #tpu.memory_space<vmem>>, vector<1x1x16xf32>,
      %swap3A_136 = arith.constant 0 : i32
      %swap3A_137 = arith.index_cast %swap3A_136 : i32 to index
      %swap3A_138 = arith.index_cast %while3A_94 : i32 to index
      %swap3A_139 = arith.constant 96 : index
      %swap3A_140 = tpu.vector_load %arg8[%swap3A_137, %swap3A_138, %swap3A_139] {strides = array<i32>} : memref<2x64x128xf32, #tpu.memory_space<vmem>>, vector<1x1x16xf32>,
      %swap3A_141 = vector.shape_cast %swap3A_140 : vector<1x1x16xf32> to vector<16xf32>
      %swap3A_142 = vector.shape_cast %broadcast_in_dim3A_1 : vector<16xf32> to vector<1x1x16xf32>
      tpu.vector_store %arg8[%swap3A_137, %swap3A_138, %swap3A_139], %swap3A_142 {strides = array<i32>} : memref<2x64x128xf32, #tpu.memory_space<vmem>>, vector<1x1x16xf32>,
      %swap3A_143 = arith.constant 0 : i32
      %swap3A_144 = arith.index_cast %swap3A_143 : i32 to index
      %swap3A_145 = arith.index_cast %while3A_94 : i32 to index
      %swap3A_146 = arith.constant 112 : index
      %swap3A_147 = tpu.vector_load %arg8[%swap3A_144, %swap3A_145, %swap3A_146] {strides = array<i32>} : memref<2x64x128xf32, #tpu.memory_space<vmem>>, vector<1x1x16xf32>,
      %swap3A_148 = vector.shape_cast %swap3A_147 : vector<1x1x16xf32> to vector<16xf32>
      %swap3A_149 = vector.shape_cast %broadcast_in_dim3A_1 : vector<16xf32> to vector<1x1x16xf32>
      tpu.vector_store %arg8[%swap3A_144, %swap3A_145, %swap3A_146], %swap3A_149 {strides = array<i32>} : memref<2x64x128xf32, #tpu.memory_space<vmem>>, vector<1x1x16xf32>,
    }
    %mul3A_12 = arith.constant 632 : i32
    %mul3A_13 = arith.muli %arg1, %mul3A_12 : i32
    %add3A_14 = arith.constant 0 : i32
    %add3A_15 = arith.addi %mul3A_13, %add3A_14 : i32
    %run_scoped3A = arith.constant 0 : i32
    "tpu.region"() ({
      %run_scoped3A_94 = tpu.sem_alloc : memref<!tpu.dma_semaphore, #tpu.memory_space<semaphore_mem>>
      %dma_start3A_95 = arith.constant 0 : i32
      %dma_start3A_96 = arith.constant 0 : i32
      %dma_start3A_97 = tpu.memref_slice %arg8[%run_scoped3A, %dma_start3A_95, %dma_start3A_96] : memref<2x64x128xf32, #tpu.memory_space<vmem>> -> memref<1x64x128xf32, #tpu.memory_space<vmem>>
      %dma_start3A_98 = tpu.memref_squeeze %dma_start3A_97 : memref<1x64x128xf32, #tpu.memory_space<vmem>> -> memref<64x128xf32, #tpu.memory_space<vmem>>
      %dma_start3A_99 = arith.constant 0 : i32
      %dma_start3A_100 = tpu.memref_slice %arg9[%add3A_15, %dma_start3A_99] : memref<10112x128xf32, #tpu.memory_space<vmem_shared>> -> memref<64x128xf32, #tpu.memory_space<vmem_shared>>
      %dma_start3A_101 = arith.constant 0 : i32
      %dma_start3A_102 = tpu.memref_slice %arg9[%add3A_15, %dma_start3A_101] : memref<10112x128xf32, #tpu.memory_space<vmem_shared>> -> memref<64x128xf32, #tpu.memory_space<vmem_shared>>
      %dma_start3A_103 = arith.constant 0 : i32
      %dma_start3A_104 = arith.constant 0 : i32
      %dma_start3A_105 = tpu.memref_slice %arg8[%run_scoped3A, %dma_start3A_103, %dma_start3A_104] : memref<2x64x128xf32, #tpu.memory_space<vmem>> -> memref<1x64x128xf32, #tpu.memory_space<vmem>>
      %dma_start3A_106 = tpu.memref_squeeze %dma_start3A_105 : memref<1x64x128xf32, #tpu.memory_space<vmem>> -> memref<64x128xf32, #tpu.memory_space<vmem>>
      tpu.enqueue_dma source(%dma_start3A_106 : memref<64x128xf32, #tpu.memory_space<vmem>>) target(%dma_start3A_102 : memref<64x128xf32, #tpu.memory_space<vmem_shared>>) target_semaphore(%run_scoped3A_94 : memref<!tpu.dma_semaphore, #tpu.memory_space<semaphore_mem>>)
      %dma_wait3A = arith.constant 0 : i32
      %dma_wait3A_107 = arith.constant 0 : i32
      %dma_wait3A_108 = tpu.memref_slice %arg8[%run_scoped3A, %dma_wait3A, %dma_wait3A_107] : memref<2x64x128xf32, #tpu.memory_space<vmem>> -> memref<1x64x128xf32, #tpu.memory_space<vmem>>
      %dma_wait3A_109 = tpu.memref_squeeze %dma_wait3A_108 : memref<1x64x128xf32, #tpu.memory_space<vmem>> -> memref<64x128xf32, #tpu.memory_space<vmem>>
      %dma_wait3A_110 = arith.constant 0 : i32
      %dma_wait3A_111 = tpu.memref_slice %arg9[%add3A_15, %dma_wait3A_110] : memref<10112x128xf32, #tpu.memory_space<vmem_shared>> -> memref<64x128xf32, #tpu.memory_space<vmem_shared>>
      %dma_wait3A_112 = arith.constant 0 : i32
      %dma_wait3A_113 = tpu.memref_slice %arg9[%add3A_15, %dma_wait3A_112] : memref<10112x128xf32, #tpu.memory_space<vmem_shared>> -> memref<64x128xf32, #tpu.memory_space<vmem_shared>>
      %dma_wait3A_114 = arith.constant 0 : i32
      %dma_wait3A_115 = arith.constant 0 : i32
      %dma_wait3A_116 = tpu.memref_slice %arg8[%run_scoped3A, %dma_wait3A_114, %dma_wait3A_115] : memref<2x64x128xf32, #tpu.memory_space<vmem>> -> memref<1x64x128xf32, #tpu.memory_space<vmem>>
      %dma_wait3A_117 = tpu.memref_squeeze %dma_wait3A_116 : memref<1x64x128xf32, #tpu.memory_space<vmem>> -> memref<64x128xf32, #tpu.memory_space<vmem>>
      tpu.wait_dma2 semaphore(%run_scoped3A_94 : memref<!tpu.dma_semaphore, #tpu.memory_space<semaphore_mem>>) src(%dma_wait3A_117 : memref<64x128xf32, #tpu.memory_space<vmem>>) dst(%dma_wait3A_113 : memref<64x128xf32, #tpu.memory_space<vmem_shared>>)
      tpu.yield
    }) : () -> ()
    %mul3A_16 = arith.constant 632 : i32
    %mul3A_17 = arith.muli %arg1, %mul3A_16 : i32
    %add3A_18 = arith.constant 64 : i32
    %add3A_19 = arith.addi %mul3A_17, %add3A_18 : i32
    %run_scoped3A_20 = arith.constant 0 : i32
    "tpu.region"() ({
      %run_scoped3A_94 = tpu.sem_alloc : memref<!tpu.dma_semaphore, #tpu.memory_space<semaphore_mem>>
      %dma_start3A_95 = arith.constant 0 : i32
      %dma_start3A_96 = arith.constant 0 : i32
      %dma_start3A_97 = tpu.memref_slice %arg8[%run_scoped3A_20, %dma_start3A_95, %dma_start3A_96] : memref<2x64x128xf32, #tpu.memory_space<vmem>> -> memref<1x64x128xf32, #tpu.memory_space<vmem>>
      %dma_start3A_98 = tpu.memref_squeeze %dma_start3A_97 : memref<1x64x128xf32, #tpu.memory_space<vmem>> -> memref<64x128xf32, #tpu.memory_space<vmem>>
      %dma_start3A_99 = arith.constant 0 : i32
      %dma_start3A_100 = tpu.memref_slice %arg9[%add3A_19, %dma_start3A_99] : memref<10112x128xf32, #tpu.memory_space<vmem_shared>> -> memref<64x128xf32, #tpu.memory_space<vmem_shared>>
      %dma_start3A_101 = arith.constant 0 : i32
      %dma_start3A_102 = tpu.memref_slice %arg9[%add3A_19, %dma_start3A_101] : memref<10112x128xf32, #tpu.memory_space<vmem_shared>> -> memref<64x128xf32, #tpu.memory_space<vmem_shared>>
      %dma_start3A_103 = arith.constant 0 : i32
      %dma_start3A_104 = arith.constant 0 : i32
      %dma_start3A_105 = tpu.memref_slice %arg8[%run_scoped3A_20, %dma_start3A_103, %dma_start3A_104] : memref<2x64x128xf32, #tpu.memory_space<vmem>> -> memref<1x64x128xf32, #tpu.memory_space<vmem>>
      %dma_start3A_106 = tpu.memref_squeeze %dma_start3A_105 : memref<1x64x128xf32, #tpu.memory_space<vmem>> -> memref<64x128xf32, #tpu.memory_space<vmem>>
      tpu.enqueue_dma source(%dma_start3A_106 : memref<64x128xf32, #tpu.memory_space<vmem>>) target(%dma_start3A_102 : memref<64x128xf32, #tpu.memory_space<vmem_shared>>) target_semaphore(%run_scoped3A_94 : memref<!tpu.dma_semaphore, #tpu.memory_space<semaphore_mem>>)
      %dma_wait3A = arith.constant 0 : i32
      %dma_wait3A_107 = arith.constant 0 : i32
      %dma_wait3A_108 = tpu.memref_slice %arg8[%run_scoped3A_20, %dma_wait3A, %dma_wait3A_107] : memref<2x64x128xf32, #tpu.memory_space<vmem>> -> memref<1x64x128xf32, #tpu.memory_space<vmem>>
      %dma_wait3A_109 = tpu.memref_squeeze %dma_wait3A_108 : memref<1x64x128xf32, #tpu.memory_space<vmem>> -> memref<64x128xf32, #tpu.memory_space<vmem>>
      %dma_wait3A_110 = arith.constant 0 : i32
      %dma_wait3A_111 = tpu.memref_slice %arg9[%add3A_19, %dma_wait3A_110] : memref<10112x128xf32, #tpu.memory_space<vmem_shared>> -> memref<64x128xf32, #tpu.memory_space<vmem_shared>>
      %dma_wait3A_112 = arith.constant 0 : i32
      %dma_wait3A_113 = tpu.memref_slice %arg9[%add3A_19, %dma_wait3A_112] : memref<10112x128xf32, #tpu.memory_space<vmem_shared>> -> memref<64x128xf32, #tpu.memory_space<vmem_shared>>
      %dma_wait3A_114 = arith.constant 0 : i32
      %dma_wait3A_115 = arith.constant 0 : i32
      %dma_wait3A_116 = tpu.memref_slice %arg8[%run_scoped3A_20, %dma_wait3A_114, %dma_wait3A_115] : memref<2x64x128xf32, #tpu.memory_space<vmem>> -> memref<1x64x128xf32, #tpu.memory_space<vmem>>
      %dma_wait3A_117 = tpu.memref_squeeze %dma_wait3A_116 : memref<1x64x128xf32, #tpu.memory_space<vmem>> -> memref<64x128xf32, #tpu.memory_space<vmem>>
      tpu.wait_dma2 semaphore(%run_scoped3A_94 : memref<!tpu.dma_semaphore, #tpu.memory_space<semaphore_mem>>) src(%dma_wait3A_117 : memref<64x128xf32, #tpu.memory_space<vmem>>) dst(%dma_wait3A_113 : memref<64x128xf32, #tpu.memory_space<vmem_shared>>)
      tpu.yield
    }) : () -> ()
    %mul3A_21 = arith.constant 632 : i32
    %mul3A_22 = arith.muli %arg1, %mul3A_21 : i32
    %add3A_23 = arith.constant 128 : i32
    %add3A_24 = arith.addi %mul3A_22, %add3A_23 : i32
    %run_scoped3A_25 = arith.constant 0 : i32
    "tpu.region"() ({
      %run_scoped3A_94 = tpu.sem_alloc : memref<!tpu.dma_semaphore, #tpu.memory_space<semaphore_mem>>
      %dma_start3A_95 = arith.constant 0 : i32
      %dma_start3A_96 = arith.constant 0 : i32
      %dma_start3A_97 = tpu.memref_slice %arg8[%run_scoped3A_25, %dma_start3A_95, %dma_start3A_96] : memref<2x64x128xf32, #tpu.memory_space<vmem>> -> memref<1x64x128xf32, #tpu.memory_space<vmem>>
      %dma_start3A_98 = tpu.memref_squeeze %dma_start3A_97 : memref<1x64x128xf32, #tpu.memory_space<vmem>> -> memref<64x128xf32, #tpu.memory_space<vmem>>
      %dma_start3A_99 = arith.constant 0 : i32
      %dma_start3A_100 = tpu.memref_slice %arg9[%add3A_24, %dma_start3A_99] : memref<10112x128xf32, #tpu.memory_space<vmem_shared>> -> memref<64x128xf32, #tpu.memory_space<vmem_shared>>
      %dma_start3A_101 = arith.constant 0 : i32
      %dma_start3A_102 = tpu.memref_slice %arg9[%add3A_24, %dma_start3A_101] : memref<10112x128xf32, #tpu.memory_space<vmem_shared>> -> memref<64x128xf32, #tpu.memory_space<vmem_shared>>
      %dma_start3A_103 = arith.constant 0 : i32
      %dma_start3A_104 = arith.constant 0 : i32
      %dma_start3A_105 = tpu.memref_slice %arg8[%run_scoped3A_25, %dma_start3A_103, %dma_start3A_104] : memref<2x64x128xf32, #tpu.memory_space<vmem>> -> memref<1x64x128xf32, #tpu.memory_space<vmem>>
      %dma_start3A_106 = tpu.memref_squeeze %dma_start3A_105 : memref<1x64x128xf32, #tpu.memory_space<vmem>> -> memref<64x128xf32, #tpu.memory_space<vmem>>
      tpu.enqueue_dma source(%dma_start3A_106 : memref<64x128xf32, #tpu.memory_space<vmem>>) target(%dma_start3A_102 : memref<64x128xf32, #tpu.memory_space<vmem_shared>>) target_semaphore(%run_scoped3A_94 : memref<!tpu.dma_semaphore, #tpu.memory_space<semaphore_mem>>)
      %dma_wait3A = arith.constant 0 : i32
      %dma_wait3A_107 = arith.constant 0 : i32
      %dma_wait3A_108 = tpu.memref_slice %arg8[%run_scoped3A_25, %dma_wait3A, %dma_wait3A_107] : memref<2x64x128xf32, #tpu.memory_space<vmem>> -> memref<1x64x128xf32, #tpu.memory_space<vmem>>
      %dma_wait3A_109 = tpu.memref_squeeze %dma_wait3A_108 : memref<1x64x128xf32, #tpu.memory_space<vmem>> -> memref<64x128xf32, #tpu.memory_space<vmem>>
      %dma_wait3A_110 = arith.constant 0 : i32
      %dma_wait3A_111 = tpu.memref_slice %arg9[%add3A_24, %dma_wait3A_110] : memref<10112x128xf32, #tpu.memory_space<vmem_shared>> -> memref<64x128xf32, #tpu.memory_space<vmem_shared>>
      %dma_wait3A_112 = arith.constant 0 : i32
      %dma_wait3A_113 = tpu.memref_slice %arg9[%add3A_24, %dma_wait3A_112] : memref<10112x128xf32, #tpu.memory_space<vmem_shared>> -> memref<64x128xf32, #tpu.memory_space<vmem_shared>>
      %dma_wait3A_114 = arith.constant 0 : i32
      %dma_wait3A_115 = arith.constant 0 : i32
      %dma_wait3A_116 = tpu.memref_slice %arg8[%run_scoped3A_25, %dma_wait3A_114, %dma_wait3A_115] : memref<2x64x128xf32, #tpu.memory_space<vmem>> -> memref<1x64x128xf32, #tpu.memory_space<vmem>>
      %dma_wait3A_117 = tpu.memref_squeeze %dma_wait3A_116 : memref<1x64x128xf32, #tpu.memory_space<vmem>> -> memref<64x128xf32, #tpu.memory_space<vmem>>
      tpu.wait_dma2 semaphore(%run_scoped3A_94 : memref<!tpu.dma_semaphore, #tpu.memory_space<semaphore_mem>>) src(%dma_wait3A_117 : memref<64x128xf32, #tpu.memory_space<vmem>>) dst(%dma_wait3A_113 : memref<64x128xf32, #tpu.memory_space<vmem_shared>>)
      tpu.yield
    }) : () -> ()
    %mul3A_26 = arith.constant 632 : i32
    %mul3A_27 = arith.muli %arg1, %mul3A_26 : i32
    %add3A_28 = arith.constant 192 : i32
    %add3A_29 = arith.addi %mul3A_27, %add3A_28 : i32
    %run_scoped3A_30 = arith.constant 0 : i32
    "tpu.region"() ({
      %run_scoped3A_94 = tpu.sem_alloc : memref<!tpu.dma_semaphore, #tpu.memory_space<semaphore_mem>>
      %dma_start3A_95 = arith.constant 0 : i32
      %dma_start3A_96 = arith.constant 0 : i32
      %dma_start3A_97 = tpu.memref_slice %arg8[%run_scoped3A_30, %dma_start3A_95, %dma_start3A_96] : memref<2x64x128xf32, #tpu.memory_space<vmem>> -> memref<1x64x128xf32, #tpu.memory_space<vmem>>
      %dma_start3A_98 = tpu.memref_squeeze %dma_start3A_97 : memref<1x64x128xf32, #tpu.memory_space<vmem>> -> memref<64x128xf32, #tpu.memory_space<vmem>>
      %dma_start3A_99 = arith.constant 0 : i32
      %dma_start3A_100 = tpu.memref_slice %arg9[%add3A_29, %dma_start3A_99] : memref<10112x128xf32, #tpu.memory_space<vmem_shared>> -> memref<64x128xf32, #tpu.memory_space<vmem_shared>>
      %dma_start3A_101 = arith.constant 0 : i32
      %dma_start3A_102 = tpu.memref_slice %arg9[%add3A_29, %dma_start3A_101] : memref<10112x128xf32, #tpu.memory_space<vmem_shared>> -> memref<64x128xf32, #tpu.memory_space<vmem_shared>>
      %dma_start3A_103 = arith.constant 0 : i32
      %dma_start3A_104 = arith.constant 0 : i32
      %dma_start3A_105 = tpu.memref_slice %arg8[%run_scoped3A_30, %dma_start3A_103, %dma_start3A_104] : memref<2x64x128xf32, #tpu.memory_space<vmem>> -> memref<1x64x128xf32, #tpu.memory_space<vmem>>
      %dma_start3A_106 = tpu.memref_squeeze %dma_start3A_105 : memref<1x64x128xf32, #tpu.memory_space<vmem>> -> memref<64x128xf32, #tpu.memory_space<vmem>>
      tpu.enqueue_dma source(%dma_start3A_106 : memref<64x128xf32, #tpu.memory_space<vmem>>) target(%dma_start3A_102 : memref<64x128xf32, #tpu.memory_space<vmem_shared>>) target_semaphore(%run_scoped3A_94 : memref<!tpu.dma_semaphore, #tpu.memory_space<semaphore_mem>>)
      %dma_wait3A = arith.constant 0 : i32
      %dma_wait3A_107 = arith.constant 0 : i32
      %dma_wait3A_108 = tpu.memref_slice %arg8[%run_scoped3A_30, %dma_wait3A, %dma_wait3A_107] : memref<2x64x128xf32, #tpu.memory_space<vmem>> -> memref<1x64x128xf32, #tpu.memory_space<vmem>>
      %dma_wait3A_109 = tpu.memref_squeeze %dma_wait3A_108 : memref<1x64x128xf32, #tpu.memory_space<vmem>> -> memref<64x128xf32, #tpu.memory_space<vmem>>
      %dma_wait3A_110 = arith.constant 0 : i32
      %dma_wait3A_111 = tpu.memref_slice %arg9[%add3A_29, %dma_wait3A_110] : memref<10112x128xf32, #tpu.memory_space<vmem_shared>> -> memref<64x128xf32, #tpu.memory_space<vmem_shared>>
      %dma_wait3A_112 = arith.constant 0 : i32
      %dma_wait3A_113 = tpu.memref_slice %arg9[%add3A_29, %dma_wait3A_112] : memref<10112x128xf32, #tpu.memory_space<vmem_shared>> -> memref<64x128xf32, #tpu.memory_space<vmem_shared>>
      %dma_wait3A_114 = arith.constant 0 : i32
      %dma_wait3A_115 = arith.constant 0 : i32
      %dma_wait3A_116 = tpu.memref_slice %arg8[%run_scoped3A_30, %dma_wait3A_114, %dma_wait3A_115] : memref<2x64x128xf32, #tpu.memory_space<vmem>> -> memref<1x64x128xf32, #tpu.memory_space<vmem>>
      %dma_wait3A_117 = tpu.memref_squeeze %dma_wait3A_116 : memref<1x64x128xf32, #tpu.memory_space<vmem>> -> memref<64x128xf32, #tpu.memory_space<vmem>>
      tpu.wait_dma2 semaphore(%run_scoped3A_94 : memref<!tpu.dma_semaphore, #tpu.memory_space<semaphore_mem>>) src(%dma_wait3A_117 : memref<64x128xf32, #tpu.memory_space<vmem>>) dst(%dma_wait3A_113 : memref<64x128xf32, #tpu.memory_space<vmem_shared>>)
      tpu.yield
    }) : () -> ()
    %mul3A_31 = arith.constant 632 : i32
    %mul3A_32 = arith.muli %arg1, %mul3A_31 : i32
    %add3A_33 = arith.constant 256 : i32
    %add3A_34 = arith.addi %mul3A_32, %add3A_33 : i32
    %run_scoped3A_35 = arith.constant 0 : i32
    "tpu.region"() ({
      %run_scoped3A_94 = tpu.sem_alloc : memref<!tpu.dma_semaphore, #tpu.memory_space<semaphore_mem>>
      %dma_start3A_95 = arith.constant 0 : i32
      %dma_start3A_96 = arith.constant 0 : i32
      %dma_start3A_97 = tpu.memref_slice %arg8[%run_scoped3A_35, %dma_start3A_95, %dma_start3A_96] : memref<2x64x128xf32, #tpu.memory_space<vmem>> -> memref<1x64x128xf32, #tpu.memory_space<vmem>>
      %dma_start3A_98 = tpu.memref_squeeze %dma_start3A_97 : memref<1x64x128xf32, #tpu.memory_space<vmem>> -> memref<64x128xf32, #tpu.memory_space<vmem>>
      %dma_start3A_99 = arith.constant 0 : i32
      %dma_start3A_100 = tpu.memref_slice %arg9[%add3A_34, %dma_start3A_99] : memref<10112x128xf32, #tpu.memory_space<vmem_shared>> -> memref<64x128xf32, #tpu.memory_space<vmem_shared>>
      %dma_start3A_101 = arith.constant 0 : i32
      %dma_start3A_102 = tpu.memref_slice %arg9[%add3A_34, %dma_start3A_101] : memref<10112x128xf32, #tpu.memory_space<vmem_shared>> -> memref<64x128xf32, #tpu.memory_space<vmem_shared>>
      %dma_start3A_103 = arith.constant 0 : i32
      %dma_start3A_104 = arith.constant 0 : i32
      %dma_start3A_105 = tpu.memref_slice %arg8[%run_scoped3A_35, %dma_start3A_103, %dma_start3A_104] : memref<2x64x128xf32, #tpu.memory_space<vmem>> -> memref<1x64x128xf32, #tpu.memory_space<vmem>>
      %dma_start3A_106 = tpu.memref_squeeze %dma_start3A_105 : memref<1x64x128xf32, #tpu.memory_space<vmem>> -> memref<64x128xf32, #tpu.memory_space<vmem>>
      tpu.enqueue_dma source(%dma_start3A_106 : memref<64x128xf32, #tpu.memory_space<vmem>>) target(%dma_start3A_102 : memref<64x128xf32, #tpu.memory_space<vmem_shared>>) target_semaphore(%run_scoped3A_94 : memref<!tpu.dma_semaphore, #tpu.memory_space<semaphore_mem>>)
      %dma_wait3A = arith.constant 0 : i32
      %dma_wait3A_107 = arith.constant 0 : i32
      %dma_wait3A_108 = tpu.memref_slice %arg8[%run_scoped3A_35, %dma_wait3A, %dma_wait3A_107] : memref<2x64x128xf32, #tpu.memory_space<vmem>> -> memref<1x64x128xf32, #tpu.memory_space<vmem>>
      %dma_wait3A_109 = tpu.memref_squeeze %dma_wait3A_108 : memref<1x64x128xf32, #tpu.memory_space<vmem>> -> memref<64x128xf32, #tpu.memory_space<vmem>>
      %dma_wait3A_110 = arith.constant 0 : i32
      %dma_wait3A_111 = tpu.memref_slice %arg9[%add3A_34, %dma_wait3A_110] : memref<10112x128xf32, #tpu.memory_space<vmem_shared>> -> memref<64x128xf32, #tpu.memory_space<vmem_shared>>
      %dma_wait3A_112 = arith.constant 0 : i32
      %dma_wait3A_113 = tpu.memref_slice %arg9[%add3A_34, %dma_wait3A_112] : memref<10112x128xf32, #tpu.memory_space<vmem_shared>> -> memref<64x128xf32, #tpu.memory_space<vmem_shared>>
      %dma_wait3A_114 = arith.constant 0 : i32
      %dma_wait3A_115 = arith.constant 0 : i32
      %dma_wait3A_116 = tpu.memref_slice %arg8[%run_scoped3A_35, %dma_wait3A_114, %dma_wait3A_115] : memref<2x64x128xf32, #tpu.memory_space<vmem>> -> memref<1x64x128xf32, #tpu.memory_space<vmem>>
      %dma_wait3A_117 = tpu.memref_squeeze %dma_wait3A_116 : memref<1x64x128xf32, #tpu.memory_space<vmem>> -> memref<64x128xf32, #tpu.memory_space<vmem>>
      tpu.wait_dma2 semaphore(%run_scoped3A_94 : memref<!tpu.dma_semaphore, #tpu.memory_space<semaphore_mem>>) src(%dma_wait3A_117 : memref<64x128xf32, #tpu.memory_space<vmem>>) dst(%dma_wait3A_113 : memref<64x128xf32, #tpu.memory_space<vmem_shared>>)
      tpu.yield
    }) : () -> ()
    %mul3A_36 = arith.constant 632 : i32
    %mul3A_37 = arith.muli %arg1, %mul3A_36 : i32
    %add3A_38 = arith.constant 320 : i32
    %add3A_39 = arith.addi %mul3A_37, %add3A_38 : i32
    %run_scoped3A_40 = arith.constant 0 : i32
    "tpu.region"() ({
      %run_scoped3A_94 = tpu.sem_alloc : memref<!tpu.dma_semaphore, #tpu.memory_space<semaphore_mem>>
      %dma_start3A_95 = arith.constant 0 : i32
      %dma_start3A_96 = arith.constant 0 : i32
      %dma_start3A_97 = tpu.memref_slice %arg8[%run_scoped3A_40, %dma_start3A_95, %dma_start3A_96] : memref<2x64x128xf32, #tpu.memory_space<vmem>> -> memref<1x64x128xf32, #tpu.memory_space<vmem>>
      %dma_start3A_98 = tpu.memref_squeeze %dma_start3A_97 : memref<1x64x128xf32, #tpu.memory_space<vmem>> -> memref<64x128xf32, #tpu.memory_space<vmem>>
      %dma_start3A_99 = arith.constant 0 : i32
      %dma_start3A_100 = tpu.memref_slice %arg9[%add3A_39, %dma_start3A_99] : memref<10112x128xf32, #tpu.memory_space<vmem_shared>> -> memref<64x128xf32, #tpu.memory_space<vmem_shared>>
      %dma_start3A_101 = arith.constant 0 : i32
      %dma_start3A_102 = tpu.memref_slice %arg9[%add3A_39, %dma_start3A_101] : memref<10112x128xf32, #tpu.memory_space<vmem_shared>> -> memref<64x128xf32, #tpu.memory_space<vmem_shared>>
      %dma_start3A_103 = arith.constant 0 : i32
      %dma_start3A_104 = arith.constant 0 : i32
      %dma_start3A_105 = tpu.memref_slice %arg8[%run_scoped3A_40, %dma_start3A_103, %dma_start3A_104] : memref<2x64x128xf32, #tpu.memory_space<vmem>> -> memref<1x64x128xf32, #tpu.memory_space<vmem>>
      %dma_start3A_106 = tpu.memref_squeeze %dma_start3A_105 : memref<1x64x128xf32, #tpu.memory_space<vmem>> -> memref<64x128xf32, #tpu.memory_space<vmem>>
      tpu.enqueue_dma source(%dma_start3A_106 : memref<64x128xf32, #tpu.memory_space<vmem>>) target(%dma_start3A_102 : memref<64x128xf32, #tpu.memory_space<vmem_shared>>) target_semaphore(%run_scoped3A_94 : memref<!tpu.dma_semaphore, #tpu.memory_space<semaphore_mem>>)
      %dma_wait3A = arith.constant 0 : i32
      %dma_wait3A_107 = arith.constant 0 : i32
      %dma_wait3A_108 = tpu.memref_slice %arg8[%run_scoped3A_40, %dma_wait3A, %dma_wait3A_107] : memref<2x64x128xf32, #tpu.memory_space<vmem>> -> memref<1x64x128xf32, #tpu.memory_space<vmem>>
      %dma_wait3A_109 = tpu.memref_squeeze %dma_wait3A_108 : memref<1x64x128xf32, #tpu.memory_space<vmem>> -> memref<64x128xf32, #tpu.memory_space<vmem>>
      %dma_wait3A_110 = arith.constant 0 : i32
      %dma_wait3A_111 = tpu.memref_slice %arg9[%add3A_39, %dma_wait3A_110] : memref<10112x128xf32, #tpu.memory_space<vmem_shared>> -> memref<64x128xf32, #tpu.memory_space<vmem_shared>>
      %dma_wait3A_112 = arith.constant 0 : i32
      %dma_wait3A_113 = tpu.memref_slice %arg9[%add3A_39, %dma_wait3A_112] : memref<10112x128xf32, #tpu.memory_space<vmem_shared>> -> memref<64x128xf32, #tpu.memory_space<vmem_shared>>
      %dma_wait3A_114 = arith.constant 0 : i32
      %dma_wait3A_115 = arith.constant 0 : i32
      %dma_wait3A_116 = tpu.memref_slice %arg8[%run_scoped3A_40, %dma_wait3A_114, %dma_wait3A_115] : memref<2x64x128xf32, #tpu.memory_space<vmem>> -> memref<1x64x128xf32, #tpu.memory_space<vmem>>
      %dma_wait3A_117 = tpu.memref_squeeze %dma_wait3A_116 : memref<1x64x128xf32, #tpu.memory_space<vmem>> -> memref<64x128xf32, #tpu.memory_space<vmem>>
      tpu.wait_dma2 semaphore(%run_scoped3A_94 : memref<!tpu.dma_semaphore, #tpu.memory_space<semaphore_mem>>) src(%dma_wait3A_117 : memref<64x128xf32, #tpu.memory_space<vmem>>) dst(%dma_wait3A_113 : memref<64x128xf32, #tpu.memory_space<vmem_shared>>)
      tpu.yield
    }) : () -> ()
    %mul3A_41 = arith.constant 632 : i32
    %mul3A_42 = arith.muli %arg1, %mul3A_41 : i32
    %add3A_43 = arith.constant 384 : i32
    %add3A_44 = arith.addi %mul3A_42, %add3A_43 : i32
    %run_scoped3A_45 = arith.constant 0 : i32
    "tpu.region"() ({
      %run_scoped3A_94 = tpu.sem_alloc : memref<!tpu.dma_semaphore, #tpu.memory_space<semaphore_mem>>
      %dma_start3A_95 = arith.constant 0 : i32
      %dma_start3A_96 = arith.constant 0 : i32
      %dma_start3A_97 = tpu.memref_slice %arg8[%run_scoped3A_45, %dma_start3A_95, %dma_start3A_96] : memref<2x64x128xf32, #tpu.memory_space<vmem>> -> memref<1x64x128xf32, #tpu.memory_space<vmem>>
      %dma_start3A_98 = tpu.memref_squeeze %dma_start3A_97 : memref<1x64x128xf32, #tpu.memory_space<vmem>> -> memref<64x128xf32, #tpu.memory_space<vmem>>
      %dma_start3A_99 = arith.constant 0 : i32
      %dma_start3A_100 = tpu.memref_slice %arg9[%add3A_44, %dma_start3A_99] : memref<10112x128xf32, #tpu.memory_space<vmem_shared>> -> memref<64x128xf32, #tpu.memory_space<vmem_shared>>
      %dma_start3A_101 = arith.constant 0 : i32
      %dma_start3A_102 = tpu.memref_slice %arg9[%add3A_44, %dma_start3A_101] : memref<10112x128xf32, #tpu.memory_space<vmem_shared>> -> memref<64x128xf32, #tpu.memory_space<vmem_shared>>
      %dma_start3A_103 = arith.constant 0 : i32
      %dma_start3A_104 = arith.constant 0 : i32
      %dma_start3A_105 = tpu.memref_slice %arg8[%run_scoped3A_45, %dma_start3A_103, %dma_start3A_104] : memref<2x64x128xf32, #tpu.memory_space<vmem>> -> memref<1x64x128xf32, #tpu.memory_space<vmem>>
      %dma_start3A_106 = tpu.memref_squeeze %dma_start3A_105 : memref<1x64x128xf32, #tpu.memory_space<vmem>> -> memref<64x128xf32, #tpu.memory_space<vmem>>
      tpu.enqueue_dma source(%dma_start3A_106 : memref<64x128xf32, #tpu.memory_space<vmem>>) target(%dma_start3A_102 : memref<64x128xf32, #tpu.memory_space<vmem_shared>>) target_semaphore(%run_scoped3A_94 : memref<!tpu.dma_semaphore, #tpu.memory_space<semaphore_mem>>)
      %dma_wait3A = arith.constant 0 : i32
      %dma_wait3A_107 = arith.constant 0 : i32
      %dma_wait3A_108 = tpu.memref_slice %arg8[%run_scoped3A_45, %dma_wait3A, %dma_wait3A_107] : memref<2x64x128xf32, #tpu.memory_space<vmem>> -> memref<1x64x128xf32, #tpu.memory_space<vmem>>
      %dma_wait3A_109 = tpu.memref_squeeze %dma_wait3A_108 : memref<1x64x128xf32, #tpu.memory_space<vmem>> -> memref<64x128xf32, #tpu.memory_space<vmem>>
      %dma_wait3A_110 = arith.constant 0 : i32
      %dma_wait3A_111 = tpu.memref_slice %arg9[%add3A_44, %dma_wait3A_110] : memref<10112x128xf32, #tpu.memory_space<vmem_shared>> -> memref<64x128xf32, #tpu.memory_space<vmem_shared>>
      %dma_wait3A_112 = arith.constant 0 : i32
      %dma_wait3A_113 = tpu.memref_slice %arg9[%add3A_44, %dma_wait3A_112] : memref<10112x128xf32, #tpu.memory_space<vmem_shared>> -> memref<64x128xf32, #tpu.memory_space<vmem_shared>>
      %dma_wait3A_114 = arith.constant 0 : i32
      %dma_wait3A_115 = arith.constant 0 : i32
      %dma_wait3A_116 = tpu.memref_slice %arg8[%run_scoped3A_45, %dma_wait3A_114, %dma_wait3A_115] : memref<2x64x128xf32, #tpu.memory_space<vmem>> -> memref<1x64x128xf32, #tpu.memory_space<vmem>>
      %dma_wait3A_117 = tpu.memref_squeeze %dma_wait3A_116 : memref<1x64x128xf32, #tpu.memory_space<vmem>> -> memref<64x128xf32, #tpu.memory_space<vmem>>
      tpu.wait_dma2 semaphore(%run_scoped3A_94 : memref<!tpu.dma_semaphore, #tpu.memory_space<semaphore_mem>>) src(%dma_wait3A_117 : memref<64x128xf32, #tpu.memory_space<vmem>>) dst(%dma_wait3A_113 : memref<64x128xf32, #tpu.memory_space<vmem_shared>>)
      tpu.yield
    }) : () -> ()
    %mul3A_46 = arith.constant 632 : i32
    %mul3A_47 = arith.muli %arg1, %mul3A_46 : i32
    %add3A_48 = arith.constant 448 : i32
    %add3A_49 = arith.addi %mul3A_47, %add3A_48 : i32
    %run_scoped3A_50 = arith.constant 0 : i32
    "tpu.region"() ({
      %run_scoped3A_94 = tpu.sem_alloc : memref<!tpu.dma_semaphore, #tpu.memory_space<semaphore_mem>>
      %dma_start3A_95 = arith.constant 0 : i32
      %dma_start3A_96 = arith.constant 0 : i32
      %dma_start3A_97 = tpu.memref_slice %arg8[%run_scoped3A_50, %dma_start3A_95, %dma_start3A_96] : memref<2x64x128xf32, #tpu.memory_space<vmem>> -> memref<1x64x128xf32, #tpu.memory_space<vmem>>
      %dma_start3A_98 = tpu.memref_squeeze %dma_start3A_97 : memref<1x64x128xf32, #tpu.memory_space<vmem>> -> memref<64x128xf32, #tpu.memory_space<vmem>>
      %dma_start3A_99 = arith.constant 0 : i32
      %dma_start3A_100 = tpu.memref_slice %arg9[%add3A_49, %dma_start3A_99] : memref<10112x128xf32, #tpu.memory_space<vmem_shared>> -> memref<64x128xf32, #tpu.memory_space<vmem_shared>>
      %dma_start3A_101 = arith.constant 0 : i32
      %dma_start3A_102 = tpu.memref_slice %arg9[%add3A_49, %dma_start3A_101] : memref<10112x128xf32, #tpu.memory_space<vmem_shared>> -> memref<64x128xf32, #tpu.memory_space<vmem_shared>>
      %dma_start3A_103 = arith.constant 0 : i32
      %dma_start3A_104 = arith.constant 0 : i32
      %dma_start3A_105 = tpu.memref_slice %arg8[%run_scoped3A_50, %dma_start3A_103, %dma_start3A_104] : memref<2x64x128xf32, #tpu.memory_space<vmem>> -> memref<1x64x128xf32, #tpu.memory_space<vmem>>
      %dma_start3A_106 = tpu.memref_squeeze %dma_start3A_105 : memref<1x64x128xf32, #tpu.memory_space<vmem>> -> memref<64x128xf32, #tpu.memory_space<vmem>>
      tpu.enqueue_dma source(%dma_start3A_106 : memref<64x128xf32, #tpu.memory_space<vmem>>) target(%dma_start3A_102 : memref<64x128xf32, #tpu.memory_space<vmem_shared>>) target_semaphore(%run_scoped3A_94 : memref<!tpu.dma_semaphore, #tpu.memory_space<semaphore_mem>>)
      %dma_wait3A = arith.constant 0 : i32
      %dma_wait3A_107 = arith.constant 0 : i32
      %dma_wait3A_108 = tpu.memref_slice %arg8[%run_scoped3A_50, %dma_wait3A, %dma_wait3A_107] : memref<2x64x128xf32, #tpu.memory_space<vmem>> -> memref<1x64x128xf32, #tpu.memory_space<vmem>>
      %dma_wait3A_109 = tpu.memref_squeeze %dma_wait3A_108 : memref<1x64x128xf32, #tpu.memory_space<vmem>> -> memref<64x128xf32, #tpu.memory_space<vmem>>
      %dma_wait3A_110 = arith.constant 0 : i32
      %dma_wait3A_111 = tpu.memref_slice %arg9[%add3A_49, %dma_wait3A_110] : memref<10112x128xf32, #tpu.memory_space<vmem_shared>> -> memref<64x128xf32, #tpu.memory_space<vmem_shared>>
      %dma_wait3A_112 = arith.constant 0 : i32
      %dma_wait3A_113 = tpu.memref_slice %arg9[%add3A_49, %dma_wait3A_112] : memref<10112x128xf32, #tpu.memory_space<vmem_shared>> -> memref<64x128xf32, #tpu.memory_space<vmem_shared>>
      %dma_wait3A_114 = arith.constant 0 : i32
      %dma_wait3A_115 = arith.constant 0 : i32
      %dma_wait3A_116 = tpu.memref_slice %arg8[%run_scoped3A_50, %dma_wait3A_114, %dma_wait3A_115] : memref<2x64x128xf32, #tpu.memory_space<vmem>> -> memref<1x64x128xf32, #tpu.memory_space<vmem>>
      %dma_wait3A_117 = tpu.memref_squeeze %dma_wait3A_116 : memref<1x64x128xf32, #tpu.memory_space<vmem>> -> memref<64x128xf32, #tpu.memory_space<vmem>>
      tpu.wait_dma2 semaphore(%run_scoped3A_94 : memref<!tpu.dma_semaphore, #tpu.memory_space<semaphore_mem>>) src(%dma_wait3A_117 : memref<64x128xf32, #tpu.memory_space<vmem>>) dst(%dma_wait3A_113 : memref<64x128xf32, #tpu.memory_space<vmem_shared>>)
      tpu.yield
    }) : () -> ()
    %mul3A_51 = arith.constant 632 : i32
    %mul3A_52 = arith.muli %arg1, %mul3A_51 : i32
    %add3A_53 = arith.constant 512 : i32
    %add3A_54 = arith.addi %mul3A_52, %add3A_53 : i32
    %run_scoped3A_55 = arith.constant 0 : i32
    "tpu.region"() ({
      %run_scoped3A_94 = tpu.sem_alloc : memref<!tpu.dma_semaphore, #tpu.memory_space<semaphore_mem>>
      %dma_start3A_95 = arith.constant 0 : i32
      %dma_start3A_96 = arith.constant 0 : i32
      %dma_start3A_97 = tpu.memref_slice %arg8[%run_scoped3A_55, %dma_start3A_95, %dma_start3A_96] : memref<2x64x128xf32, #tpu.memory_space<vmem>> -> memref<1x64x128xf32, #tpu.memory_space<vmem>>
      %dma_start3A_98 = tpu.memref_squeeze %dma_start3A_97 : memref<1x64x128xf32, #tpu.memory_space<vmem>> -> memref<64x128xf32, #tpu.memory_space<vmem>>
      %dma_start3A_99 = arith.constant 0 : i32
      %dma_start3A_100 = tpu.memref_slice %arg9[%add3A_54, %dma_start3A_99] : memref<10112x128xf32, #tpu.memory_space<vmem_shared>> -> memref<64x128xf32, #tpu.memory_space<vmem_shared>>
      %dma_start3A_101 = arith.constant 0 : i32
      %dma_start3A_102 = tpu.memref_slice %arg9[%add3A_54, %dma_start3A_101] : memref<10112x128xf32, #tpu.memory_space<vmem_shared>> -> memref<64x128xf32, #tpu.memory_space<vmem_shared>>
      %dma_start3A_103 = arith.constant 0 : i32
      %dma_start3A_104 = arith.constant 0 : i32
      %dma_start3A_105 = tpu.memref_slice %arg8[%run_scoped3A_55, %dma_start3A_103, %dma_start3A_104] : memref<2x64x128xf32, #tpu.memory_space<vmem>> -> memref<1x64x128xf32, #tpu.memory_space<vmem>>
      %dma_start3A_106 = tpu.memref_squeeze %dma_start3A_105 : memref<1x64x128xf32, #tpu.memory_space<vmem>> -> memref<64x128xf32, #tpu.memory_space<vmem>>
      tpu.enqueue_dma source(%dma_start3A_106 : memref<64x128xf32, #tpu.memory_space<vmem>>) target(%dma_start3A_102 : memref<64x128xf32, #tpu.memory_space<vmem_shared>>) target_semaphore(%run_scoped3A_94 : memref<!tpu.dma_semaphore, #tpu.memory_space<semaphore_mem>>)
      %dma_wait3A = arith.constant 0 : i32
      %dma_wait3A_107 = arith.constant 0 : i32
      %dma_wait3A_108 = tpu.memref_slice %arg8[%run_scoped3A_55, %dma_wait3A, %dma_wait3A_107] : memref<2x64x128xf32, #tpu.memory_space<vmem>> -> memref<1x64x128xf32, #tpu.memory_space<vmem>>
      %dma_wait3A_109 = tpu.memref_squeeze %dma_wait3A_108 : memref<1x64x128xf32, #tpu.memory_space<vmem>> -> memref<64x128xf32, #tpu.memory_space<vmem>>
      %dma_wait3A_110 = arith.constant 0 : i32
      %dma_wait3A_111 = tpu.memref_slice %arg9[%add3A_54, %dma_wait3A_110] : memref<10112x128xf32, #tpu.memory_space<vmem_shared>> -> memref<64x128xf32, #tpu.memory_space<vmem_shared>>
      %dma_wait3A_112 = arith.constant 0 : i32
      %dma_wait3A_113 = tpu.memref_slice %arg9[%add3A_54, %dma_wait3A_112] : memref<10112x128xf32, #tpu.memory_space<vmem_shared>> -> memref<64x128xf32, #tpu.memory_space<vmem_shared>>
      %dma_wait3A_114 = arith.constant 0 : i32
      %dma_wait3A_115 = arith.constant 0 : i32
      %dma_wait3A_116 = tpu.memref_slice %arg8[%run_scoped3A_55, %dma_wait3A_114, %dma_wait3A_115] : memref<2x64x128xf32, #tpu.memory_space<vmem>> -> memref<1x64x128xf32, #tpu.memory_space<vmem>>
      %dma_wait3A_117 = tpu.memref_squeeze %dma_wait3A_116 : memref<1x64x128xf32, #tpu.memory_space<vmem>> -> memref<64x128xf32, #tpu.memory_space<vmem>>
      tpu.wait_dma2 semaphore(%run_scoped3A_94 : memref<!tpu.dma_semaphore, #tpu.memory_space<semaphore_mem>>) src(%dma_wait3A_117 : memref<64x128xf32, #tpu.memory_space<vmem>>) dst(%dma_wait3A_113 : memref<64x128xf32, #tpu.memory_space<vmem_shared>>)
      tpu.yield
    }) : () -> ()
    %mul3A_56 = arith.constant 632 : i32
    %mul3A_57 = arith.muli %arg1, %mul3A_56 : i32
    %add3A_58 = arith.constant 576 : i32
    %add3A_59 = arith.addi %mul3A_57, %add3A_58 : i32
    %run_scoped3A_60 = arith.constant 0 : i32
    "tpu.region"() ({
      %run_scoped3A_94 = tpu.sem_alloc : memref<!tpu.dma_semaphore, #tpu.memory_space<semaphore_mem>>
      %dma_start3A_95 = arith.constant 0 : i32
      %dma_start3A_96 = arith.constant 0 : i32
      %dma_start3A_97 = tpu.memref_slice %arg8[%run_scoped3A_60, %dma_start3A_95, %dma_start3A_96] : memref<2x64x128xf32, #tpu.memory_space<vmem>> -> memref<1x56x128xf32, #tpu.memory_space<vmem>>
      %dma_start3A_98 = tpu.memref_squeeze %dma_start3A_97 : memref<1x56x128xf32, #tpu.memory_space<vmem>> -> memref<56x128xf32, #tpu.memory_space<vmem>>
      %dma_start3A_99 = arith.constant 0 : i32
      %dma_start3A_100 = tpu.memref_slice %arg9[%add3A_59, %dma_start3A_99] : memref<10112x128xf32, #tpu.memory_space<vmem_shared>> -> memref<56x128xf32, #tpu.memory_space<vmem_shared>>
      %dma_start3A_101 = arith.constant 0 : i32
      %dma_start3A_102 = tpu.memref_slice %arg9[%add3A_59, %dma_start3A_101] : memref<10112x128xf32, #tpu.memory_space<vmem_shared>> -> memref<56x128xf32, #tpu.memory_space<vmem_shared>>
      %dma_start3A_103 = arith.constant 0 : i32
      %dma_start3A_104 = arith.constant 0 : i32
      %dma_start3A_105 = tpu.memref_slice %arg8[%run_scoped3A_60, %dma_start3A_103, %dma_start3A_104] : memref<2x64x128xf32, #tpu.memory_space<vmem>> -> memref<1x56x128xf32, #tpu.memory_space<vmem>>
      %dma_start3A_106 = tpu.memref_squeeze %dma_start3A_105 : memref<1x56x128xf32, #tpu.memory_space<vmem>> -> memref<56x128xf32, #tpu.memory_space<vmem>>
      tpu.enqueue_dma source(%dma_start3A_106 : memref<56x128xf32, #tpu.memory_space<vmem>>) target(%dma_start3A_102 : memref<56x128xf32, #tpu.memory_space<vmem_shared>>) target_semaphore(%run_scoped3A_94 : memref<!tpu.dma_semaphore, #tpu.memory_space<semaphore_mem>>)
      %dma_wait3A = arith.constant 0 : i32
      %dma_wait3A_107 = arith.constant 0 : i32
      %dma_wait3A_108 = tpu.memref_slice %arg8[%run_scoped3A_60, %dma_wait3A, %dma_wait3A_107] : memref<2x64x128xf32, #tpu.memory_space<vmem>> -> memref<1x56x128xf32, #tpu.memory_space<vmem>>
      %dma_wait3A_109 = tpu.memref_squeeze %dma_wait3A_108 : memref<1x56x128xf32, #tpu.memory_space<vmem>> -> memref<56x128xf32, #tpu.memory_space<vmem>>
      %dma_wait3A_110 = arith.constant 0 : i32
      %dma_wait3A_111 = tpu.memref_slice %arg9[%add3A_59, %dma_wait3A_110] : memref<10112x128xf32, #tpu.memory_space<vmem_shared>> -> memref<56x128xf32, #tpu.memory_space<vmem_shared>>
      %dma_wait3A_112 = arith.constant 0 : i32
      %dma_wait3A_113 = tpu.memref_slice %arg9[%add3A_59, %dma_wait3A_112] : memref<10112x128xf32, #tpu.memory_space<vmem_shared>> -> memref<56x128xf32, #tpu.memory_space<vmem_shared>>
      %dma_wait3A_114 = arith.constant 0 : i32
      %dma_wait3A_115 = arith.constant 0 : i32
      %dma_wait3A_116 = tpu.memref_slice %arg8[%run_scoped3A_60, %dma_wait3A_114, %dma_wait3A_115] : memref<2x64x128xf32, #tpu.memory_space<vmem>> -> memref<1x56x128xf32, #tpu.memory_space<vmem>>
      %dma_wait3A_117 = tpu.memref_squeeze %dma_wait3A_116 : memref<1x56x128xf32, #tpu.memory_space<vmem>> -> memref<56x128xf32, #tpu.memory_space<vmem>>
      tpu.wait_dma2 semaphore(%run_scoped3A_94 : memref<!tpu.dma_semaphore, #tpu.memory_space<semaphore_mem>>) src(%dma_wait3A_117 : memref<56x128xf32, #tpu.memory_space<vmem>>) dst(%dma_wait3A_113 : memref<56x128xf32, #tpu.memory_space<vmem_shared>>)
      tpu.yield
    }) : () -> ()
    "tpu.region"() ({
      %run_scoped3A_94 = tpu.sem_alloc : memref<!tpu.dma_semaphore, #tpu.memory_space<semaphore_mem>>
      %dma_start3A_95 = arith.constant 0 : i32
      %dma_start3A_96 = tpu.memref_slice %arg3[%add3A, %dma_start3A_95] : memref<32x10112xi32, #tpu.memory_space<hbm>> -> memref<1x10112xi32, #tpu.memory_space<hbm>>
      %dma_start3A_97 = tpu.memref_squeeze %dma_start3A_96 : memref<1x10112xi32, #tpu.memory_space<hbm>> -> memref<10112xi32, #tpu.memory_space<hbm>>
      %dma_start3A_98 = arith.constant 0 : i32
      %dma_start3A_99 = tpu.memref_slice %arg3[%add3A, %dma_start3A_98] : memref<32x10112xi32, #tpu.memory_space<hbm>> -> memref<1x10112xi32, #tpu.memory_space<hbm>>
      %dma_start3A_100 = tpu.memref_squeeze %dma_start3A_99 : memref<1x10112xi32, #tpu.memory_space<hbm>> -> memref<10112xi32, #tpu.memory_space<hbm>>
      tpu.enqueue_dma source(%dma_start3A_100 : memref<10112xi32, #tpu.memory_space<hbm>>) target(%arg6 : memref<10112xi32, #tpu.memory_space<vmem>>) target_semaphore(%run_scoped3A_94 : memref<!tpu.dma_semaphore, #tpu.memory_space<semaphore_mem>>)
      %dma_wait3A = arith.constant 0 : i32
      %dma_wait3A_101 = tpu.memref_slice %arg3[%add3A, %dma_wait3A] : memref<32x10112xi32, #tpu.memory_space<hbm>> -> memref<1x10112xi32, #tpu.memory_space<hbm>>
      %dma_wait3A_102 = tpu.memref_squeeze %dma_wait3A_101 : memref<1x10112xi32, #tpu.memory_space<hbm>> -> memref<10112xi32, #tpu.memory_space<hbm>>
      %dma_wait3A_103 = arith.constant 0 : i32
      %dma_wait3A_104 = tpu.memref_slice %arg3[%add3A, %dma_wait3A_103] : memref<32x10112xi32, #tpu.memory_space<hbm>> -> memref<1x10112xi32, #tpu.memory_space<hbm>>
      %dma_wait3A_105 = tpu.memref_squeeze %dma_wait3A_104 : memref<1x10112xi32, #tpu.memory_space<hbm>> -> memref<10112xi32, #tpu.memory_space<hbm>>
      tpu.wait_dma2 semaphore(%run_scoped3A_94 : memref<!tpu.dma_semaphore, #tpu.memory_space<semaphore_mem>>) src(%dma_wait3A_105 : memref<10112xi32, #tpu.memory_space<hbm>>) dst(%arg6 : memref<10112xi32, #tpu.memory_space<vmem>>)
      tpu.yield
    }) : () -> ()
    "tpu.region"() ({
      %run_scoped3A_94 = tpu.sem_alloc : memref<!tpu.dma_semaphore, #tpu.memory_space<semaphore_mem>>
      %dma_start3A_95 = arith.constant 0 : i32
      %dma_start3A_96 = arith.constant 0 : i32
      %dma_start3A_97 = tpu.memref_slice %arg4[%add3A, %dma_start3A_95, %dma_start3A_96] : memref<32x158x64xi32, #tpu.memory_space<hbm>> -> memref<1x158x64xi32, #tpu.memory_space<hbm>>
      %dma_start3A_98 = tpu.memref_squeeze %dma_start3A_97 : memref<1x158x64xi32, #tpu.memory_space<hbm>> -> memref<158x64xi32, #tpu.memory_space<hbm>>
      %dma_start3A_99 = arith.constant 0 : i32
      %dma_start3A_100 = arith.constant 0 : i32
      %dma_start3A_101 = tpu.memref_slice %arg4[%add3A, %dma_start3A_99, %dma_start3A_100] : memref<32x158x64xi32, #tpu.memory_space<hbm>> -> memref<1x158x64xi32, #tpu.memory_space<hbm>>
      %dma_start3A_102 = tpu.memref_squeeze %dma_start3A_101 : memref<1x158x64xi32, #tpu.memory_space<hbm>> -> memref<158x64xi32, #tpu.memory_space<hbm>>
      tpu.enqueue_dma source(%dma_start3A_102 : memref<158x64xi32, #tpu.memory_space<hbm>>) target(%arg7 : memref<158x64xi32, #tpu.memory_space<vmem>>) target_semaphore(%run_scoped3A_94 : memref<!tpu.dma_semaphore, #tpu.memory_space<semaphore_mem>>)
      %dma_wait3A = arith.constant 0 : i32
      %dma_wait3A_103 = arith.constant 0 : i32
      %dma_wait3A_104 = tpu.memref_slice %arg4[%add3A, %dma_wait3A, %dma_wait3A_103] : memref<32x158x64xi32, #tpu.memory_space<hbm>> -> memref<1x158x64xi32, #tpu.memory_space<hbm>>
      %dma_wait3A_105 = tpu.memref_squeeze %dma_wait3A_104 : memref<1x158x64xi32, #tpu.memory_space<hbm>> -> memref<158x64xi32, #tpu.memory_space<hbm>>
      %dma_wait3A_106 = arith.constant 0 : i32
      %dma_wait3A_107 = arith.constant 0 : i32
      %dma_wait3A_108 = tpu.memref_slice %arg4[%add3A, %dma_wait3A_106, %dma_wait3A_107] : memref<32x158x64xi32, #tpu.memory_space<hbm>> -> memref<1x158x64xi32, #tpu.memory_space<hbm>>
      %dma_wait3A_109 = tpu.memref_squeeze %dma_wait3A_108 : memref<1x158x64xi32, #tpu.memory_space<hbm>> -> memref<158x64xi32, #tpu.memory_space<hbm>>
      tpu.wait_dma2 semaphore(%run_scoped3A_94 : memref<!tpu.dma_semaphore, #tpu.memory_space<semaphore_mem>>) src(%dma_wait3A_109 : memref<158x64xi32, #tpu.memory_space<hbm>>) dst(%arg7 : memref<158x64xi32, #tpu.memory_space<vmem>>)
      tpu.yield
    }) : () -> ()
    %barrier3A = arith.constant 0 : index
    tpu.barrier barrier_id(%barrier3A)
    %dma_start3A = arith.constant 0 : i32
    %dma_start3A_61 = arith.constant 0 : i32
    %dma_start3A_62 = arith.constant 0 : i32
    %dma_start3A_63 = arith.constant 0 : i32
    %dma_start3A_64 = tpu.memref_slice %arg8[%dma_start3A_61, %dma_start3A_62, %dma_start3A_63] : memref<2x64x128xf32, #tpu.memory_space<vmem>> -> memref<1x64x128xf32, #tpu.memory_space<vmem>>
    %dma_start3A_65 = tpu.memref_squeeze %dma_start3A_64 : memref<1x64x128xf32, #tpu.memory_space<vmem>> -> memref<64x128xf32, #tpu.memory_space<vmem>>
    %dma_start3A_66 = tpu.memref_slice %arg6[%dma_start3A] : memref<10112xi32, #tpu.memory_space<vmem>> -> memref<64xi32, #tpu.memory_space<vmem>>
    %dma_start3A_67 = arith.constant 0 : i32
    %dma_start3A_68 = arith.constant 0 : i32
    %dma_start3A_69 = tpu.memref_slice %arg2[%dma_start3A_67, %dma_start3A_68] : memref<10000x128xf32, #tpu.memory_space<hbm>> -> memref<10000x128xf32, #tpu.memory_space<hbm>>
    tpu.enqueue_indirect_dma source(%dma_start3A_69 : memref<10000x128xf32, #tpu.memory_space<hbm>>) target(%dma_start3A_65 : memref<64x128xf32, #tpu.memory_space<vmem>>) offsets(%dma_start3A_66 : memref<64xi32, #tpu.memory_space<vmem>>) semaphore(%arg10 : memref<!tpu.dma_semaphore, #tpu.memory_space<semaphore_mem>>)
    %dma_start3A_70 = arith.constant 64 : i32
    %dma_start3A_71 = arith.constant 1 : i32
    %dma_start3A_72 = arith.constant 0 : i32
    %dma_start3A_73 = arith.constant 0 : i32
    %dma_start3A_74 = tpu.memref_slice %arg8[%dma_start3A_71, %dma_start3A_72, %dma_start3A_73] : memref<2x64x128xf32, #tpu.memory_space<vmem>> -> memref<1x64x128xf32, #tpu.memory_space<vmem>>
    %dma_start3A_75 = tpu.memref_squeeze %dma_start3A_74 : memref<1x64x128xf32, #tpu.memory_space<vmem>> -> memref<64x128xf32, #tpu.memory_space<vmem>>
    %dma_start3A_76 = tpu.memref_slice %arg6[%dma_start3A_70] : memref<10112xi32, #tpu.memory_space<vmem>> -> memref<64xi32, #tpu.memory_space<vmem>>
    %dma_start3A_77 = arith.constant 0 : i32
    %dma_start3A_78 = arith.constant 0 : i32
    %dma_start3A_79 = tpu.memref_slice %arg2[%dma_start3A_77, %dma_start3A_78] : memref<10000x128xf32, #tpu.memory_space<hbm>> -> memref<10000x128xf32, #tpu.memory_space<hbm>>
    tpu.enqueue_indirect_dma source(%dma_start3A_79 : memref<10000x128xf32, #tpu.memory_space<hbm>>) target(%dma_start3A_75 : memref<64x128xf32, #tpu.memory_space<vmem>>) offsets(%dma_start3A_76 : memref<64xi32, #tpu.memory_space<vmem>>) semaphore(%arg11 : memref<!tpu.dma_semaphore, #tpu.memory_space<semaphore_mem>>)
    %while3A_80 = arith.constant 0 : i32
    %while3A_81 = arith.constant 0 : i32
    %while3A_82 = arith.constant 79 : i32
    %while3A_83 = arith.subi %while3A_82, %while3A_81 : i32
    %while3A_84 = arith.addi %while3A_81, %while3A_83 : i32
    %while3A_85 = arith.constant 1 : i32
    %while3A_86 = arith.divsi %while3A_83, %while3A_85 : i32
    %while3A_87 = arith.muli %while3A_86, %while3A_85 : i32
    %while3A_88 = arith.addi %while3A_81, %while3A_87 : i32
    %while3A_89 = arith.constant 1 : i32
    scf.for %while3A_94 = %while3A_81 to %while3A_88 step %while3A_89  : i32 {
      %mul3A_95 = arith.constant 2 : i32
      %mul3A_96 = arith.muli %while3A_94, %mul3A_95 : i32
      %add3A_97 = arith.constant 0 : i32
      %add3A_98 = arith.addi %mul3A_96, %add3A_97 : i32
      %mul3A_99 = arith.constant 64 : i32
      %mul3A_100 = arith.muli %add3A_98, %mul3A_99 : i32
      %dma_wait3A = arith.constant 0 : i32
      %dma_wait3A_101 = arith.constant 0 : i32
      %dma_wait3A_102 = arith.constant 0 : i32
      %dma_wait3A_103 = tpu.memref_slice %arg8[%dma_wait3A, %dma_wait3A_101, %dma_wait3A_102] : memref<2x64x128xf32, #tpu.memory_space<vmem>> -> memref<1x64x128xf32, #tpu.memory_space<vmem>>
      %dma_wait3A_104 = tpu.memref_squeeze %dma_wait3A_103 : memref<1x64x128xf32, #tpu.memory_space<vmem>> -> memref<64x128xf32, #tpu.memory_space<vmem>>
      %dma_wait3A_105 = tpu.memref_slice %arg6[%mul3A_100] : memref<10112xi32, #tpu.memory_space<vmem>> -> memref<64xi32, #tpu.memory_space<vmem>>
      %dma_wait3A_106 = arith.constant 0 : i32
      %dma_wait3A_107 = arith.constant 0 : i32
      %dma_wait3A_108 = tpu.memref_slice %arg2[%dma_wait3A_106, %dma_wait3A_107] : memref<10000x128xf32, #tpu.memory_space<hbm>> -> memref<10000x128xf32, #tpu.memory_space<hbm>>
      tpu.wait_indirect_dma semaphore(%arg10 : memref<!tpu.dma_semaphore, #tpu.memory_space<semaphore_mem>>) src(%dma_wait3A_108 : memref<10000x128xf32, #tpu.memory_space<hbm>>) dst(%dma_wait3A_104 : memref<64x128xf32, #tpu.memory_space<vmem>>)
      %run_scoped3A_109 = arith.constant 0 : i32
      "tpu.region"() ({
        %run_scoped3A_137 = tpu.sem_alloc : memref<!tpu.dma_semaphore, #tpu.memory_space<semaphore_mem>>
        %dma_start3A_138 = arith.constant 0 : i32
        %dma_start3A_139 = arith.constant 0 : i32
        %dma_start3A_140 = tpu.memref_slice %arg8[%run_scoped3A_109, %dma_start3A_138, %dma_start3A_139] : memref<2x64x128xf32, #tpu.memory_space<vmem>> -> memref<1x64x128xf32, #tpu.memory_space<vmem>>
        %dma_start3A_141 = tpu.memref_squeeze %dma_start3A_140 : memref<1x64x128xf32, #tpu.memory_space<vmem>> -> memref<64x128xf32, #tpu.memory_space<vmem>>
        %dma_start3A_142 = arith.constant 0 : i32
        %dma_start3A_143 = tpu.memref_slice %arg7[%add3A_98, %dma_start3A_142] : memref<158x64xi32, #tpu.memory_space<vmem>> -> memref<1x64xi32, #tpu.memory_space<vmem>>
        %dma_start3A_144 = tpu.memref_squeeze %dma_start3A_143 : memref<1x64xi32, #tpu.memory_space<vmem>> -> memref<64xi32, #tpu.memory_space<vmem>>
        %dma_start3A_145 = arith.constant 0 : i32
        %dma_start3A_146 = arith.constant 0 : i32
        %dma_start3A_147 = tpu.memref_slice %arg9[%dma_start3A_145, %dma_start3A_146] : memref<10112x128xf32, #tpu.memory_space<vmem_shared>> -> memref<10112x128xf32, #tpu.memory_space<vmem_shared>>
        tpu.enqueue_indirect_dma source(%dma_start3A_141 : memref<64x128xf32, #tpu.memory_space<vmem>>) target(%dma_start3A_147 : memref<10112x128xf32, #tpu.memory_space<vmem_shared>>) offsets(%dma_start3A_144 : memref<64xi32, #tpu.memory_space<vmem>>) semaphore(%run_scoped3A_137 : memref<!tpu.dma_semaphore, #tpu.memory_space<semaphore_mem>>) {add = true}
        %dma_wait3A_148 = arith.constant 0 : i32
        %dma_wait3A_149 = arith.constant 0 : i32
        %dma_wait3A_150 = tpu.memref_slice %arg8[%run_scoped3A_109, %dma_wait3A_148, %dma_wait3A_149] : memref<2x64x128xf32, #tpu.memory_space<vmem>> -> memref<1x64x128xf32, #tpu.memory_space<vmem>>
        %dma_wait3A_151 = tpu.memref_squeeze %dma_wait3A_150 : memref<1x64x128xf32, #tpu.memory_space<vmem>> -> memref<64x128xf32, #tpu.memory_space<vmem>>
        %dma_wait3A_152 = arith.constant 0 : i32
        %dma_wait3A_153 = tpu.memref_slice %arg7[%add3A_98, %dma_wait3A_152] : memref<158x64xi32, #tpu.memory_space<vmem>> -> memref<1x64xi32, #tpu.memory_space<vmem>>
        %dma_wait3A_154 = tpu.memref_squeeze %dma_wait3A_153 : memref<1x64xi32, #tpu.memory_space<vmem>> -> memref<64xi32, #tpu.memory_space<vmem>>
        %dma_wait3A_155 = arith.constant 0 : i32
        %dma_wait3A_156 = arith.constant 0 : i32
        %dma_wait3A_157 = tpu.memref_slice %arg9[%dma_wait3A_155, %dma_wait3A_156] : memref<10112x128xf32, #tpu.memory_space<vmem_shared>> -> memref<10112x128xf32, #tpu.memory_space<vmem_shared>>
        tpu.wait_indirect_dma semaphore(%run_scoped3A_137 : memref<!tpu.dma_semaphore, #tpu.memory_space<semaphore_mem>>) src(%dma_wait3A_151 : memref<64x128xf32, #tpu.memory_space<vmem>>) dst(%dma_wait3A_157 : memref<10112x128xf32, #tpu.memory_space<vmem_shared>>)
        tpu.yield
      }) : () -> ()
      %add3A_110 = arith.constant 2 : i32
      %add3A_111 = arith.addi %add3A_98, %add3A_110 : i32
      %lt3A = arith.constant 158 : i32
      %lt3A_112 = arith.cmpi slt, %add3A_111, %lt3A : i32
      %convert_element_type3A = arith.extui %lt3A_112 : i1 to i32
      %cond3A = arith.constant 0 : i32
      %cond3A_113 = arith.cmpi ne, %convert_element_type3A, %cond3A : i32
      scf.if %cond3A_113 {
        %add3A_137 = arith.constant 2 : i32
        %add3A_138 = arith.addi %add3A_98, %add3A_137 : i32
        %mul3A_139 = arith.constant 64 : i32
        %mul3A_140 = arith.muli %add3A_138, %mul3A_139 : i32
        %dma_start3A_141 = arith.constant 0 : i32
        %dma_start3A_142 = arith.constant 0 : i32
        %dma_start3A_143 = arith.constant 0 : i32
        %dma_start3A_144 = tpu.memref_slice %arg8[%dma_start3A_141, %dma_start3A_142, %dma_start3A_143] : memref<2x64x128xf32, #tpu.memory_space<vmem>> -> memref<1x64x128xf32, #tpu.memory_space<vmem>>
        %dma_start3A_145 = tpu.memref_squeeze %dma_start3A_144 : memref<1x64x128xf32, #tpu.memory_space<vmem>> -> memref<64x128xf32, #tpu.memory_space<vmem>>
        %dma_start3A_146 = tpu.memref_slice %arg6[%mul3A_140] : memref<10112xi32, #tpu.memory_space<vmem>> -> memref<64xi32, #tpu.memory_space<vmem>>
        %dma_start3A_147 = arith.constant 0 : i32
        %dma_start3A_148 = arith.constant 0 : i32
        %dma_start3A_149 = tpu.memref_slice %arg2[%dma_start3A_147, %dma_start3A_148] : memref<10000x128xf32, #tpu.memory_space<hbm>> -> memref<10000x128xf32, #tpu.memory_space<hbm>>
        tpu.enqueue_indirect_dma source(%dma_start3A_149 : memref<10000x128xf32, #tpu.memory_space<hbm>>) target(%dma_start3A_145 : memref<64x128xf32, #tpu.memory_space<vmem>>) offsets(%dma_start3A_146 : memref<64xi32, #tpu.memory_space<vmem>>) semaphore(%arg10 : memref<!tpu.dma_semaphore, #tpu.memory_space<semaphore_mem>>)
      } else {
      }
      %mul3A_114 = arith.constant 2 : i32
      %mul3A_115 = arith.muli %while3A_94, %mul3A_114 : i32
      %add3A_116 = arith.constant 1 : i32
      %add3A_117 = arith.addi %mul3A_115, %add3A_116 : i32
      %mul3A_118 = arith.constant 64 : i32
      %mul3A_119 = arith.muli %add3A_117, %mul3A_118 : i32
      %dma_wait3A_120 = arith.constant 1 : i32
      %dma_wait3A_121 = arith.constant 0 : i32
      %dma_wait3A_122 = arith.constant 0 : i32
      %dma_wait3A_123 = tpu.memref_slice %arg8[%dma_wait3A_120, %dma_wait3A_121, %dma_wait3A_122] : memref<2x64x128xf32, #tpu.memory_space<vmem>> -> memref<1x64x128xf32, #tpu.memory_space<vmem>>
      %dma_wait3A_124 = tpu.memref_squeeze %dma_wait3A_123 : memref<1x64x128xf32, #tpu.memory_space<vmem>> -> memref<64x128xf32, #tpu.memory_space<vmem>>
      %dma_wait3A_125 = tpu.memref_slice %arg6[%mul3A_119] : memref<10112xi32, #tpu.memory_space<vmem>> -> memref<64xi32, #tpu.memory_space<vmem>>
      %dma_wait3A_126 = arith.constant 0 : i32
      %dma_wait3A_127 = arith.constant 0 : i32
      %dma_wait3A_128 = tpu.memref_slice %arg2[%dma_wait3A_126, %dma_wait3A_127] : memref<10000x128xf32, #tpu.memory_space<hbm>> -> memref<10000x128xf32, #tpu.memory_space<hbm>>
      tpu.wait_indirect_dma semaphore(%arg11 : memref<!tpu.dma_semaphore, #tpu.memory_space<semaphore_mem>>) src(%dma_wait3A_128 : memref<10000x128xf32, #tpu.memory_space<hbm>>) dst(%dma_wait3A_124 : memref<64x128xf32, #tpu.memory_space<vmem>>)
      %run_scoped3A_129 = arith.constant 1 : i32
      "tpu.region"() ({
        %run_scoped3A_137 = tpu.sem_alloc : memref<!tpu.dma_semaphore, #tpu.memory_space<semaphore_mem>>
        %dma_start3A_138 = arith.constant 0 : i32
        %dma_start3A_139 = arith.constant 0 : i32
        %dma_start3A_140 = tpu.memref_slice %arg8[%run_scoped3A_129, %dma_start3A_138, %dma_start3A_139] : memref<2x64x128xf32, #tpu.memory_space<vmem>> -> memref<1x64x128xf32, #tpu.memory_space<vmem>>
        %dma_start3A_141 = tpu.memref_squeeze %dma_start3A_140 : memref<1x64x128xf32, #tpu.memory_space<vmem>> -> memref<64x128xf32, #tpu.memory_space<vmem>>
        %dma_start3A_142 = arith.constant 0 : i32
        %dma_start3A_143 = tpu.memref_slice %arg7[%add3A_117, %dma_start3A_142] : memref<158x64xi32, #tpu.memory_space<vmem>> -> memref<1x64xi32, #tpu.memory_space<vmem>>
        %dma_start3A_144 = tpu.memref_squeeze %dma_start3A_143 : memref<1x64xi32, #tpu.memory_space<vmem>> -> memref<64xi32, #tpu.memory_space<vmem>>
        %dma_start3A_145 = arith.constant 0 : i32
        %dma_start3A_146 = arith.constant 0 : i32
        %dma_start3A_147 = tpu.memref_slice %arg9[%dma_start3A_145, %dma_start3A_146] : memref<10112x128xf32, #tpu.memory_space<vmem_shared>> -> memref<10112x128xf32, #tpu.memory_space<vmem_shared>>
        tpu.enqueue_indirect_dma source(%dma_start3A_141 : memref<64x128xf32, #tpu.memory_space<vmem>>) target(%dma_start3A_147 : memref<10112x128xf32, #tpu.memory_space<vmem_shared>>) offsets(%dma_start3A_144 : memref<64xi32, #tpu.memory_space<vmem>>) semaphore(%run_scoped3A_137 : memref<!tpu.dma_semaphore, #tpu.memory_space<semaphore_mem>>) {add = true}
        %dma_wait3A_148 = arith.constant 0 : i32
        %dma_wait3A_149 = arith.constant 0 : i32
        %dma_wait3A_150 = tpu.memref_slice %arg8[%run_scoped3A_129, %dma_wait3A_148, %dma_wait3A_149] : memref<2x64x128xf32, #tpu.memory_space<vmem>> -> memref<1x64x128xf32, #tpu.memory_space<vmem>>
        %dma_wait3A_151 = tpu.memref_squeeze %dma_wait3A_150 : memref<1x64x128xf32, #tpu.memory_space<vmem>> -> memref<64x128xf32, #tpu.memory_space<vmem>>
        %dma_wait3A_152 = arith.constant 0 : i32
        %dma_wait3A_153 = tpu.memref_slice %arg7[%add3A_117, %dma_wait3A_152] : memref<158x64xi32, #tpu.memory_space<vmem>> -> memref<1x64xi32, #tpu.memory_space<vmem>>
        %dma_wait3A_154 = tpu.memref_squeeze %dma_wait3A_153 : memref<1x64xi32, #tpu.memory_space<vmem>> -> memref<64xi32, #tpu.memory_space<vmem>>
        %dma_wait3A_155 = arith.constant 0 : i32
        %dma_wait3A_156 = arith.constant 0 : i32
        %dma_wait3A_157 = tpu.memref_slice %arg9[%dma_wait3A_155, %dma_wait3A_156] : memref<10112x128xf32, #tpu.memory_space<vmem_shared>> -> memref<10112x128xf32, #tpu.memory_space<vmem_shared>>
        tpu.wait_indirect_dma semaphore(%run_scoped3A_137 : memref<!tpu.dma_semaphore, #tpu.memory_space<semaphore_mem>>) src(%dma_wait3A_151 : memref<64x128xf32, #tpu.memory_space<vmem>>) dst(%dma_wait3A_157 : memref<10112x128xf32, #tpu.memory_space<vmem_shared>>)
        tpu.yield
      }) : () -> ()
      %add3A_130 = arith.constant 2 : i32
      %add3A_131 = arith.addi %add3A_117, %add3A_130 : i32
      %lt3A_132 = arith.constant 158 : i32
      %lt3A_133 = arith.cmpi slt, %add3A_131, %lt3A_132 : i32
      %convert_element_type3A_134 = arith.extui %lt3A_133 : i1 to i32
      %cond3A_135 = arith.constant 0 : i32
      %cond3A_136 = arith.cmpi ne, %convert_element_type3A_134, %cond3A_135 : i32
      scf.if %cond3A_136 {
        %add3A_137 = arith.constant 2 : i32
        %add3A_138 = arith.addi %add3A_117, %add3A_137 : i32
        %mul3A_139 = arith.constant 64 : i32
        %mul3A_140 = arith.muli %add3A_138, %mul3A_139 : i32
        %dma_start3A_141 = arith.constant 1 : i32
        %dma_start3A_142 = arith.constant 0 : i32
        %dma_start3A_143 = arith.constant 0 : i32
        %dma_start3A_144 = tpu.memref_slice %arg8[%dma_start3A_141, %dma_start3A_142, %dma_start3A_143] : memref<2x64x128xf32, #tpu.memory_space<vmem>> -> memref<1x64x128xf32, #tpu.memory_space<vmem>>
        %dma_start3A_145 = tpu.memref_squeeze %dma_start3A_144 : memref<1x64x128xf32, #tpu.memory_space<vmem>> -> memref<64x128xf32, #tpu.memory_space<vmem>>
        %dma_start3A_146 = tpu.memref_slice %arg6[%mul3A_140] : memref<10112xi32, #tpu.memory_space<vmem>> -> memref<64xi32, #tpu.memory_space<vmem>>
        %dma_start3A_147 = arith.constant 0 : i32
        %dma_start3A_148 = arith.constant 0 : i32
        %dma_start3A_149 = tpu.memref_slice %arg2[%dma_start3A_147, %dma_start3A_148] : memref<10000x128xf32, #tpu.memory_space<hbm>> -> memref<10000x128xf32, #tpu.memory_space<hbm>>
        tpu.enqueue_indirect_dma source(%dma_start3A_149 : memref<10000x128xf32, #tpu.memory_space<hbm>>) target(%dma_start3A_145 : memref<64x128xf32, #tpu.memory_space<vmem>>) offsets(%dma_start3A_146 : memref<64xi32, #tpu.memory_space<vmem>>) semaphore(%arg11 : memref<!tpu.dma_semaphore, #tpu.memory_space<semaphore_mem>>)
      } else {
      }
    }
    %while3A_90 = arith.constant 1 : i32
    scf.for %while3A_94 = %while3A_88 to %while3A_84 step %while3A_90  : i32 {
      %mul3A_95 = arith.constant 2 : i32
      %mul3A_96 = arith.muli %while3A_94, %mul3A_95 : i32
      %add3A_97 = arith.constant 0 : i32
      %add3A_98 = arith.addi %mul3A_96, %add3A_97 : i32
      %mul3A_99 = arith.constant 64 : i32
      %mul3A_100 = arith.muli %add3A_98, %mul3A_99 : i32
      %dma_wait3A = arith.constant 0 : i32
      %dma_wait3A_101 = arith.constant 0 : i32
      %dma_wait3A_102 = arith.constant 0 : i32
      %dma_wait3A_103 = tpu.memref_slice %arg8[%dma_wait3A, %dma_wait3A_101, %dma_wait3A_102] : memref<2x64x128xf32, #tpu.memory_space<vmem>> -> memref<1x64x128xf32, #tpu.memory_space<vmem>>
      %dma_wait3A_104 = tpu.memref_squeeze %dma_wait3A_103 : memref<1x64x128xf32, #tpu.memory_space<vmem>> -> memref<64x128xf32, #tpu.memory_space<vmem>>
      %dma_wait3A_105 = tpu.memref_slice %arg6[%mul3A_100] : memref<10112xi32, #tpu.memory_space<vmem>> -> memref<64xi32, #tpu.memory_space<vmem>>
      %dma_wait3A_106 = arith.constant 0 : i32
      %dma_wait3A_107 = arith.constant 0 : i32
      %dma_wait3A_108 = tpu.memref_slice %arg2[%dma_wait3A_106, %dma_wait3A_107] : memref<10000x128xf32, #tpu.memory_space<hbm>> -> memref<10000x128xf32, #tpu.memory_space<hbm>>
      tpu.wait_indirect_dma semaphore(%arg10 : memref<!tpu.dma_semaphore, #tpu.memory_space<semaphore_mem>>) src(%dma_wait3A_108 : memref<10000x128xf32, #tpu.memory_space<hbm>>) dst(%dma_wait3A_104 : memref<64x128xf32, #tpu.memory_space<vmem>>)
      %run_scoped3A_109 = arith.constant 0 : i32
      "tpu.region"() ({
        %run_scoped3A_137 = tpu.sem_alloc : memref<!tpu.dma_semaphore, #tpu.memory_space<semaphore_mem>>
        %dma_start3A_138 = arith.constant 0 : i32
        %dma_start3A_139 = arith.constant 0 : i32
        %dma_start3A_140 = tpu.memref_slice %arg8[%run_scoped3A_109, %dma_start3A_138, %dma_start3A_139] : memref<2x64x128xf32, #tpu.memory_space<vmem>> -> memref<1x64x128xf32, #tpu.memory_space<vmem>>
        %dma_start3A_141 = tpu.memref_squeeze %dma_start3A_140 : memref<1x64x128xf32, #tpu.memory_space<vmem>> -> memref<64x128xf32, #tpu.memory_space<vmem>>
        %dma_start3A_142 = arith.constant 0 : i32
        %dma_start3A_143 = tpu.memref_slice %arg7[%add3A_98, %dma_start3A_142] : memref<158x64xi32, #tpu.memory_space<vmem>> -> memref<1x64xi32, #tpu.memory_space<vmem>>
        %dma_start3A_144 = tpu.memref_squeeze %dma_start3A_143 : memref<1x64xi32, #tpu.memory_space<vmem>> -> memref<64xi32, #tpu.memory_space<vmem>>
        %dma_start3A_145 = arith.constant 0 : i32
        %dma_start3A_146 = arith.constant 0 : i32
        %dma_start3A_147 = tpu.memref_slice %arg9[%dma_start3A_145, %dma_start3A_146] : memref<10112x128xf32, #tpu.memory_space<vmem_shared>> -> memref<10112x128xf32, #tpu.memory_space<vmem_shared>>
        tpu.enqueue_indirect_dma source(%dma_start3A_141 : memref<64x128xf32, #tpu.memory_space<vmem>>) target(%dma_start3A_147 : memref<10112x128xf32, #tpu.memory_space<vmem_shared>>) offsets(%dma_start3A_144 : memref<64xi32, #tpu.memory_space<vmem>>) semaphore(%run_scoped3A_137 : memref<!tpu.dma_semaphore, #tpu.memory_space<semaphore_mem>>) {add = true}
        %dma_wait3A_148 = arith.constant 0 : i32
        %dma_wait3A_149 = arith.constant 0 : i32
        %dma_wait3A_150 = tpu.memref_slice %arg8[%run_scoped3A_109, %dma_wait3A_148, %dma_wait3A_149] : memref<2x64x128xf32, #tpu.memory_space<vmem>> -> memref<1x64x128xf32, #tpu.memory_space<vmem>>
        %dma_wait3A_151 = tpu.memref_squeeze %dma_wait3A_150 : memref<1x64x128xf32, #tpu.memory_space<vmem>> -> memref<64x128xf32, #tpu.memory_space<vmem>>
        %dma_wait3A_152 = arith.constant 0 : i32
        %dma_wait3A_153 = tpu.memref_slice %arg7[%add3A_98, %dma_wait3A_152] : memref<158x64xi32, #tpu.memory_space<vmem>> -> memref<1x64xi32, #tpu.memory_space<vmem>>
        %dma_wait3A_154 = tpu.memref_squeeze %dma_wait3A_153 : memref<1x64xi32, #tpu.memory_space<vmem>> -> memref<64xi32, #tpu.memory_space<vmem>>
        %dma_wait3A_155 = arith.constant 0 : i32
        %dma_wait3A_156 = arith.constant 0 : i32
        %dma_wait3A_157 = tpu.memref_slice %arg9[%dma_wait3A_155, %dma_wait3A_156] : memref<10112x128xf32, #tpu.memory_space<vmem_shared>> -> memref<10112x128xf32, #tpu.memory_space<vmem_shared>>
        tpu.wait_indirect_dma semaphore(%run_scoped3A_137 : memref<!tpu.dma_semaphore, #tpu.memory_space<semaphore_mem>>) src(%dma_wait3A_151 : memref<64x128xf32, #tpu.memory_space<vmem>>) dst(%dma_wait3A_157 : memref<10112x128xf32, #tpu.memory_space<vmem_shared>>)
        tpu.yield
      }) : () -> ()
      %add3A_110 = arith.constant 2 : i32
      %add3A_111 = arith.addi %add3A_98, %add3A_110 : i32
      %lt3A = arith.constant 158 : i32
      %lt3A_112 = arith.cmpi slt, %add3A_111, %lt3A : i32
      %convert_element_type3A = arith.extui %lt3A_112 : i1 to i32
      %cond3A = arith.constant 0 : i32
      %cond3A_113 = arith.cmpi ne, %convert_element_type3A, %cond3A : i32
      scf.if %cond3A_113 {
        %add3A_137 = arith.constant 2 : i32
        %add3A_138 = arith.addi %add3A_98, %add3A_137 : i32
        %mul3A_139 = arith.constant 64 : i32
        %mul3A_140 = arith.muli %add3A_138, %mul3A_139 : i32
        %dma_start3A_141 = arith.constant 0 : i32
        %dma_start3A_142 = arith.constant 0 : i32
        %dma_start3A_143 = arith.constant 0 : i32
        %dma_start3A_144 = tpu.memref_slice %arg8[%dma_start3A_141, %dma_start3A_142, %dma_start3A_143] : memref<2x64x128xf32, #tpu.memory_space<vmem>> -> memref<1x64x128xf32, #tpu.memory_space<vmem>>
        %dma_start3A_145 = tpu.memref_squeeze %dma_start3A_144 : memref<1x64x128xf32, #tpu.memory_space<vmem>> -> memref<64x128xf32, #tpu.memory_space<vmem>>
        %dma_start3A_146 = tpu.memref_slice %arg6[%mul3A_140] : memref<10112xi32, #tpu.memory_space<vmem>> -> memref<64xi32, #tpu.memory_space<vmem>>
        %dma_start3A_147 = arith.constant 0 : i32
        %dma_start3A_148 = arith.constant 0 : i32
        %dma_start3A_149 = tpu.memref_slice %arg2[%dma_start3A_147, %dma_start3A_148] : memref<10000x128xf32, #tpu.memory_space<hbm>> -> memref<10000x128xf32, #tpu.memory_space<hbm>>
        tpu.enqueue_indirect_dma source(%dma_start3A_149 : memref<10000x128xf32, #tpu.memory_space<hbm>>) target(%dma_start3A_145 : memref<64x128xf32, #tpu.memory_space<vmem>>) offsets(%dma_start3A_146 : memref<64xi32, #tpu.memory_space<vmem>>) semaphore(%arg10 : memref<!tpu.dma_semaphore, #tpu.memory_space<semaphore_mem>>)
      } else {
      }
      %mul3A_114 = arith.constant 2 : i32
      %mul3A_115 = arith.muli %while3A_94, %mul3A_114 : i32
      %add3A_116 = arith.constant 1 : i32
      %add3A_117 = arith.addi %mul3A_115, %add3A_116 : i32
      %mul3A_118 = arith.constant 64 : i32
      %mul3A_119 = arith.muli %add3A_117, %mul3A_118 : i32
      %dma_wait3A_120 = arith.constant 1 : i32
      %dma_wait3A_121 = arith.constant 0 : i32
      %dma_wait3A_122 = arith.constant 0 : i32
      %dma_wait3A_123 = tpu.memref_slice %arg8[%dma_wait3A_120, %dma_wait3A_121, %dma_wait3A_122] : memref<2x64x128xf32, #tpu.memory_space<vmem>> -> memref<1x64x128xf32, #tpu.memory_space<vmem>>
      %dma_wait3A_124 = tpu.memref_squeeze %dma_wait3A_123 : memref<1x64x128xf32, #tpu.memory_space<vmem>> -> memref<64x128xf32, #tpu.memory_space<vmem>>
      %dma_wait3A_125 = tpu.memref_slice %arg6[%mul3A_119] : memref<10112xi32, #tpu.memory_space<vmem>> -> memref<64xi32, #tpu.memory_space<vmem>>
      %dma_wait3A_126 = arith.constant 0 : i32
      %dma_wait3A_127 = arith.constant 0 : i32
      %dma_wait3A_128 = tpu.memref_slice %arg2[%dma_wait3A_126, %dma_wait3A_127] : memref<10000x128xf32, #tpu.memory_space<hbm>> -> memref<10000x128xf32, #tpu.memory_space<hbm>>
      tpu.wait_indirect_dma semaphore(%arg11 : memref<!tpu.dma_semaphore, #tpu.memory_space<semaphore_mem>>) src(%dma_wait3A_128 : memref<10000x128xf32, #tpu.memory_space<hbm>>) dst(%dma_wait3A_124 : memref<64x128xf32, #tpu.memory_space<vmem>>)
      %run_scoped3A_129 = arith.constant 1 : i32
      "tpu.region"() ({
        %run_scoped3A_137 = tpu.sem_alloc : memref<!tpu.dma_semaphore, #tpu.memory_space<semaphore_mem>>
        %dma_start3A_138 = arith.constant 0 : i32
        %dma_start3A_139 = arith.constant 0 : i32
        %dma_start3A_140 = tpu.memref_slice %arg8[%run_scoped3A_129, %dma_start3A_138, %dma_start3A_139] : memref<2x64x128xf32, #tpu.memory_space<vmem>> -> memref<1x64x128xf32, #tpu.memory_space<vmem>>
        %dma_start3A_141 = tpu.memref_squeeze %dma_start3A_140 : memref<1x64x128xf32, #tpu.memory_space<vmem>> -> memref<64x128xf32, #tpu.memory_space<vmem>>
        %dma_start3A_142 = arith.constant 0 : i32
        %dma_start3A_143 = tpu.memref_slice %arg7[%add3A_117, %dma_start3A_142] : memref<158x64xi32, #tpu.memory_space<vmem>> -> memref<1x64xi32, #tpu.memory_space<vmem>>
        %dma_start3A_144 = tpu.memref_squeeze %dma_start3A_143 : memref<1x64xi32, #tpu.memory_space<vmem>> -> memref<64xi32, #tpu.memory_space<vmem>>
        %dma_start3A_145 = arith.constant 0 : i32
        %dma_start3A_146 = arith.constant 0 : i32
        %dma_start3A_147 = tpu.memref_slice %arg9[%dma_start3A_145, %dma_start3A_146] : memref<10112x128xf32, #tpu.memory_space<vmem_shared>> -> memref<10112x128xf32, #tpu.memory_space<vmem_shared>>
        tpu.enqueue_indirect_dma source(%dma_start3A_141 : memref<64x128xf32, #tpu.memory_space<vmem>>) target(%dma_start3A_147 : memref<10112x128xf32, #tpu.memory_space<vmem_shared>>) offsets(%dma_start3A_144 : memref<64xi32, #tpu.memory_space<vmem>>) semaphore(%run_scoped3A_137 : memref<!tpu.dma_semaphore, #tpu.memory_space<semaphore_mem>>) {add = true}
        %dma_wait3A_148 = arith.constant 0 : i32
        %dma_wait3A_149 = arith.constant 0 : i32
        %dma_wait3A_150 = tpu.memref_slice %arg8[%run_scoped3A_129, %dma_wait3A_148, %dma_wait3A_149] : memref<2x64x128xf32, #tpu.memory_space<vmem>> -> memref<1x64x128xf32, #tpu.memory_space<vmem>>
        %dma_wait3A_151 = tpu.memref_squeeze %dma_wait3A_150 : memref<1x64x128xf32, #tpu.memory_space<vmem>> -> memref<64x128xf32, #tpu.memory_space<vmem>>
        %dma_wait3A_152 = arith.constant 0 : i32
        %dma_wait3A_153 = tpu.memref_slice %arg7[%add3A_117, %dma_wait3A_152] : memref<158x64xi32, #tpu.memory_space<vmem>> -> memref<1x64xi32, #tpu.memory_space<vmem>>
        %dma_wait3A_154 = tpu.memref_squeeze %dma_wait3A_153 : memref<1x64xi32, #tpu.memory_space<vmem>> -> memref<64xi32, #tpu.memory_space<vmem>>
        %dma_wait3A_155 = arith.constant 0 : i32
        %dma_wait3A_156 = arith.constant 0 : i32
        %dma_wait3A_157 = tpu.memref_slice %arg9[%dma_wait3A_155, %dma_wait3A_156] : memref<10112x128xf32, #tpu.memory_space<vmem_shared>> -> memref<10112x128xf32, #tpu.memory_space<vmem_shared>>
        tpu.wait_indirect_dma semaphore(%run_scoped3A_137 : memref<!tpu.dma_semaphore, #tpu.memory_space<semaphore_mem>>) src(%dma_wait3A_151 : memref<64x128xf32, #tpu.memory_space<vmem>>) dst(%dma_wait3A_157 : memref<10112x128xf32, #tpu.memory_space<vmem_shared>>)
        tpu.yield
      }) : () -> ()
      %add3A_130 = arith.constant 2 : i32
      %add3A_131 = arith.addi %add3A_117, %add3A_130 : i32
      %lt3A_132 = arith.constant 158 : i32
      %lt3A_133 = arith.cmpi slt, %add3A_131, %lt3A_132 : i32
      %convert_element_type3A_134 = arith.extui %lt3A_133 : i1 to i32
      %cond3A_135 = arith.constant 0 : i32
      %cond3A_136 = arith.cmpi ne, %convert_element_type3A_134, %cond3A_135 : i32
      scf.if %cond3A_136 {
        %add3A_137 = arith.constant 2 : i32
        %add3A_138 = arith.addi %add3A_117, %add3A_137 : i32
        %mul3A_139 = arith.constant 64 : i32
        %mul3A_140 = arith.muli %add3A_138, %mul3A_139 : i32
        %dma_start3A_141 = arith.constant 1 : i32
        %dma_start3A_142 = arith.constant 0 : i32
        %dma_start3A_143 = arith.constant 0 : i32
        %dma_start3A_144 = tpu.memref_slice %arg8[%dma_start3A_141, %dma_start3A_142, %dma_start3A_143] : memref<2x64x128xf32, #tpu.memory_space<vmem>> -> memref<1x64x128xf32, #tpu.memory_space<vmem>>
        %dma_start3A_145 = tpu.memref_squeeze %dma_start3A_144 : memref<1x64x128xf32, #tpu.memory_space<vmem>> -> memref<64x128xf32, #tpu.memory_space<vmem>>
        %dma_start3A_146 = tpu.memref_slice %arg6[%mul3A_140] : memref<10112xi32, #tpu.memory_space<vmem>> -> memref<64xi32, #tpu.memory_space<vmem>>
        %dma_start3A_147 = arith.constant 0 : i32
        %dma_start3A_148 = arith.constant 0 : i32
        %dma_start3A_149 = tpu.memref_slice %arg2[%dma_start3A_147, %dma_start3A_148] : memref<10000x128xf32, #tpu.memory_space<hbm>> -> memref<10000x128xf32, #tpu.memory_space<hbm>>
        tpu.enqueue_indirect_dma source(%dma_start3A_149 : memref<10000x128xf32, #tpu.memory_space<hbm>>) target(%dma_start3A_145 : memref<64x128xf32, #tpu.memory_space<vmem>>) offsets(%dma_start3A_146 : memref<64xi32, #tpu.memory_space<vmem>>) semaphore(%arg11 : memref<!tpu.dma_semaphore, #tpu.memory_space<semaphore_mem>>)
      } else {
      }
    }
    %barrier3A_91 = arith.constant 0 : index
    tpu.barrier barrier_id(%barrier3A_91)
    %mul3A_92 = arith.constant 632 : i32
    %mul3A_93 = arith.muli %arg1, %mul3A_92 : i32
    "tpu.region"() ({
      %run_scoped3A_94 = tpu.sem_alloc : memref<!tpu.dma_semaphore, #tpu.memory_space<semaphore_mem>>
      %dma_start3A_95 = arith.constant 0 : i32
      %dma_start3A_96 = tpu.memref_slice %arg5[%arg0, %mul3A_93, %dma_start3A_95] : memref<2x10112x128xf32, #tpu.memory_space<hbm>> -> memref<1x632x128xf32, #tpu.memory_space<hbm>>
      %dma_start3A_97 = tpu.memref_squeeze %dma_start3A_96 : memref<1x632x128xf32, #tpu.memory_space<hbm>> -> memref<632x128xf32, #tpu.memory_space<hbm>>
      %dma_start3A_98 = arith.constant 0 : i32
      %dma_start3A_99 = tpu.memref_slice %arg9[%mul3A_93, %dma_start3A_98] : memref<10112x128xf32, #tpu.memory_space<vmem_shared>> -> memref<632x128xf32, #tpu.memory_space<vmem_shared>>
      tpu.enqueue_dma source(%dma_start3A_99 : memref<632x128xf32, #tpu.memory_space<vmem_shared>>) target(%dma_start3A_97 : memref<632x128xf32, #tpu.memory_space<hbm>>) target_semaphore(%run_scoped3A_94 : memref<!tpu.dma_semaphore, #tpu.memory_space<semaphore_mem>>)
      %dma_wait3A = arith.constant 0 : i32
      %dma_wait3A_100 = tpu.memref_slice %arg5[%arg0, %mul3A_93, %dma_wait3A] : memref<2x10112x128xf32, #tpu.memory_space<hbm>> -> memref<1x632x128xf32, #tpu.memory_space<hbm>>
      %dma_wait3A_101 = tpu.memref_squeeze %dma_wait3A_100 : memref<1x632x128xf32, #tpu.memory_space<hbm>> -> memref<632x128xf32, #tpu.memory_space<hbm>>
      %dma_wait3A_102 = arith.constant 0 : i32
      %dma_wait3A_103 = tpu.memref_slice %arg9[%mul3A_93, %dma_wait3A_102] : memref<10112x128xf32, #tpu.memory_space<vmem_shared>> -> memref<632x128xf32, #tpu.memory_space<vmem_shared>>
      tpu.wait_dma2 semaphore(%run_scoped3A_94 : memref<!tpu.dma_semaphore, #tpu.memory_space<semaphore_mem>>) src(%dma_wait3A_103 : memref<632x128xf32, #tpu.memory_space<vmem_shared>>) dst(%dma_wait3A_101 : memref<632x128xf32, #tpu.memory_space<hbm>>)
      tpu.yield
    }) : () -> ()
    return
  }
}

#map = affine_map<(d0, d1) -> (0)>
#map1 = affine_map<(d0, d1) -> (0, 0)>
module attributes {stable_mosaic.version = 14 : i64} {
  func.func @_score_body(%arg0: i32, %arg1: i32, %arg2: memref<40000xf32, #tpu.memory_space<hbm>>, %arg3: memref<32x10000xi32, #tpu.memory_space<hbm>>, %arg4: memref<32x10000xi32, #tpu.memory_space<hbm>>, %arg5: memref<128x10000xi32, #tpu.memory_space<hbm>>, %arg6: memref<40000xf32, #tpu.memory_space<vmem>>, %arg7: memref<10000xi32, #tpu.memory_space<vmem>>, %arg8: memref<10000xi32, #tpu.memory_space<vmem>>, %arg9: memref<4x10000xi32, #tpu.memory_space<vmem>>, %arg10: memref<!tpu.dma_semaphore, #tpu.memory_space<semaphore_mem>>) attributes {dimension_semantics = [#tpu.dimension_semantics<core_parallel>, #tpu.dimension_semantics<subcore_parallel>], iteration_bounds = array<i64: 2, 16>, scalar_prefetch = 0 : i64, scratch_operands = 5 : i64, tpu.core_type = #tpu.core_type<sc_vector_subcore>, window_params = [{transform_indices = #map}, {transform_indices = #map1}, {transform_indices = #map1}, {transform_indices = #map1}]} {
    %mul3A = arith.constant 16 : i32
    %mul3A_0 = arith.muli %arg0, %mul3A : i32
    %add3A = arith.addi %mul3A_0, %arg1 : i32
    "tpu.region"() ({
      %run_scoped3A_27 = tpu.sem_alloc : memref<!tpu.dma_semaphore, #tpu.memory_space<semaphore_mem>>
      tpu.enqueue_dma source(%arg2 : memref<40000xf32, #tpu.memory_space<hbm>>) target(%arg6 : memref<40000xf32, #tpu.memory_space<vmem>>) target_semaphore(%run_scoped3A_27 : memref<!tpu.dma_semaphore, #tpu.memory_space<semaphore_mem>>)
      tpu.wait_dma2 semaphore(%run_scoped3A_27 : memref<!tpu.dma_semaphore, #tpu.memory_space<semaphore_mem>>) src(%arg2 : memref<40000xf32, #tpu.memory_space<hbm>>) dst(%arg6 : memref<40000xf32, #tpu.memory_space<vmem>>)
      tpu.yield
    }) : () -> ()
    "tpu.region"() ({
      %run_scoped3A_27 = tpu.sem_alloc : memref<!tpu.dma_semaphore, #tpu.memory_space<semaphore_mem>>
      %dma_start3A = arith.constant 0 : i32
      %dma_start3A_28 = tpu.memref_slice %arg3[%add3A, %dma_start3A] : memref<32x10000xi32, #tpu.memory_space<hbm>> -> memref<1x10000xi32, #tpu.memory_space<hbm>>
      %dma_start3A_29 = tpu.memref_squeeze %dma_start3A_28 : memref<1x10000xi32, #tpu.memory_space<hbm>> -> memref<10000xi32, #tpu.memory_space<hbm>>
      %dma_start3A_30 = arith.constant 0 : i32
      %dma_start3A_31 = tpu.memref_slice %arg3[%add3A, %dma_start3A_30] : memref<32x10000xi32, #tpu.memory_space<hbm>> -> memref<1x10000xi32, #tpu.memory_space<hbm>>
      %dma_start3A_32 = tpu.memref_squeeze %dma_start3A_31 : memref<1x10000xi32, #tpu.memory_space<hbm>> -> memref<10000xi32, #tpu.memory_space<hbm>>
      tpu.enqueue_dma source(%dma_start3A_32 : memref<10000xi32, #tpu.memory_space<hbm>>) target(%arg7 : memref<10000xi32, #tpu.memory_space<vmem>>) target_semaphore(%run_scoped3A_27 : memref<!tpu.dma_semaphore, #tpu.memory_space<semaphore_mem>>)
      %dma_wait3A = arith.constant 0 : i32
      %dma_wait3A_33 = tpu.memref_slice %arg3[%add3A, %dma_wait3A] : memref<32x10000xi32, #tpu.memory_space<hbm>> -> memref<1x10000xi32, #tpu.memory_space<hbm>>
      %dma_wait3A_34 = tpu.memref_squeeze %dma_wait3A_33 : memref<1x10000xi32, #tpu.memory_space<hbm>> -> memref<10000xi32, #tpu.memory_space<hbm>>
      %dma_wait3A_35 = arith.constant 0 : i32
      %dma_wait3A_36 = tpu.memref_slice %arg3[%add3A, %dma_wait3A_35] : memref<32x10000xi32, #tpu.memory_space<hbm>> -> memref<1x10000xi32, #tpu.memory_space<hbm>>
      %dma_wait3A_37 = tpu.memref_squeeze %dma_wait3A_36 : memref<1x10000xi32, #tpu.memory_space<hbm>> -> memref<10000xi32, #tpu.memory_space<hbm>>
      tpu.wait_dma2 semaphore(%run_scoped3A_27 : memref<!tpu.dma_semaphore, #tpu.memory_space<semaphore_mem>>) src(%dma_wait3A_37 : memref<10000xi32, #tpu.memory_space<hbm>>) dst(%arg7 : memref<10000xi32, #tpu.memory_space<vmem>>)
      tpu.yield
    }) : () -> ()
    "tpu.region"() ({
      %run_scoped3A_27 = tpu.sem_alloc : memref<!tpu.dma_semaphore, #tpu.memory_space<semaphore_mem>>
      %dma_start3A = arith.constant 0 : i32
      %dma_start3A_28 = tpu.memref_slice %arg4[%add3A, %dma_start3A] : memref<32x10000xi32, #tpu.memory_space<hbm>> -> memref<1x10000xi32, #tpu.memory_space<hbm>>
      %dma_start3A_29 = tpu.memref_squeeze %dma_start3A_28 : memref<1x10000xi32, #tpu.memory_space<hbm>> -> memref<10000xi32, #tpu.memory_space<hbm>>
      %dma_start3A_30 = arith.constant 0 : i32
      %dma_start3A_31 = tpu.memref_slice %arg4[%add3A, %dma_start3A_30] : memref<32x10000xi32, #tpu.memory_space<hbm>> -> memref<1x10000xi32, #tpu.memory_space<hbm>>
      %dma_start3A_32 = tpu.memref_squeeze %dma_start3A_31 : memref<1x10000xi32, #tpu.memory_space<hbm>> -> memref<10000xi32, #tpu.memory_space<hbm>>
      tpu.enqueue_dma source(%dma_start3A_32 : memref<10000xi32, #tpu.memory_space<hbm>>) target(%arg8 : memref<10000xi32, #tpu.memory_space<vmem>>) target_semaphore(%run_scoped3A_27 : memref<!tpu.dma_semaphore, #tpu.memory_space<semaphore_mem>>)
      %dma_wait3A = arith.constant 0 : i32
      %dma_wait3A_33 = tpu.memref_slice %arg4[%add3A, %dma_wait3A] : memref<32x10000xi32, #tpu.memory_space<hbm>> -> memref<1x10000xi32, #tpu.memory_space<hbm>>
      %dma_wait3A_34 = tpu.memref_squeeze %dma_wait3A_33 : memref<1x10000xi32, #tpu.memory_space<hbm>> -> memref<10000xi32, #tpu.memory_space<hbm>>
      %dma_wait3A_35 = arith.constant 0 : i32
      %dma_wait3A_36 = tpu.memref_slice %arg4[%add3A, %dma_wait3A_35] : memref<32x10000xi32, #tpu.memory_space<hbm>> -> memref<1x10000xi32, #tpu.memory_space<hbm>>
      %dma_wait3A_37 = tpu.memref_squeeze %dma_wait3A_36 : memref<1x10000xi32, #tpu.memory_space<hbm>> -> memref<10000xi32, #tpu.memory_space<hbm>>
      tpu.wait_dma2 semaphore(%run_scoped3A_27 : memref<!tpu.dma_semaphore, #tpu.memory_space<semaphore_mem>>) src(%dma_wait3A_37 : memref<10000xi32, #tpu.memory_space<hbm>>) dst(%arg8 : memref<10000xi32, #tpu.memory_space<vmem>>)
      tpu.yield
    }) : () -> ()
    %iota3A = tpu.iota {dimensions = array<i32: 0>} : vector<16xi32>
    %broadcast_in_dim3A = arith.constant 0 : i32
    %broadcast_in_dim3A_1 = vector.broadcast %broadcast_in_dim3A : i32 to vector<16xi32>
    %while3A = arith.constant 0 : i32
    %while3A_2 = arith.constant 2139095040 : i32
    %while3A_3 = arith.constant -2147483648 : i32
    %while3A_4 = arith.constant 2147483647 : i32
    %while3A_5 = arith.constant 939524096 : i32
    %while3A_6 = arith.constant 0 : i32
    %while3A_7 = arith.constant 625 : i32
    %while3A_8 = arith.subi %while3A_7, %while3A_6 : i32
    %while3A_9 = arith.addi %while3A_6, %while3A_8 : i32
    %while3A_10 = arith.constant 1 : i32
    %while3A_11 = arith.divsi %while3A_8, %while3A_10 : i32
    %while3A_12 = arith.muli %while3A_11, %while3A_10 : i32
    %while3A_13 = arith.addi %while3A_6, %while3A_12 : i32
    %while3A_14 = arith.constant 1 : i32
    scf.for %while3A_27 = %while3A_6 to %while3A_13 step %while3A_14  : i32 {
      %mul3A_28 = arith.constant 16 : i32
      %mul3A_29 = arith.muli %while3A_27, %mul3A_28 : i32
      %get3A = arith.index_cast %mul3A_29 : i32 to index
      %get3A_30 = tpu.vector_load %arg7[%get3A] {strides = array<i32>} : memref<10000xi32, #tpu.memory_space<vmem>>, vector<16xi32>,
      %mul3A_31 = arith.constant 4 : i32
      %mul3A_32 = vector.broadcast %mul3A_31 : i32 to vector<16xi32>
      %mul3A_33 = arith.muli %get3A_30, %mul3A_32 : vector<16xi32>
      %mul3A_34 = arith.constant 16 : i32
      %mul3A_35 = arith.muli %while3A_27, %mul3A_34 : i32
      %get3A_36 = arith.index_cast %mul3A_35 : i32 to index
      %get3A_37 = tpu.vector_load %arg8[%get3A_36] {strides = array<i32>} : memref<10000xi32, #tpu.memory_space<vmem>>, vector<16xi32>,
      %mul3A_38 = arith.constant 4 : i32
      %mul3A_39 = vector.broadcast %mul3A_38 : i32 to vector<16xi32>
      %mul3A_40 = arith.muli %get3A_37, %mul3A_39 : vector<16xi32>
      %gather3A = tpu.vector_load_idx %arg6[%mul3A_33] : memref<40000xf32, #tpu.memory_space<vmem>>[vector<16xi32>], vector<16xf32>,
      %add3A_41 = arith.constant 1 : i32
      %add3A_42 = vector.broadcast %add3A_41 : i32 to vector<16xi32>
      %add3A_43 = arith.addi %mul3A_33, %add3A_42 : vector<16xi32>
      %gather3A_44 = tpu.vector_load_idx %arg6[%add3A_43] : memref<40000xf32, #tpu.memory_space<vmem>>[vector<16xi32>], vector<16xf32>,
      %add3A_45 = arith.constant 2 : i32
      %add3A_46 = vector.broadcast %add3A_45 : i32 to vector<16xi32>
      %add3A_47 = arith.addi %mul3A_40, %add3A_46 : vector<16xi32>
      %gather3A_48 = tpu.vector_load_idx %arg6[%add3A_47] : memref<40000xf32, #tpu.memory_space<vmem>>[vector<16xi32>], vector<16xf32>,
      %add3A_49 = arith.constant 3 : i32
      %add3A_50 = vector.broadcast %add3A_49 : i32 to vector<16xi32>
      %add3A_51 = arith.addi %mul3A_40, %add3A_50 : vector<16xi32>
      %gather3A_52 = tpu.vector_load_idx %arg6[%add3A_51] : memref<40000xf32, #tpu.memory_space<vmem>>[vector<16xi32>], vector<16xf32>,
      %add3A_53 = arith.addf %gather3A, %gather3A_48 : vector<16xf32>
      %bitcast3A = vector.bitcast %add3A_53 : vector<16xf32> to vector<16xi32>
      %and3A = vector.broadcast %while3A_2 : i32 to vector<16xi32>
      %and3A_54 = arith.andi %bitcast3A, %and3A : vector<16xi32>
      %ne3A = arith.cmpi ne, %and3A_54, %broadcast_in_dim3A_1 : vector<16xi32>
      %and3A_55 = vector.broadcast %while3A_3 : i32 to vector<16xi32>
      %and3A_56 = arith.andi %bitcast3A, %and3A_55 : vector<16xi32>
      %and3A_57 = vector.broadcast %while3A_4 : i32 to vector<16xi32>
      %and3A_58 = arith.andi %bitcast3A, %and3A_57 : vector<16xi32>
      %shift_right_arithmetic3A = arith.constant 3 : i32
      %shift_right_arithmetic3A_59 = vector.broadcast %shift_right_arithmetic3A : i32 to vector<16xi32>
      %shift_right_arithmetic3A_60 = arith.shrsi %and3A_58, %shift_right_arithmetic3A_59 : vector<16xi32>
      %add3A_61 = vector.broadcast %while3A_5 : i32 to vector<16xi32>
      %add3A_62 = arith.addi %shift_right_arithmetic3A_60, %add3A_61 : vector<16xi32>
      %or3A = arith.ori %and3A_56, %add3A_62 : vector<16xi32>
      %and3A_63 = arith.constant 7 : i32
      %and3A_64 = vector.broadcast %and3A_63 : i32 to vector<16xi32>
      %and3A_65 = arith.andi %bitcast3A, %and3A_64 : vector<16xi32>
      %shift_left3A = arith.constant 29 : i32
      %shift_left3A_66 = vector.broadcast %shift_left3A : i32 to vector<16xi32>
      %shift_left3A_67 = arith.shli %and3A_65, %shift_left3A_66 : vector<16xi32>
      %select_n3A = arith.select %ne3A, %shift_left3A_67, %broadcast_in_dim3A_1 : vector<16xi1>, vector<16xi32>
      %select_n3A_68 = arith.select %ne3A, %or3A, %broadcast_in_dim3A_1 : vector<16xi1>, vector<16xi32>
      %add3A_69 = arith.addf %gather3A_44, %gather3A_52 : vector<16xf32>
      %bitcast3A_70 = vector.bitcast %add3A_69 : vector<16xf32> to vector<16xi32>
      %and3A_71 = vector.broadcast %while3A_2 : i32 to vector<16xi32>
      %and3A_72 = arith.andi %bitcast3A_70, %and3A_71 : vector<16xi32>
      %ne3A_73 = arith.cmpi ne, %and3A_72, %broadcast_in_dim3A_1 : vector<16xi32>
      %and3A_74 = vector.broadcast %while3A_3 : i32 to vector<16xi32>
      %and3A_75 = arith.andi %bitcast3A_70, %and3A_74 : vector<16xi32>
      %and3A_76 = vector.broadcast %while3A_4 : i32 to vector<16xi32>
      %and3A_77 = arith.andi %bitcast3A_70, %and3A_76 : vector<16xi32>
      %shift_right_arithmetic3A_78 = arith.constant 3 : i32
      %shift_right_arithmetic3A_79 = vector.broadcast %shift_right_arithmetic3A_78 : i32 to vector<16xi32>
      %shift_right_arithmetic3A_80 = arith.shrsi %and3A_77, %shift_right_arithmetic3A_79 : vector<16xi32>
      %add3A_81 = vector.broadcast %while3A_5 : i32 to vector<16xi32>
      %add3A_82 = arith.addi %shift_right_arithmetic3A_80, %add3A_81 : vector<16xi32>
      %or3A_83 = arith.ori %and3A_75, %add3A_82 : vector<16xi32>
      %and3A_84 = arith.constant 7 : i32
      %and3A_85 = vector.broadcast %and3A_84 : i32 to vector<16xi32>
      %and3A_86 = arith.andi %bitcast3A_70, %and3A_85 : vector<16xi32>
      %shift_left3A_87 = arith.constant 29 : i32
      %shift_left3A_88 = vector.broadcast %shift_left3A_87 : i32 to vector<16xi32>
      %shift_left3A_89 = arith.shli %and3A_86, %shift_left3A_88 : vector<16xi32>
      %select_n3A_90 = arith.select %ne3A_73, %shift_left3A_89, %broadcast_in_dim3A_1 : vector<16xi1>, vector<16xi32>
      %select_n3A_91 = arith.select %ne3A_73, %or3A_83, %broadcast_in_dim3A_1 : vector<16xi1>, vector<16xi32>
      %mul3A_92 = arith.constant 16 : i32
      %mul3A_93 = arith.muli %while3A_27, %mul3A_92 : i32
      %swap3A = arith.constant 0 : i64
      %swap3A_94 = arith.index_cast %swap3A : i64 to index
      %swap3A_95 = arith.index_cast %mul3A_93 : i32 to index
      %swap3A_96 = tpu.vector_load %arg9[%swap3A_94, %swap3A_95] {strides = array<i32>} : memref<4x10000xi32, #tpu.memory_space<vmem>>, vector<16xi32>,
      tpu.vector_store %arg9[%swap3A_94, %swap3A_95], %select_n3A {strides = array<i32>} : memref<4x10000xi32, #tpu.memory_space<vmem>>, vector<16xi32>,
      %swap3A_97 = arith.constant 1 : i64
      %swap3A_98 = arith.index_cast %swap3A_97 : i64 to index
      %swap3A_99 = arith.index_cast %mul3A_93 : i32 to index
      %swap3A_100 = tpu.vector_load %arg9[%swap3A_98, %swap3A_99] {strides = array<i32>} : memref<4x10000xi32, #tpu.memory_space<vmem>>, vector<16xi32>,
      tpu.vector_store %arg9[%swap3A_98, %swap3A_99], %select_n3A_90 {strides = array<i32>} : memref<4x10000xi32, #tpu.memory_space<vmem>>, vector<16xi32>,
      %swap3A_101 = arith.constant 2 : i64
      %swap3A_102 = arith.index_cast %swap3A_101 : i64 to index
      %swap3A_103 = arith.index_cast %mul3A_93 : i32 to index
      %swap3A_104 = tpu.vector_load %arg9[%swap3A_102, %swap3A_103] {strides = array<i32>} : memref<4x10000xi32, #tpu.memory_space<vmem>>, vector<16xi32>,
      tpu.vector_store %arg9[%swap3A_102, %swap3A_103], %select_n3A_68 {strides = array<i32>} : memref<4x10000xi32, #tpu.memory_space<vmem>>, vector<16xi32>,
      %swap3A_105 = arith.constant 3 : i64
      %swap3A_106 = arith.index_cast %swap3A_105 : i64 to index
      %swap3A_107 = arith.index_cast %mul3A_93 : i32 to index
      %swap3A_108 = tpu.vector_load %arg9[%swap3A_106, %swap3A_107] {strides = array<i32>} : memref<4x10000xi32, #tpu.memory_space<vmem>>, vector<16xi32>,
      tpu.vector_store %arg9[%swap3A_106, %swap3A_107], %select_n3A_91 {strides = array<i32>} : memref<4x10000xi32, #tpu.memory_space<vmem>>, vector<16xi32>,
    }
    %while3A_15 = arith.constant 1 : i32
    scf.for %while3A_27 = %while3A_13 to %while3A_9 step %while3A_15  : i32 {
      %mul3A_28 = arith.constant 16 : i32
      %mul3A_29 = arith.muli %while3A_27, %mul3A_28 : i32
      %get3A = arith.index_cast %mul3A_29 : i32 to index
      %get3A_30 = tpu.vector_load %arg7[%get3A] {strides = array<i32>} : memref<10000xi32, #tpu.memory_space<vmem>>, vector<16xi32>,
      %mul3A_31 = arith.constant 4 : i32
      %mul3A_32 = vector.broadcast %mul3A_31 : i32 to vector<16xi32>
      %mul3A_33 = arith.muli %get3A_30, %mul3A_32 : vector<16xi32>
      %mul3A_34 = arith.constant 16 : i32
      %mul3A_35 = arith.muli %while3A_27, %mul3A_34 : i32
      %get3A_36 = arith.index_cast %mul3A_35 : i32 to index
      %get3A_37 = tpu.vector_load %arg8[%get3A_36] {strides = array<i32>} : memref<10000xi32, #tpu.memory_space<vmem>>, vector<16xi32>,
      %mul3A_38 = arith.constant 4 : i32
      %mul3A_39 = vector.broadcast %mul3A_38 : i32 to vector<16xi32>
      %mul3A_40 = arith.muli %get3A_37, %mul3A_39 : vector<16xi32>
      %gather3A = tpu.vector_load_idx %arg6[%mul3A_33] : memref<40000xf32, #tpu.memory_space<vmem>>[vector<16xi32>], vector<16xf32>,
      %add3A_41 = arith.constant 1 : i32
      %add3A_42 = vector.broadcast %add3A_41 : i32 to vector<16xi32>
      %add3A_43 = arith.addi %mul3A_33, %add3A_42 : vector<16xi32>
      %gather3A_44 = tpu.vector_load_idx %arg6[%add3A_43] : memref<40000xf32, #tpu.memory_space<vmem>>[vector<16xi32>], vector<16xf32>,
      %add3A_45 = arith.constant 2 : i32
      %add3A_46 = vector.broadcast %add3A_45 : i32 to vector<16xi32>
      %add3A_47 = arith.addi %mul3A_40, %add3A_46 : vector<16xi32>
      %gather3A_48 = tpu.vector_load_idx %arg6[%add3A_47] : memref<40000xf32, #tpu.memory_space<vmem>>[vector<16xi32>], vector<16xf32>,
      %add3A_49 = arith.constant 3 : i32
      %add3A_50 = vector.broadcast %add3A_49 : i32 to vector<16xi32>
      %add3A_51 = arith.addi %mul3A_40, %add3A_50 : vector<16xi32>
      %gather3A_52 = tpu.vector_load_idx %arg6[%add3A_51] : memref<40000xf32, #tpu.memory_space<vmem>>[vector<16xi32>], vector<16xf32>,
      %add3A_53 = arith.addf %gather3A, %gather3A_48 : vector<16xf32>
      %bitcast3A = vector.bitcast %add3A_53 : vector<16xf32> to vector<16xi32>
      %and3A = vector.broadcast %while3A_2 : i32 to vector<16xi32>
      %and3A_54 = arith.andi %bitcast3A, %and3A : vector<16xi32>
      %ne3A = arith.cmpi ne, %and3A_54, %broadcast_in_dim3A_1 : vector<16xi32>
      %and3A_55 = vector.broadcast %while3A_3 : i32 to vector<16xi32>
      %and3A_56 = arith.andi %bitcast3A, %and3A_55 : vector<16xi32>
      %and3A_57 = vector.broadcast %while3A_4 : i32 to vector<16xi32>
      %and3A_58 = arith.andi %bitcast3A, %and3A_57 : vector<16xi32>
      %shift_right_arithmetic3A = arith.constant 3 : i32
      %shift_right_arithmetic3A_59 = vector.broadcast %shift_right_arithmetic3A : i32 to vector<16xi32>
      %shift_right_arithmetic3A_60 = arith.shrsi %and3A_58, %shift_right_arithmetic3A_59 : vector<16xi32>
      %add3A_61 = vector.broadcast %while3A_5 : i32 to vector<16xi32>
      %add3A_62 = arith.addi %shift_right_arithmetic3A_60, %add3A_61 : vector<16xi32>
      %or3A = arith.ori %and3A_56, %add3A_62 : vector<16xi32>
      %and3A_63 = arith.constant 7 : i32
      %and3A_64 = vector.broadcast %and3A_63 : i32 to vector<16xi32>
      %and3A_65 = arith.andi %bitcast3A, %and3A_64 : vector<16xi32>
      %shift_left3A = arith.constant 29 : i32
      %shift_left3A_66 = vector.broadcast %shift_left3A : i32 to vector<16xi32>
      %shift_left3A_67 = arith.shli %and3A_65, %shift_left3A_66 : vector<16xi32>
      %select_n3A = arith.select %ne3A, %shift_left3A_67, %broadcast_in_dim3A_1 : vector<16xi1>, vector<16xi32>
      %select_n3A_68 = arith.select %ne3A, %or3A, %broadcast_in_dim3A_1 : vector<16xi1>, vector<16xi32>
      %add3A_69 = arith.addf %gather3A_44, %gather3A_52 : vector<16xf32>
      %bitcast3A_70 = vector.bitcast %add3A_69 : vector<16xf32> to vector<16xi32>
      %and3A_71 = vector.broadcast %while3A_2 : i32 to vector<16xi32>
      %and3A_72 = arith.andi %bitcast3A_70, %and3A_71 : vector<16xi32>
      %ne3A_73 = arith.cmpi ne, %and3A_72, %broadcast_in_dim3A_1 : vector<16xi32>
      %and3A_74 = vector.broadcast %while3A_3 : i32 to vector<16xi32>
      %and3A_75 = arith.andi %bitcast3A_70, %and3A_74 : vector<16xi32>
      %and3A_76 = vector.broadcast %while3A_4 : i32 to vector<16xi32>
      %and3A_77 = arith.andi %bitcast3A_70, %and3A_76 : vector<16xi32>
      %shift_right_arithmetic3A_78 = arith.constant 3 : i32
      %shift_right_arithmetic3A_79 = vector.broadcast %shift_right_arithmetic3A_78 : i32 to vector<16xi32>
      %shift_right_arithmetic3A_80 = arith.shrsi %and3A_77, %shift_right_arithmetic3A_79 : vector<16xi32>
      %add3A_81 = vector.broadcast %while3A_5 : i32 to vector<16xi32>
      %add3A_82 = arith.addi %shift_right_arithmetic3A_80, %add3A_81 : vector<16xi32>
      %or3A_83 = arith.ori %and3A_75, %add3A_82 : vector<16xi32>
      %and3A_84 = arith.constant 7 : i32
      %and3A_85 = vector.broadcast %and3A_84 : i32 to vector<16xi32>
      %and3A_86 = arith.andi %bitcast3A_70, %and3A_85 : vector<16xi32>
      %shift_left3A_87 = arith.constant 29 : i32
      %shift_left3A_88 = vector.broadcast %shift_left3A_87 : i32 to vector<16xi32>
      %shift_left3A_89 = arith.shli %and3A_86, %shift_left3A_88 : vector<16xi32>
      %select_n3A_90 = arith.select %ne3A_73, %shift_left3A_89, %broadcast_in_dim3A_1 : vector<16xi1>, vector<16xi32>
      %select_n3A_91 = arith.select %ne3A_73, %or3A_83, %broadcast_in_dim3A_1 : vector<16xi1>, vector<16xi32>
      %mul3A_92 = arith.constant 16 : i32
      %mul3A_93 = arith.muli %while3A_27, %mul3A_92 : i32
      %swap3A = arith.constant 0 : i64
      %swap3A_94 = arith.index_cast %swap3A : i64 to index
      %swap3A_95 = arith.index_cast %mul3A_93 : i32 to index
      %swap3A_96 = tpu.vector_load %arg9[%swap3A_94, %swap3A_95] {strides = array<i32>} : memref<4x10000xi32, #tpu.memory_space<vmem>>, vector<16xi32>,
      tpu.vector_store %arg9[%swap3A_94, %swap3A_95], %select_n3A {strides = array<i32>} : memref<4x10000xi32, #tpu.memory_space<vmem>>, vector<16xi32>,
      %swap3A_97 = arith.constant 1 : i64
      %swap3A_98 = arith.index_cast %swap3A_97 : i64 to index
      %swap3A_99 = arith.index_cast %mul3A_93 : i32 to index
      %swap3A_100 = tpu.vector_load %arg9[%swap3A_98, %swap3A_99] {strides = array<i32>} : memref<4x10000xi32, #tpu.memory_space<vmem>>, vector<16xi32>,
      tpu.vector_store %arg9[%swap3A_98, %swap3A_99], %select_n3A_90 {strides = array<i32>} : memref<4x10000xi32, #tpu.memory_space<vmem>>, vector<16xi32>,
      %swap3A_101 = arith.constant 2 : i64
      %swap3A_102 = arith.index_cast %swap3A_101 : i64 to index
      %swap3A_103 = arith.index_cast %mul3A_93 : i32 to index
      %swap3A_104 = tpu.vector_load %arg9[%swap3A_102, %swap3A_103] {strides = array<i32>} : memref<4x10000xi32, #tpu.memory_space<vmem>>, vector<16xi32>,
      tpu.vector_store %arg9[%swap3A_102, %swap3A_103], %select_n3A_68 {strides = array<i32>} : memref<4x10000xi32, #tpu.memory_space<vmem>>, vector<16xi32>,
      %swap3A_105 = arith.constant 3 : i64
      %swap3A_106 = arith.index_cast %swap3A_105 : i64 to index
      %swap3A_107 = arith.index_cast %mul3A_93 : i32 to index
      %swap3A_108 = tpu.vector_load %arg9[%swap3A_106, %swap3A_107] {strides = array<i32>} : memref<4x10000xi32, #tpu.memory_space<vmem>>, vector<16xi32>,
      tpu.vector_store %arg9[%swap3A_106, %swap3A_107], %select_n3A_91 {strides = array<i32>} : memref<4x10000xi32, #tpu.memory_space<vmem>>, vector<16xi32>,
    }
    %add3A_16 = arith.constant 0 : i32
    %add3A_17 = arith.addi %add3A_16, %add3A : i32
    %run_scoped3A = arith.constant 0 : i32
    "tpu.region"() ({
      %run_scoped3A_27 = tpu.sem_alloc : memref<!tpu.dma_semaphore, #tpu.memory_space<semaphore_mem>>
      %dma_start3A = arith.constant 0 : i32
      %dma_start3A_28 = tpu.memref_slice %arg9[%run_scoped3A, %dma_start3A] : memref<4x10000xi32, #tpu.memory_space<vmem>> -> memref<1x10000xi32, #tpu.memory_space<vmem>>
      %dma_start3A_29 = tpu.memref_squeeze %dma_start3A_28 : memref<1x10000xi32, #tpu.memory_space<vmem>> -> memref<10000xi32, #tpu.memory_space<vmem>>
      %dma_start3A_30 = arith.constant 0 : i32
      %dma_start3A_31 = tpu.memref_slice %arg5[%add3A_17, %dma_start3A_30] : memref<128x10000xi32, #tpu.memory_space<hbm>> -> memref<1x10000xi32, #tpu.memory_space<hbm>>
      %dma_start3A_32 = tpu.memref_squeeze %dma_start3A_31 : memref<1x10000xi32, #tpu.memory_space<hbm>> -> memref<10000xi32, #tpu.memory_space<hbm>>
      %dma_start3A_33 = arith.constant 0 : i32
      %dma_start3A_34 = tpu.memref_slice %arg5[%add3A_17, %dma_start3A_33] : memref<128x10000xi32, #tpu.memory_space<hbm>> -> memref<1x10000xi32, #tpu.memory_space<hbm>>
      %dma_start3A_35 = tpu.memref_squeeze %dma_start3A_34 : memref<1x10000xi32, #tpu.memory_space<hbm>> -> memref<10000xi32, #tpu.memory_space<hbm>>
      %dma_start3A_36 = arith.constant 0 : i32
      %dma_start3A_37 = tpu.memref_slice %arg9[%run_scoped3A, %dma_start3A_36] : memref<4x10000xi32, #tpu.memory_space<vmem>> -> memref<1x10000xi32, #tpu.memory_space<vmem>>
      %dma_start3A_38 = tpu.memref_squeeze %dma_start3A_37 : memref<1x10000xi32, #tpu.memory_space<vmem>> -> memref<10000xi32, #tpu.memory_space<vmem>>
      tpu.enqueue_dma source(%dma_start3A_38 : memref<10000xi32, #tpu.memory_space<vmem>>) target(%dma_start3A_35 : memref<10000xi32, #tpu.memory_space<hbm>>) target_semaphore(%run_scoped3A_27 : memref<!tpu.dma_semaphore, #tpu.memory_space<semaphore_mem>>)
      %dma_wait3A = arith.constant 0 : i32
      %dma_wait3A_39 = tpu.memref_slice %arg9[%run_scoped3A, %dma_wait3A] : memref<4x10000xi32, #tpu.memory_space<vmem>> -> memref<1x10000xi32, #tpu.memory_space<vmem>>
      %dma_wait3A_40 = tpu.memref_squeeze %dma_wait3A_39 : memref<1x10000xi32, #tpu.memory_space<vmem>> -> memref<10000xi32, #tpu.memory_space<vmem>>
      %dma_wait3A_41 = arith.constant 0 : i32
      %dma_wait3A_42 = tpu.memref_slice %arg5[%add3A_17, %dma_wait3A_41] : memref<128x10000xi32, #tpu.memory_space<hbm>> -> memref<1x10000xi32, #tpu.memory_space<hbm>>
      %dma_wait3A_43 = tpu.memref_squeeze %dma_wait3A_42 : memref<1x10000xi32, #tpu.memory_space<hbm>> -> memref<10000xi32, #tpu.memory_space<hbm>>
      %dma_wait3A_44 = arith.constant 0 : i32
      %dma_wait3A_45 = tpu.memref_slice %arg5[%add3A_17, %dma_wait3A_44] : memref<128x10000xi32, #tpu.memory_space<hbm>> -> memref<1x10000xi32, #tpu.memory_space<hbm>>
      %dma_wait3A_46 = tpu.memref_squeeze %dma_wait3A_45 : memref<1x10000xi32, #tpu.memory_space<hbm>> -> memref<10000xi32, #tpu.memory_space<hbm>>
      %dma_wait3A_47 = arith.constant 0 : i32
      %dma_wait3A_48 = tpu.memref_slice %arg9[%run_scoped3A, %dma_wait3A_47] : memref<4x10000xi32, #tpu.memory_space<vmem>> -> memref<1x10000xi32, #tpu.memory_space<vmem>>
      %dma_wait3A_49 = tpu.memref_squeeze %dma_wait3A_48 : memref<1x10000xi32, #tpu.memory_space<vmem>> -> memref<10000xi32, #tpu.memory_space<vmem>>
      tpu.wait_dma2 semaphore(%run_scoped3A_27 : memref<!tpu.dma_semaphore, #tpu.memory_space<semaphore_mem>>) src(%dma_wait3A_49 : memref<10000xi32, #tpu.memory_space<vmem>>) dst(%dma_wait3A_46 : memref<10000xi32, #tpu.memory_space<hbm>>)
      tpu.yield
    }) : () -> ()
    %add3A_18 = arith.constant 32 : i32
    %add3A_19 = arith.addi %add3A_18, %add3A : i32
    %run_scoped3A_20 = arith.constant 1 : i32
    "tpu.region"() ({
      %run_scoped3A_27 = tpu.sem_alloc : memref<!tpu.dma_semaphore, #tpu.memory_space<semaphore_mem>>
      %dma_start3A = arith.constant 0 : i32
      %dma_start3A_28 = tpu.memref_slice %arg9[%run_scoped3A_20, %dma_start3A] : memref<4x10000xi32, #tpu.memory_space<vmem>> -> memref<1x10000xi32, #tpu.memory_space<vmem>>
      %dma_start3A_29 = tpu.memref_squeeze %dma_start3A_28 : memref<1x10000xi32, #tpu.memory_space<vmem>> -> memref<10000xi32, #tpu.memory_space<vmem>>
      %dma_start3A_30 = arith.constant 0 : i32
      %dma_start3A_31 = tpu.memref_slice %arg5[%add3A_19, %dma_start3A_30] : memref<128x10000xi32, #tpu.memory_space<hbm>> -> memref<1x10000xi32, #tpu.memory_space<hbm>>
      %dma_start3A_32 = tpu.memref_squeeze %dma_start3A_31 : memref<1x10000xi32, #tpu.memory_space<hbm>> -> memref<10000xi32, #tpu.memory_space<hbm>>
      %dma_start3A_33 = arith.constant 0 : i32
      %dma_start3A_34 = tpu.memref_slice %arg5[%add3A_19, %dma_start3A_33] : memref<128x10000xi32, #tpu.memory_space<hbm>> -> memref<1x10000xi32, #tpu.memory_space<hbm>>
      %dma_start3A_35 = tpu.memref_squeeze %dma_start3A_34 : memref<1x10000xi32, #tpu.memory_space<hbm>> -> memref<10000xi32, #tpu.memory_space<hbm>>
      %dma_start3A_36 = arith.constant 0 : i32
      %dma_start3A_37 = tpu.memref_slice %arg9[%run_scoped3A_20, %dma_start3A_36] : memref<4x10000xi32, #tpu.memory_space<vmem>> -> memref<1x10000xi32, #tpu.memory_space<vmem>>
      %dma_start3A_38 = tpu.memref_squeeze %dma_start3A_37 : memref<1x10000xi32, #tpu.memory_space<vmem>> -> memref<10000xi32, #tpu.memory_space<vmem>>
      tpu.enqueue_dma source(%dma_start3A_38 : memref<10000xi32, #tpu.memory_space<vmem>>) target(%dma_start3A_35 : memref<10000xi32, #tpu.memory_space<hbm>>) target_semaphore(%run_scoped3A_27 : memref<!tpu.dma_semaphore, #tpu.memory_space<semaphore_mem>>)
      %dma_wait3A = arith.constant 0 : i32
      %dma_wait3A_39 = tpu.memref_slice %arg9[%run_scoped3A_20, %dma_wait3A] : memref<4x10000xi32, #tpu.memory_space<vmem>> -> memref<1x10000xi32, #tpu.memory_space<vmem>>
      %dma_wait3A_40 = tpu.memref_squeeze %dma_wait3A_39 : memref<1x10000xi32, #tpu.memory_space<vmem>> -> memref<10000xi32, #tpu.memory_space<vmem>>
      %dma_wait3A_41 = arith.constant 0 : i32
      %dma_wait3A_42 = tpu.memref_slice %arg5[%add3A_19, %dma_wait3A_41] : memref<128x10000xi32, #tpu.memory_space<hbm>> -> memref<1x10000xi32, #tpu.memory_space<hbm>>
      %dma_wait3A_43 = tpu.memref_squeeze %dma_wait3A_42 : memref<1x10000xi32, #tpu.memory_space<hbm>> -> memref<10000xi32, #tpu.memory_space<hbm>>
      %dma_wait3A_44 = arith.constant 0 : i32
      %dma_wait3A_45 = tpu.memref_slice %arg5[%add3A_19, %dma_wait3A_44] : memref<128x10000xi32, #tpu.memory_space<hbm>> -> memref<1x10000xi32, #tpu.memory_space<hbm>>
      %dma_wait3A_46 = tpu.memref_squeeze %dma_wait3A_45 : memref<1x10000xi32, #tpu.memory_space<hbm>> -> memref<10000xi32, #tpu.memory_space<hbm>>
      %dma_wait3A_47 = arith.constant 0 : i32
      %dma_wait3A_48 = tpu.memref_slice %arg9[%run_scoped3A_20, %dma_wait3A_47] : memref<4x10000xi32, #tpu.memory_space<vmem>> -> memref<1x10000xi32, #tpu.memory_space<vmem>>
      %dma_wait3A_49 = tpu.memref_squeeze %dma_wait3A_48 : memref<1x10000xi32, #tpu.memory_space<vmem>> -> memref<10000xi32, #tpu.memory_space<vmem>>
      tpu.wait_dma2 semaphore(%run_scoped3A_27 : memref<!tpu.dma_semaphore, #tpu.memory_space<semaphore_mem>>) src(%dma_wait3A_49 : memref<10000xi32, #tpu.memory_space<vmem>>) dst(%dma_wait3A_46 : memref<10000xi32, #tpu.memory_space<hbm>>)
      tpu.yield
    }) : () -> ()
    %add3A_21 = arith.constant 64 : i32
    %add3A_22 = arith.addi %add3A_21, %add3A : i32
    %run_scoped3A_23 = arith.constant 2 : i32
    "tpu.region"() ({
      %run_scoped3A_27 = tpu.sem_alloc : memref<!tpu.dma_semaphore, #tpu.memory_space<semaphore_mem>>
      %dma_start3A = arith.constant 0 : i32
      %dma_start3A_28 = tpu.memref_slice %arg9[%run_scoped3A_23, %dma_start3A] : memref<4x10000xi32, #tpu.memory_space<vmem>> -> memref<1x10000xi32, #tpu.memory_space<vmem>>
      %dma_start3A_29 = tpu.memref_squeeze %dma_start3A_28 : memref<1x10000xi32, #tpu.memory_space<vmem>> -> memref<10000xi32, #tpu.memory_space<vmem>>
      %dma_start3A_30 = arith.constant 0 : i32
      %dma_start3A_31 = tpu.memref_slice %arg5[%add3A_22, %dma_start3A_30] : memref<128x10000xi32, #tpu.memory_space<hbm>> -> memref<1x10000xi32, #tpu.memory_space<hbm>>
      %dma_start3A_32 = tpu.memref_squeeze %dma_start3A_31 : memref<1x10000xi32, #tpu.memory_space<hbm>> -> memref<10000xi32, #tpu.memory_space<hbm>>
      %dma_start3A_33 = arith.constant 0 : i32
      %dma_start3A_34 = tpu.memref_slice %arg5[%add3A_22, %dma_start3A_33] : memref<128x10000xi32, #tpu.memory_space<hbm>> -> memref<1x10000xi32, #tpu.memory_space<hbm>>
      %dma_start3A_35 = tpu.memref_squeeze %dma_start3A_34 : memref<1x10000xi32, #tpu.memory_space<hbm>> -> memref<10000xi32, #tpu.memory_space<hbm>>
      %dma_start3A_36 = arith.constant 0 : i32
      %dma_start3A_37 = tpu.memref_slice %arg9[%run_scoped3A_23, %dma_start3A_36] : memref<4x10000xi32, #tpu.memory_space<vmem>> -> memref<1x10000xi32, #tpu.memory_space<vmem>>
      %dma_start3A_38 = tpu.memref_squeeze %dma_start3A_37 : memref<1x10000xi32, #tpu.memory_space<vmem>> -> memref<10000xi32, #tpu.memory_space<vmem>>
      tpu.enqueue_dma source(%dma_start3A_38 : memref<10000xi32, #tpu.memory_space<vmem>>) target(%dma_start3A_35 : memref<10000xi32, #tpu.memory_space<hbm>>) target_semaphore(%run_scoped3A_27 : memref<!tpu.dma_semaphore, #tpu.memory_space<semaphore_mem>>)
      %dma_wait3A = arith.constant 0 : i32
      %dma_wait3A_39 = tpu.memref_slice %arg9[%run_scoped3A_23, %dma_wait3A] : memref<4x10000xi32, #tpu.memory_space<vmem>> -> memref<1x10000xi32, #tpu.memory_space<vmem>>
      %dma_wait3A_40 = tpu.memref_squeeze %dma_wait3A_39 : memref<1x10000xi32, #tpu.memory_space<vmem>> -> memref<10000xi32, #tpu.memory_space<vmem>>
      %dma_wait3A_41 = arith.constant 0 : i32
      %dma_wait3A_42 = tpu.memref_slice %arg5[%add3A_22, %dma_wait3A_41] : memref<128x10000xi32, #tpu.memory_space<hbm>> -> memref<1x10000xi32, #tpu.memory_space<hbm>>
      %dma_wait3A_43 = tpu.memref_squeeze %dma_wait3A_42 : memref<1x10000xi32, #tpu.memory_space<hbm>> -> memref<10000xi32, #tpu.memory_space<hbm>>
      %dma_wait3A_44 = arith.constant 0 : i32
      %dma_wait3A_45 = tpu.memref_slice %arg5[%add3A_22, %dma_wait3A_44] : memref<128x10000xi32, #tpu.memory_space<hbm>> -> memref<1x10000xi32, #tpu.memory_space<hbm>>
      %dma_wait3A_46 = tpu.memref_squeeze %dma_wait3A_45 : memref<1x10000xi32, #tpu.memory_space<hbm>> -> memref<10000xi32, #tpu.memory_space<hbm>>
      %dma_wait3A_47 = arith.constant 0 : i32
      %dma_wait3A_48 = tpu.memref_slice %arg9[%run_scoped3A_23, %dma_wait3A_47] : memref<4x10000xi32, #tpu.memory_space<vmem>> -> memref<1x10000xi32, #tpu.memory_space<vmem>>
      %dma_wait3A_49 = tpu.memref_squeeze %dma_wait3A_48 : memref<1x10000xi32, #tpu.memory_space<vmem>> -> memref<10000xi32, #tpu.memory_space<vmem>>
      tpu.wait_dma2 semaphore(%run_scoped3A_27 : memref<!tpu.dma_semaphore, #tpu.memory_space<semaphore_mem>>) src(%dma_wait3A_49 : memref<10000xi32, #tpu.memory_space<vmem>>) dst(%dma_wait3A_46 : memref<10000xi32, #tpu.memory_space<hbm>>)
      tpu.yield
    }) : () -> ()
    %add3A_24 = arith.constant 96 : i32
    %add3A_25 = arith.addi %add3A_24, %add3A : i32
    %run_scoped3A_26 = arith.constant 3 : i32
    "tpu.region"() ({
      %run_scoped3A_27 = tpu.sem_alloc : memref<!tpu.dma_semaphore, #tpu.memory_space<semaphore_mem>>
      %dma_start3A = arith.constant 0 : i32
      %dma_start3A_28 = tpu.memref_slice %arg9[%run_scoped3A_26, %dma_start3A] : memref<4x10000xi32, #tpu.memory_space<vmem>> -> memref<1x10000xi32, #tpu.memory_space<vmem>>
      %dma_start3A_29 = tpu.memref_squeeze %dma_start3A_28 : memref<1x10000xi32, #tpu.memory_space<vmem>> -> memref<10000xi32, #tpu.memory_space<vmem>>
      %dma_start3A_30 = arith.constant 0 : i32
      %dma_start3A_31 = tpu.memref_slice %arg5[%add3A_25, %dma_start3A_30] : memref<128x10000xi32, #tpu.memory_space<hbm>> -> memref<1x10000xi32, #tpu.memory_space<hbm>>
      %dma_start3A_32 = tpu.memref_squeeze %dma_start3A_31 : memref<1x10000xi32, #tpu.memory_space<hbm>> -> memref<10000xi32, #tpu.memory_space<hbm>>
      %dma_start3A_33 = arith.constant 0 : i32
      %dma_start3A_34 = tpu.memref_slice %arg5[%add3A_25, %dma_start3A_33] : memref<128x10000xi32, #tpu.memory_space<hbm>> -> memref<1x10000xi32, #tpu.memory_space<hbm>>
      %dma_start3A_35 = tpu.memref_squeeze %dma_start3A_34 : memref<1x10000xi32, #tpu.memory_space<hbm>> -> memref<10000xi32, #tpu.memory_space<hbm>>
      %dma_start3A_36 = arith.constant 0 : i32
      %dma_start3A_37 = tpu.memref_slice %arg9[%run_scoped3A_26, %dma_start3A_36] : memref<4x10000xi32, #tpu.memory_space<vmem>> -> memref<1x10000xi32, #tpu.memory_space<vmem>>
      %dma_start3A_38 = tpu.memref_squeeze %dma_start3A_37 : memref<1x10000xi32, #tpu.memory_space<vmem>> -> memref<10000xi32, #tpu.memory_space<vmem>>
      tpu.enqueue_dma source(%dma_start3A_38 : memref<10000xi32, #tpu.memory_space<vmem>>) target(%dma_start3A_35 : memref<10000xi32, #tpu.memory_space<hbm>>) target_semaphore(%run_scoped3A_27 : memref<!tpu.dma_semaphore, #tpu.memory_space<semaphore_mem>>)
      %dma_wait3A = arith.constant 0 : i32
      %dma_wait3A_39 = tpu.memref_slice %arg9[%run_scoped3A_26, %dma_wait3A] : memref<4x10000xi32, #tpu.memory_space<vmem>> -> memref<1x10000xi32, #tpu.memory_space<vmem>>
      %dma_wait3A_40 = tpu.memref_squeeze %dma_wait3A_39 : memref<1x10000xi32, #tpu.memory_space<vmem>> -> memref<10000xi32, #tpu.memory_space<vmem>>
      %dma_wait3A_41 = arith.constant 0 : i32
      %dma_wait3A_42 = tpu.memref_slice %arg5[%add3A_25, %dma_wait3A_41] : memref<128x10000xi32, #tpu.memory_space<hbm>> -> memref<1x10000xi32, #tpu.memory_space<hbm>>
      %dma_wait3A_43 = tpu.memref_squeeze %dma_wait3A_42 : memref<1x10000xi32, #tpu.memory_space<hbm>> -> memref<10000xi32, #tpu.memory_space<hbm>>
      %dma_wait3A_44 = arith.constant 0 : i32
      %dma_wait3A_45 = tpu.memref_slice %arg5[%add3A_25, %dma_wait3A_44] : memref<128x10000xi32, #tpu.memory_space<hbm>> -> memref<1x10000xi32, #tpu.memory_space<hbm>>
      %dma_wait3A_46 = tpu.memref_squeeze %dma_wait3A_45 : memref<1x10000xi32, #tpu.memory_space<hbm>> -> memref<10000xi32, #tpu.memory_space<hbm>>
      %dma_wait3A_47 = arith.constant 0 : i32
      %dma_wait3A_48 = tpu.memref_slice %arg9[%run_scoped3A_26, %dma_wait3A_47] : memref<4x10000xi32, #tpu.memory_space<vmem>> -> memref<1x10000xi32, #tpu.memory_space<vmem>>
      %dma_wait3A_49 = tpu.memref_squeeze %dma_wait3A_48 : memref<1x10000xi32, #tpu.memory_space<vmem>> -> memref<10000xi32, #tpu.memory_space<vmem>>
      tpu.wait_dma2 semaphore(%run_scoped3A_27 : memref<!tpu.dma_semaphore, #tpu.memory_space<semaphore_mem>>) src(%dma_wait3A_49 : memref<10000xi32, #tpu.memory_space<vmem>>) dst(%dma_wait3A_46 : memref<10000xi32, #tpu.memory_space<hbm>>)
      tpu.yield
    }) : () -> ()
    return
  }
}

module attributes {stable_mosaic.version = 14 : i64} {
  func.func @_y_body(%arg0: i32, %arg1: memref<2000x128xf32, #tpu.memory_space<vmem>>, %arg2: memref<128x128xf32, #tpu.memory_space<vmem>>, %arg3: memref<2000x32xf32, #tpu.memory_space<vmem>>, %arg4: memref<2000x128xf32, #tpu.memory_space<vmem>>) attributes {dimension_semantics = [#tpu.dimension_semantics<arbitrary>], iteration_bounds = array<i64: 5>, scalar_prefetch = 0 : i64, scratch_operands = 0 : i64, tpu.core_type = #tpu.core_type<tc>, window_params = [{transform_indices = @transform_0, window_bounds = array<i64: 2000, 128>}, {pipeline_mode = #tpu.pipeline_mode<synchronous>, transform_indices = @transform_1, window_bounds = array<i64: 128, 128>}, {transform_indices = @transform_2, window_bounds = array<i64: 2000, 32>}, {transform_indices = @transform_3, window_bounds = array<i64: 2000, 128>}]} {
    %get3A = arith.constant 0 : index
    %get3A_0 = arith.constant 0 : index
    %get3A_1 = vector.load %arg3[%get3A, %get3A_0] : memref<2000x32xf32, #tpu.memory_space<vmem>>, vector<2000x32xf32>
    %reduce_sum3A = arith.constant dense<0.000000e+00> : vector<2000xf32>
    %reduce_sum3A_2 = vector.multi_reduction <add>, %get3A_1, %reduce_sum3A [1] : vector<2000x32xf32> to vector<2000xf32>
    %broadcast_in_dim3A = vector.shape_cast %reduce_sum3A_2 : vector<2000xf32> to vector<2000x1xf32>
    %add3A = arith.constant 1.000000e+00 : f32
    %add3A_3 = vector.broadcast %add3A : f32 to vector<2000x1xf32>
    %add3A_4 = arith.addf %broadcast_in_dim3A, %add3A_3 : vector<2000x1xf32>
    %rsqrt3A = math.rsqrt %add3A_4 : vector<2000x1xf32>
    %get3A_5 = arith.constant 0 : index
    %get3A_6 = arith.constant 0 : index
    %get3A_7 = vector.load %arg1[%get3A_5, %get3A_6] : memref<2000x128xf32, #tpu.memory_space<vmem>>, vector<2000x128xf32>
    %get3A_8 = arith.constant 0 : index
    %get3A_9 = arith.constant 0 : index
    %get3A_10 = vector.load %arg2[%get3A_8, %get3A_9] : memref<128x128xf32, #tpu.memory_space<vmem>>, vector<128x128xf32>
    %dot_general3A = arith.constant dense<0.000000e+00> : vector<2000x128xf32>
    %dot_general3A_11 = tpu.matmul %get3A_7, %get3A_10, %dot_general3A {dimension_numbers = #tpu.dot_dimension_numbers<[1], [0], [0], [1], [0, 0, 1, 1], [], []>, precision = #tpu.contract_precision<fp32>, transpose_lhs_hint = false} : vector<2000x128xf32>, vector<128x128xf32>, vector<2000x128xf32> -> vector<2000x128xf32>
    %mul3A = vector.broadcast %rsqrt3A : vector<2000x1xf32> to vector<2000x128xf32>
    %mul3A_12 = arith.mulf %dot_general3A_11, %mul3A : vector<2000x128xf32>
    %swap3A = arith.constant 0 : index
    %swap3A_13 = arith.constant 0 : index
    %swap3A_14 = vector.load %arg4[%swap3A, %swap3A_13] : memref<2000x128xf32, #tpu.memory_space<vmem>>, vector<2000x128xf32>
    tpu.vector_store %arg4[%swap3A, %swap3A_13], %mul3A_12 {strides = array<i32>} : memref<2000x128xf32, #tpu.memory_space<vmem>>, vector<2000x128xf32>,
    return
  }
  func.func @transform_0(%arg0: i32) -> (i32, i32) {
    %c0_i32 = arith.constant 0 : i32
    %c0_i32_0 = arith.constant 0 : i32
    return %arg0, %c0_i32 : i32, i32
  }
  func.func @transform_1(%arg0: i32) -> (i32, i32) {
    %c0_i32 = arith.constant 0 : i32
    %c0_i32_0 = arith.constant 0 : i32
    %c0_i32_1 = arith.constant 0 : i32
    return %c0_i32, %c0_i32_0 : i32, i32
  }
  func.func @transform_2(%arg0: i32) -> (i32, i32) {
    %c0_i32 = arith.constant 0 : i32
    %c0_i32_0 = arith.constant 0 : i32
    return %arg0, %c0_i32 : i32, i32
  }
  func.func @transform_3(%arg0: i32) -> (i32, i32) {
    %c0_i32 = arith.constant 0 : i32
    %c0_i32_0 = arith.constant 0 : i32
    return %arg0, %c0_i32 : i32, i32
  }
}

module attributes {stable_mosaic.version = 14 : i64} {
  func.func @_h_body(%arg0: i32, %arg1: memref<2x2000x128xf32, #tpu.memory_space<vmem>>, %arg2: memref<2000x128xf32, #tpu.memory_space<vmem>>, %arg3: memref<2000x32xf32, #tpu.memory_space<vmem>>, %arg4: memref<1x128xf32, #tpu.memory_space<vmem>>, %arg5: memref<2000x128xf32, #tpu.memory_space<vmem>>, %arg6: memref<2x128xf32, #tpu.memory_space<vmem>>) attributes {dimension_semantics = [#tpu.dimension_semantics<arbitrary>], iteration_bounds = array<i64: 5>, scalar_prefetch = 0 : i64, scratch_operands = 0 : i64, tpu.core_type = #tpu.core_type<tc>, window_params = [{transform_indices = @transform_0, window_bounds = array<i64: 2, 2000, 128>}, {transform_indices = @transform_1, window_bounds = array<i64: 2000, 128>}, {transform_indices = @transform_2, window_bounds = array<i64: 2000, 32>}, {pipeline_mode = #tpu.pipeline_mode<synchronous>, transform_indices = @transform_3, window_bounds = array<i64: 1, 128>}, {transform_indices = @transform_4, window_bounds = array<i64: 2000, 128>}, {pipeline_mode = #tpu.pipeline_mode<synchronous>, transform_indices = @transform_5, window_bounds = array<i64: 2, 128>}]} {
    %get3A = arith.constant 0 : index
    %get3A_0 = arith.constant 0 : index
    %get3A_1 = vector.load %arg3[%get3A, %get3A_0] : memref<2000x32xf32, #tpu.memory_space<vmem>>, vector<2000x32xf32>
    %reduce_sum3A = arith.constant dense<0.000000e+00> : vector<2000xf32>
    %reduce_sum3A_2 = vector.multi_reduction <add>, %get3A_1, %reduce_sum3A [1] : vector<2000x32xf32> to vector<2000xf32>
    %broadcast_in_dim3A = vector.shape_cast %reduce_sum3A_2 : vector<2000xf32> to vector<2000x1xf32>
    %add3A = arith.constant 1.000000e+00 : f32
    %add3A_3 = vector.broadcast %add3A : f32 to vector<2000x1xf32>
    %add3A_4 = arith.addf %broadcast_in_dim3A, %add3A_3 : vector<2000x1xf32>
    %rsqrt3A = math.rsqrt %add3A_4 : vector<2000x1xf32>
    %get3A_5 = arith.constant 0 : index
    %get3A_6 = arith.constant 0 : index
    %get3A_7 = arith.constant 0 : index
    %get3A_8 = vector.load %arg1[%get3A_5, %get3A_6, %get3A_7] : memref<2x2000x128xf32, #tpu.memory_space<vmem>>, vector<1x2000x128xf32>
    %get3A_9 = vector.shape_cast %get3A_8 : vector<1x2000x128xf32> to vector<2000x128xf32>
    %get3A_10 = arith.constant 1 : index
    %get3A_11 = arith.constant 0 : index
    %get3A_12 = arith.constant 0 : index
    %get3A_13 = vector.load %arg1[%get3A_10, %get3A_11, %get3A_12] : memref<2x2000x128xf32, #tpu.memory_space<vmem>>, vector<1x2000x128xf32>
    %get3A_14 = vector.shape_cast %get3A_13 : vector<1x2000x128xf32> to vector<2000x128xf32>
    %add3A_15 = arith.addf %get3A_9, %get3A_14 : vector<2000x128xf32>
    %get3A_16 = arith.constant 0 : index
    %get3A_17 = arith.constant 0 : index
    %get3A_18 = vector.load %arg2[%get3A_16, %get3A_17] : memref<2000x128xf32, #tpu.memory_space<vmem>>, vector<2000x128xf32>
    %add3A_19 = arith.addf %add3A_15, %get3A_18 : vector<2000x128xf32>
    %mul3A = vector.broadcast %rsqrt3A : vector<2000x1xf32> to vector<2000x128xf32>
    %mul3A_20 = arith.mulf %add3A_19, %mul3A : vector<2000x128xf32>
    %get3A_21 = arith.constant 0 : index
    %get3A_22 = arith.constant 0 : index
    %get3A_23 = vector.load %arg4[%get3A_21, %get3A_22] : memref<1x128xf32, #tpu.memory_space<vmem>>, vector<1x128xf32>
    %add3A_24 = vector.broadcast %get3A_23 : vector<1x128xf32> to vector<2000x128xf32>
    %add3A_25 = arith.addf %mul3A_20, %add3A_24 : vector<2000x128xf32>
    %max3A = arith.constant 0.000000e+00 : f32
    %max3A_26 = vector.broadcast %max3A : f32 to vector<2000x128xf32>
    %max3A_27 = arith.maximumf %add3A_25, %max3A_26 : vector<2000x128xf32>
    %swap3A = arith.constant 0 : index
    %swap3A_28 = arith.constant 0 : index
    %swap3A_29 = vector.load %arg5[%swap3A, %swap3A_28] : memref<2000x128xf32, #tpu.memory_space<vmem>>, vector<2000x128xf32>
    tpu.vector_store %arg5[%swap3A, %swap3A_28], %max3A_27 {strides = array<i32>} : memref<2000x128xf32, #tpu.memory_space<vmem>>, vector<2000x128xf32>,
    %eq3A = arith.constant 0 : i32
    %eq3A_30 = arith.cmpi eq, %arg0, %eq3A : i32
    %convert_element_type3A = arith.extui %eq3A_30 : i1 to i32
    %cond3A = arith.constant 0 : i32
    %cond3A_31 = arith.cmpi ne, %convert_element_type3A, %cond3A : i32
    scf.if %cond3A_31 {
      %broadcast_in_dim3A_53 = arith.constant 0.000000e+00 : f32
      %broadcast_in_dim3A_54 = vector.broadcast %broadcast_in_dim3A_53 : f32 to vector<2x128xf32>
      %swap3A_55 = arith.constant 0 : index
      %swap3A_56 = arith.constant 0 : index
      %swap3A_57 = vector.load %arg6[%swap3A_55, %swap3A_56] : memref<2x128xf32, #tpu.memory_space<vmem>>, vector<2x128xf32>
      tpu.vector_store %arg6[%swap3A_55, %swap3A_56], %broadcast_in_dim3A_54 {strides = array<i32>} : memref<2x128xf32, #tpu.memory_space<vmem>>, vector<2x128xf32>,
    } else {
    }
    %get3A_32 = arith.constant 0 : index
    %get3A_33 = arith.constant 0 : index
    %get3A_34 = vector.load %arg6[%get3A_32, %get3A_33] : memref<2x128xf32, #tpu.memory_space<vmem>>, vector<1x128xf32>
    %reduce_sum3A_35 = arith.constant dense<0.000000e+00> : vector<128xf32>
    %reduce_sum3A_36 = vector.multi_reduction <add>, %max3A_27, %reduce_sum3A_35 [0] : vector<2000x128xf32> to vector<128xf32>
    %broadcast_in_dim3A_37 = vector.shape_cast %reduce_sum3A_36 : vector<128xf32> to vector<1x128xf32>
    %add3A_38 = arith.addf %get3A_34, %broadcast_in_dim3A_37 : vector<1x128xf32>
    %swap3A_39 = arith.constant 0 : index
    %swap3A_40 = arith.constant 0 : index
    %swap3A_41 = vector.load %arg6[%swap3A_39, %swap3A_40] : memref<2x128xf32, #tpu.memory_space<vmem>>, vector<1x128xf32>
    tpu.vector_store %arg6[%swap3A_39, %swap3A_40], %add3A_38 {strides = array<i32>} : memref<2x128xf32, #tpu.memory_space<vmem>>, vector<1x128xf32>,
    %get3A_42 = arith.constant 1 : index
    %get3A_43 = arith.constant 0 : index
    %get3A_44 = vector.load %arg6[%get3A_42, %get3A_43] : memref<2x128xf32, #tpu.memory_space<vmem>>, vector<1x128xf32>
    %mul3A_45 = arith.mulf %max3A_27, %max3A_27 : vector<2000x128xf32>
    %reduce_sum3A_46 = arith.constant dense<0.000000e+00> : vector<128xf32>
    %reduce_sum3A_47 = vector.multi_reduction <add>, %mul3A_45, %reduce_sum3A_46 [0] : vector<2000x128xf32> to vector<128xf32>
    %broadcast_in_dim3A_48 = vector.shape_cast %reduce_sum3A_47 : vector<128xf32> to vector<1x128xf32>
    %add3A_49 = arith.addf %get3A_44, %broadcast_in_dim3A_48 : vector<1x128xf32>
    %swap3A_50 = arith.constant 1 : index
    %swap3A_51 = arith.constant 0 : index
    %swap3A_52 = vector.load %arg6[%swap3A_50, %swap3A_51] : memref<2x128xf32, #tpu.memory_space<vmem>>, vector<1x128xf32>
    tpu.vector_store %arg6[%swap3A_50, %swap3A_51], %add3A_49 {strides = array<i32>} : memref<2x128xf32, #tpu.memory_space<vmem>>, vector<1x128xf32>,
    return
  }
  func.func @transform_0(%arg0: i32) -> (i32, i32, i32) {
    %c0_i32 = arith.constant 0 : i32
    %c0_i32_0 = arith.constant 0 : i32
    %c0_i32_1 = arith.constant 0 : i32
    return %c0_i32, %arg0, %c0_i32_0 : i32, i32, i32
  }
  func.func @transform_1(%arg0: i32) -> (i32, i32) {
    %c0_i32 = arith.constant 0 : i32
    %c0_i32_0 = arith.constant 0 : i32
    return %arg0, %c0_i32 : i32, i32
  }
  func.func @transform_2(%arg0: i32) -> (i32, i32) {
    %c0_i32 = arith.constant 0 : i32
    %c0_i32_0 = arith.constant 0 : i32
    return %arg0, %c0_i32 : i32, i32
  }
  func.func @transform_3(%arg0: i32) -> (i32, i32) {
    %c0_i32 = arith.constant 0 : i32
    %c0_i32_0 = arith.constant 0 : i32
    %c0_i32_1 = arith.constant 0 : i32
    return %c0_i32, %c0_i32_0 : i32, i32
  }
  func.func @transform_4(%arg0: i32) -> (i32, i32) {
    %c0_i32 = arith.constant 0 : i32
    %c0_i32_0 = arith.constant 0 : i32
    return %arg0, %c0_i32 : i32, i32
  }
  func.func @transform_5(%arg0: i32) -> (i32, i32) {
    %c0_i32 = arith.constant 0 : i32
    %c0_i32_0 = arith.constant 0 : i32
    %c0_i32_1 = arith.constant 0 : i32
    return %c0_i32, %c0_i32_0 : i32, i32
  }
}

module attributes {stable_mosaic.version = 14 : i64} {
  func.func @_pq_body(%arg0: i32, %arg1: memref<2000x128xf32, #tpu.memory_space<vmem>>, %arg2: memref<2x128xf32, #tpu.memory_space<vmem>>, %arg3: memref<1x128xf32, #tpu.memory_space<vmem>>, %arg4: memref<1x128xf32, #tpu.memory_space<vmem>>, %arg5: memref<128x4xf32, #tpu.memory_space<vmem>>, %arg6: memref<1x4xf32, #tpu.memory_space<vmem>>, %arg7: memref<2000x4xf32, #tpu.memory_space<vmem>>) attributes {dimension_semantics = [#tpu.dimension_semantics<arbitrary>], iteration_bounds = array<i64: 5>, scalar_prefetch = 0 : i64, scratch_operands = 0 : i64, tpu.core_type = #tpu.core_type<tc>, window_params = [{transform_indices = @transform_0, window_bounds = array<i64: 2000, 128>}, {pipeline_mode = #tpu.pipeline_mode<synchronous>, transform_indices = @transform_1, window_bounds = array<i64: 2, 128>}, {pipeline_mode = #tpu.pipeline_mode<synchronous>, transform_indices = @transform_2, window_bounds = array<i64: 1, 128>}, {pipeline_mode = #tpu.pipeline_mode<synchronous>, transform_indices = @transform_3, window_bounds = array<i64: 1, 128>}, {pipeline_mode = #tpu.pipeline_mode<synchronous>, transform_indices = @transform_4, window_bounds = array<i64: 128, 4>}, {pipeline_mode = #tpu.pipeline_mode<synchronous>, transform_indices = @transform_5, window_bounds = array<i64: 1, 4>}, {transform_indices = @transform_6, window_bounds = array<i64: 2000, 4>}]} {
    %get3A = arith.constant 0 : index
    %get3A_0 = arith.constant 0 : index
    %get3A_1 = vector.load %arg2[%get3A, %get3A_0] : memref<2x128xf32, #tpu.memory_space<vmem>>, vector<1x128xf32>
    %mul3A = arith.constant 9.99999974E-5 : f32
    %mul3A_2 = vector.broadcast %mul3A : f32 to vector<1x128xf32>
    %mul3A_3 = arith.mulf %get3A_1, %mul3A_2 : vector<1x128xf32>
    %get3A_4 = arith.constant 1 : index
    %get3A_5 = arith.constant 0 : index
    %get3A_6 = vector.load %arg2[%get3A_4, %get3A_5] : memref<2x128xf32, #tpu.memory_space<vmem>>, vector<1x128xf32>
    %mul3A_7 = arith.constant 9.99999974E-5 : f32
    %mul3A_8 = vector.broadcast %mul3A_7 : f32 to vector<1x128xf32>
    %mul3A_9 = arith.mulf %get3A_6, %mul3A_8 : vector<1x128xf32>
    %mul3A_10 = arith.mulf %mul3A_3, %mul3A_3 : vector<1x128xf32>
    %sub3A = arith.subf %mul3A_9, %mul3A_10 : vector<1x128xf32>
    %get3A_11 = arith.constant 0 : index
    %get3A_12 = arith.constant 0 : index
    %get3A_13 = vector.load %arg3[%get3A_11, %get3A_12] : memref<1x128xf32, #tpu.memory_space<vmem>>, vector<1x128xf32>
    %add3A = arith.constant 9.99999974E-6 : f32
    %add3A_14 = vector.broadcast %add3A : f32 to vector<1x128xf32>
    %add3A_15 = arith.addf %sub3A, %add3A_14 : vector<1x128xf32>
    %rsqrt3A = math.rsqrt %add3A_15 : vector<1x128xf32>
    %mul3A_16 = arith.mulf %get3A_13, %rsqrt3A : vector<1x128xf32>
    %get3A_17 = arith.constant 0 : index
    %get3A_18 = arith.constant 0 : index
    %get3A_19 = vector.load %arg4[%get3A_17, %get3A_18] : memref<1x128xf32, #tpu.memory_space<vmem>>, vector<1x128xf32>
    %mul3A_20 = arith.mulf %mul3A_3, %mul3A_16 : vector<1x128xf32>
    %sub3A_21 = arith.subf %get3A_19, %mul3A_20 : vector<1x128xf32>
    %get3A_22 = arith.constant 0 : index
    %get3A_23 = arith.constant 0 : index
    %get3A_24 = vector.load %arg1[%get3A_22, %get3A_23] : memref<2000x128xf32, #tpu.memory_space<vmem>>, vector<2000x128xf32>
    %mul3A_25 = vector.broadcast %mul3A_16 : vector<1x128xf32> to vector<2000x128xf32>
    %mul3A_26 = arith.mulf %get3A_24, %mul3A_25 : vector<2000x128xf32>
    %add3A_27 = vector.broadcast %sub3A_21 : vector<1x128xf32> to vector<2000x128xf32>
    %add3A_28 = arith.addf %mul3A_26, %add3A_27 : vector<2000x128xf32>
    %max3A = arith.constant 0.000000e+00 : f32
    %max3A_29 = vector.broadcast %max3A : f32 to vector<2000x128xf32>
    %max3A_30 = arith.maximumf %add3A_28, %max3A_29 : vector<2000x128xf32>
    %get3A_31 = arith.constant 0 : index
    %get3A_32 = arith.constant 0 : index
    %get3A_33 = vector.load %arg5[%get3A_31, %get3A_32] : memref<128x4xf32, #tpu.memory_space<vmem>>, vector<128x4xf32>
    %dot_general3A = arith.constant dense<0.000000e+00> : vector<2000x4xf32>
    %dot_general3A_34 = tpu.matmul %max3A_30, %get3A_33, %dot_general3A {dimension_numbers = #tpu.dot_dimension_numbers<[1], [0], [0], [1], [0, 0, 1, 1], [], []>, precision = #tpu.contract_precision<fp32>, transpose_lhs_hint = false} : vector<2000x128xf32>, vector<128x4xf32>, vector<2000x4xf32> -> vector<2000x4xf32>
    %get3A_35 = arith.constant 0 : index
    %get3A_36 = arith.constant 0 : index
    %get3A_37 = vector.load %arg6[%get3A_35, %get3A_36] : memref<1x4xf32, #tpu.memory_space<vmem>>, vector<1x4xf32>
    %add3A_38 = vector.broadcast %get3A_37 : vector<1x4xf32> to vector<2000x4xf32>
    %add3A_39 = arith.addf %dot_general3A_34, %add3A_38 : vector<2000x4xf32>
    %swap3A = arith.constant 0 : index
    %swap3A_40 = arith.constant 0 : index
    %swap3A_41 = vector.load %arg7[%swap3A, %swap3A_40] : memref<2000x4xf32, #tpu.memory_space<vmem>>, vector<2000x4xf32>
    tpu.vector_store %arg7[%swap3A, %swap3A_40], %add3A_39 {strides = array<i32>} : memref<2000x4xf32, #tpu.memory_space<vmem>>, vector<2000x4xf32>,
    return
  }
  func.func @transform_0(%arg0: i32) -> (i32, i32) {
    %c0_i32 = arith.constant 0 : i32
    %c0_i32_0 = arith.constant 0 : i32
    return %arg0, %c0_i32 : i32, i32
  }
  func.func @transform_1(%arg0: i32) -> (i32, i32) {
    %c0_i32 = arith.constant 0 : i32
    %c0_i32_0 = arith.constant 0 : i32
    %c0_i32_1 = arith.constant 0 : i32
    return %c0_i32, %c0_i32_0 : i32, i32
  }
  func.func @transform_2(%arg0: i32) -> (i32, i32) {
    %c0_i32 = arith.constant 0 : i32
    %c0_i32_0 = arith.constant 0 : i32
    %c0_i32_1 = arith.constant 0 : i32
    return %c0_i32, %c0_i32_0 : i32, i32
  }
  func.func @transform_3(%arg0: i32) -> (i32, i32) {
    %c0_i32 = arith.constant 0 : i32
    %c0_i32_0 = arith.constant 0 : i32
    %c0_i32_1 = arith.constant 0 : i32
    return %c0_i32, %c0_i32_0 : i32, i32
  }
  func.func @transform_4(%arg0: i32) -> (i32, i32) {
    %c0_i32 = arith.constant 0 : i32
    %c0_i32_0 = arith.constant 0 : i32
    %c0_i32_1 = arith.constant 0 : i32
    return %c0_i32, %c0_i32_0 : i32, i32
  }
  func.func @transform_5(%arg0: i32) -> (i32, i32) {
    %c0_i32 = arith.constant 0 : i32
    %c0_i32_0 = arith.constant 0 : i32
    %c0_i32_1 = arith.constant 0 : i32
    return %c0_i32, %c0_i32_0 : i32, i32
  }
  func.func @transform_6(%arg0: i32) -> (i32, i32) {
    %c0_i32 = arith.constant 0 : i32
    %c0_i32_0 = arith.constant 0 : i32
    return %arg0, %c0_i32 : i32, i32
  }
}

</mosaic_0001>

<sc_bundles>
// kernel: kernel.11.cloned.1.call-start
scs
__scs_entry_jumppad:
0x0: {  	(pc) =	sbr.rel $0x88, $3  }
0x1: {  	(tag) =	ssettag $0x0;
	lr =	simm.s32 $0x1  }
0x2: {  	[smem:$0x3F99] =	sst lr;
	_ =	strace $0xD0000000  }
0x3: {  	_ = 	snop  }
0x4: {  	_ = 	snop  }
0x5: {  	_ = 	snop  }
0x6: {  	_ = 	snop  }
0x7: {  	_ = 	snop  }
__scs_overlays_trampoline_lowered:
0x8: {  	[smem:$0x3FA8] =	sst s0  }
0x9: {  	[smem:$0x3FA9] =	sst s1  }
0xa: {  	[smem:$0x3FAA] =	sst s2  }
0xb: {  	[smem:$0x3FAB] =	sst s3  }
0xc: {  	[smem:$0x3FAC] =	sst s4  }
0xd: {  	[smem:$0x3FAD] =	sst s5  }
0xe: {  	[smem:$0x3FAE] =	sst s6  }
0xf: {  	[smem:$0x3FAF] =	sst s7  }
0x10: {  	[smem:$0x3FB0] =	sst s8  }
0x11: {  	[smem:$0x3FB1] =	sst s9;
	s0 =	simm.s32 @!p0 $0x0  }
0x12: {  	s1 =	sld [smem:$0x3F97];
	s0 =	simm.s32 @p0 $0x1  }
0x13: {  	[smem:$0x3FB2] =	sst s0;
	s0 =	simm.s32 @!p1 $0x0  }
0x14: {  	s2 =	sld [smem:$0x3F96];
	s0 =	simm.s32 @p1 $0x1  }
0x15: {  	[smem:$0x3FB3] =	sst s0;
	s0 =	simm.s32 @!p2 $0x0  }
0x16: {  	s3 =	sld [smem:$0x3FDB];
	s0 =	simm.s32 @p2 $0x1  }
0x17: {  	s4 =	simm.s32 $0x1BF5;
	[smem:$0x3FB5] =	sst s0  }
0x18: {  	s0 =	sld [smem:$0x3F98];
	_ =	swait.ge [sflag:s4], $0x0  }
0x19: {  	s7 =	sld [smem:$0x3F99]  }
0x1a: {  	s8 =	sadd.s32 $0xFFFFE003, lr  }
0x1b: {  	s9 =	sadd.s32 $0xFFFFFEF7, lr;
	s5 =	simm.s32 $0xFFFFFFFF;
	p2 =	slt.u32 s8, $0xFFFFF086  }
0x1c: {  	p1 =	slt.u32 s9, $0xF7A;
	s5 =	simm.s32 @!p2 $0x0  }
0x1d: {  	s5 =	simm.s32 @p1 $0x1;
	p0 =	seq.s32 s7, s2  }
0x1e: {  	s7 =	smul.u32 @!p0 $0xF7A, s2;
	p2 =	seq.s32 @!p0 s5, $0x0  }
0x1f: {  	s9 =	smul.u32 $0xF7A, s1;
	s8 =	simm.s32 @!p0 $0x1BF5;
	p2 =	por !p2, p0  }
0x20: {  	[sflag:s8] =	ssyncset.s32 @!p0 $0xFFFFF086;
	s6 =	sadd.s32 @!p0 s3, s7;
	s7 =	simm.s32 @!p0 $0x108  }
0x21: {  	s3 =	sadd.s32 s3, s9;
	s6 =	sadd.s32 @!p0 $0x88, s6;
	s7 =	simm.s32 @p2 $0x1082  }
0x22: {  	[simem:s7], [sflag:s8] =	dma.local @!p0 [hbm:s6], $0xF7A  }
0x23: {  	s9 =	sor.u32 $0xD0000000, s2;
	s6 =	simm.s32 $0x108;
	_ =	swait.ge @!p0 [sflag:s8], $0x0  }
0x24: {  	s3 =	sadd.s32 $0x88, s3;
	s6 =	simm.s32 @!p1 $0x1082;
	[sflag:s4] =	ssyncset.s32 $0xFFFFF086  }
0x25: {  	[simem:s6], [sflag:s4] =	dma.local [hbm:s3], $0xF7A  }
0x26: {  	[smem:$0x3F99] =	sst s1;
	(tag) =	ssettag s2;
	_ =	strace s9  }
0x27: {  	s1 =	sld [smem:$0x3FA9]  }
0x28: {  	s2 =	sld [smem:$0x3FAA]  }
0x29: {  	s4 =	sld [smem:$0x3FAC]  }
0x2a: {  	p0 =	seq.s32 s5, $0x0;
	s5 =	sld [smem:$0x3FAD]  }
0x2b: {  	s6 =	sld [smem:$0x3FAE]  }
0x2c: {  	s7 =	sld [smem:$0x3FAF]  }
0x2d: {  	s3 =	simm.s32 $0x108;
	s8 =	sld [smem:$0x3FB0]  }
0x2e: {  	s3 =	simm.s32 @!p0 $0x1082;
	s9 =	sld [smem:$0x3FB1]  }
0x2f: {  	lr =	sadd.s32 s0, s3;
	s0 =	sld [smem:$0x3FA8]  }
0x30: {  	s3 =	sld [smem:$0x3FAB]  }
0x31: {  	[smem:$0x3FB4] =	sst s10  }
0x32: {  	s10 =	sld [smem:$0x3FB2];
	_ =	sdelay $0x3  }
0x33: {  	p0 =	seq.s32 s10, $0x1;
	s10 =	sld [smem:$0x3FB4];
	_ =	sdelay $0x3  }
0x34: {  	[smem:$0x3FB4] =	sst s10  }
0x35: {  	s10 =	sld [smem:$0x3FB3];
	_ =	sdelay $0x3  }
0x36: {  	p1 =	seq.s32 s10, $0x1;
	s10 =	sld [smem:$0x3FB4];
	_ =	sdelay $0x3  }
0x37: {  	[smem:$0x3FB4] =	sst s10  }
0x38: {  	s10 =	sld [smem:$0x3FB5]  }
0x39: {  	_ = 	snop;
	(pc) =	sbr.ind lr, $3  }
0x3a: {  	_ = 	snop  }
0x3b: {  	_ = 	snop  }
0x3c: {  	p2 =	seq.s32 s10, $0x1;
	s10 =	sld [smem:$0x3FB4]  }
0x3d: {  	_ =	shalt  }
0x3e: {  	_ =	shalt  }
0x3f: {  	_ =	shalt  }
0x40: {  	_ =	shalt  }
0x41: {  	_ =	shalt  }
0x42: {  	_ =	shalt  }
0x43: {  	_ =	shalt  }
0x44: {  	_ =	shalt  }
0x45: {  	_ =	shalt  }
0x46: {  	_ =	shalt  }
0x47: {  	_ =	shalt  }
0x48: {  	_ =	shalt  }
0x49: {  	_ =	shalt  }
0x4a: {  	_ =	shalt  }
0x4b: {  	_ =	shalt  }
0x4c: {  	_ =	shalt  }
0x4d: {  	_ =	shalt  }
0x4e: {  	_ =	shalt  }
0x4f: {  	_ =	shalt  }
0x50: {  	_ =	shalt  }
0x51: {  	_ =	shalt  }
0x52: {  	_ =	shalt  }
0x53: {  	_ =	shalt  }
0x54: {  	_ =	shalt  }
0x55: {  	_ =	shalt  }
0x56: {  	_ =	shalt  }
0x57: {  	_ =	shalt  }
0x58: {  	_ =	shalt  }
0x59: {  	_ =	shalt  }
0x5a: {  	_ =	shalt  }
0x5b: {  	_ =	shalt  }
0x5c: {  	_ =	shalt  }
0x5d: {  	_ =	shalt  }
0x5e: {  	_ =	shalt  }
0x5f: {  	_ =	shalt  }
0x60: {  	_ =	shalt  }
0x61: {  	_ =	shalt  }
0x62: {  	_ =	shalt  }
0x63: {  	_ =	shalt  }
0x64: {  	_ =	shalt  }
0x65: {  	_ =	shalt  }
0x66: {  	_ =	shalt  }
0x67: {  	_ =	shalt  }
0x68: {  	_ =	shalt  }
0x69: {  	_ =	shalt  }
0x6a: {  	_ =	shalt  }
0x6b: {  	_ =	shalt  }
0x6c: {  	_ =	shalt  }
0x6d: {  	_ =	shalt  }
0x6e: {  	_ =	shalt  }
0x6f: {  	_ =	shalt  }
0x70: {  	_ =	shalt  }
0x71: {  	_ =	shalt  }
0x72: {  	_ =	shalt  }
0x73: {  	_ =	shalt  }
0x74: {  	_ =	shalt  }
0x75: {  	_ =	shalt  }
0x76: {  	_ =	shalt  }
0x77: {  	_ =	shalt  }
0x78: {  	_ =	shalt  }
0x79: {  	_ =	shalt  }
0x7a: {  	_ =	shalt  }
0x7b: {  	_ =	shalt  }
0x7c: {  	_ =	shalt  }
0x7d: {  	_ =	shalt  }
0x7e: {  	_ =	shalt  }
0x7f: {  	_ =	shalt  }
0x80: {  	_ =	shalt  }
0x81: {  	_ =	shalt  }
0x82: {  	_ =	shalt  }
0x83: {  	_ =	shalt  }
0x84: {  	_ =	shalt  }
0x85: {  	_ =	shalt  }
0x86: {  	_ =	shalt  }
0x87: {  	_ =	shalt  }
.Lfunc_end0:
.L_simem_size_0:
called_computation.1_lowered:
.L_overlay_start_0:
0x88: {  	s2 =	sld [smem:$0x3FD9]  }
0x89: {  	s3 =	sld [smem:$0x3FFE];
	_ =	sdelay $0x1  }
0x8a: {  	s1 =	srdreg.scid  }
0x8b: {  	s0 =	sand.u32 $0x1, s1  }
0x8c: {  	s17 =	sshll.u32 s0, $0xA;
	s2 =	sadd.s32 s3, s2  }
0x8d: {  	s2 =	sadd.s32 s2, s17  }
0x8e: {  	[smem:$0x3FC0] =	sst s2  }
0x8f: {  	_ = 	snop  }
0x90: {  	s2 =	sld [smem:$0x3FD0];
	(tm) =	ssettm $0x1  }
0x91: {  	s18 =	sld [smem:$0x3FFB];
	_ =	sdelay $0x3  }
0x92: {  	_ =	strace s18  }
0x93: {  	s3 =	sld [smem:$0x3FFC];
	_ =	sdelay $0x3  }
0x94: {  	_ =	strace s3  }
0x95: {  	s3 =	sld [smem:$0x3FFD];
	_ =	sdelay $0x3  }
0x96: {  	_ =	strace s3  }
0x97: {  	_ =	strace $0x8FFFFFFF  }
0x98: {  	s19 =	sld [smem:$0x3FDB];
	_ =	sdelay $0x1  }
0x99: {  	s4 =	simm.s32 $_scs_section_size  }
0x9a: {  	s5 =	simm.s32 $_size__tile_overlayer_lowered;
	s6 =	simm.s32 $_tile_overlayer_lowered  }
0x9b: {  	s22 =	simm.s32 $0x1BFF;
	s21 =	sshll.u32 s6, $0x1;
	s3 =	sadd.s32 s4, s19  }
0x9c: {  	s7 =	simm.s32 $0x0;
	s20 =	sshll.u32 s5, $0x1;
	s5 =	sadd.s32 s21, s3  }
0x9d: {  	[timem:s7], [sflag:s22] =	dma.local [hbm:s5], s20  }
0x9e: {  	_ =	swait.ge [sflag:s22], s20  }
0x9f: {  	s4 =	ssub.s32 $0x0, s20;
	[sflag:s22] =	ssyncset.done $0x0  }
0xa0: {  	[sflag:s22] =	ssyncadd.s32 s4;
	_ =	sdelay $0x1  }
0xa1: {  	s23 =	simm.s32 $0x1B8B  }
0xa2: {  	_ =	swait.ge [sflag:s23], $0x1  }
0xa3: {  	[sflag:s23] =	ssyncset.done $0x0  }
0xa4: {  	s25 =	simm.s32 $0x1B8E;
	s24 =	sld [smem:$0x3FFE];
	[sflag:s23] =	ssyncadd.s32 $0xFFFFFFFF  }
0xa5: {  	s26 =	simm.s32 $execute0_lowered;
	[smem:$0x3FD2] =	sst s25  }
0xa6: {  	s5 =	sshll.u32 s26, $0x1;
	_ =	strace $0x80000049;
	[dreg:$0x1] =	wrdreg $0xFFFFFFFF  }
0xa7: {  	s28 =	simm.s32 $_size_execute0_lowered;
	s3 =	sadd.s32 s3, s5;
	[dreg:$0x0] =	wrdreg $0x0  }
0xa8: {  	s5 =	sshll.u32 s28, $0x1;
	[dreg:$0x2] =	wrdreg s3  }
0xa9: {  	[dreg:$0x3] =	wrdreg s5  }
0xaa: {  	[dreg:$0x4] =	wrdreg $0xC0  }
0xab: {  	_ =	task [dreg:s7], $0x5FFFF  }
0xac: {  	[dreg:$0x1] =	wrdreg $0xFFFFFFFF  }
0xad: {  	[dreg:$0x0] =	wrdreg $0x60  }
0xae: {  	[dreg:$0x2] =	wrdreg s2  }
0xaf: {  	[dreg:$0x3] =	wrdreg s24  }
0xb0: {  	[dreg:$0x4] =	wrdreg $0xB7800  }
0xb1: {  	[dreg:$0x5] =	wrdreg $0x9  }
0xb2: {  	_ =	task.clear_ibuf [dreg:s7], $0x6FFFF;
	_ =	strace $0x90000049  }
0xb3: {  	s29 =	simm.s32 $0x9;
	_ =	strace $0x8000004B  }
0xb4: {  	_ =	swait.ge [sflag:s29], $0x1  }
0xb5: {  	[sflag:s29] =	ssyncadd.s32 $0xFFFFFFFF  }
0xb6: {  	_ =	strace $0x9000004B  }
0xb7: {  	_ =	sfence  }
0xb8: {  	s30 =	sld [smem:$0x0];
	_ =	sdelay $0x2  }
0xb9: {  	s31 =	sshll.u32 s1, $0xD;
	s1 =	sshrl.u32 s1, $0x2  }
0xba: {  	s3 =	sand.u32 $0x4000, s31;
	s1 =	sadd.s32 s1, s30  }
0xbb: {  	s0 =	sor.u32 s3, s0;
	s1 =	sshll.u32 s1, $0x11  }
0xbc: {  	s0 =	sor.u32 s1, s0  }
0xbd: {  	s0 =	sadd.s32 $0x8F2B, s0  }
0xbe: {  	[sflag:s0] =	ssyncadd.remote.s32 $0x1  }
0xbf: {  	_ =	sfence.sel $0xFFFF  }
0xc0: {  	[dreg:$0x0] =	wrdreg $0xFFFFFFFF;
	(pc) =	sbr.abs _section_cstart, $3  }
0xc1: {  	[dreg:$0x1] =	wrdreg $0xFFFFFFFF  }
0xc2: {  	_ =	task.clear_ibuf [dreg:s7], $0x2FFFF;
	_ =	strace $0x9FFFFFFF  }
0xc3: {  	(tm) =	ssettm $0x7FFFFFFF  }
tec
execute0_lowered:
.L_overlay_start_1:
0x0: {  	(tag) =	ssettag $0x1  }
0x1: {  	s1 =	rddreg [dreg:$0x0]  }
0x2: {  	s0 =	srdreg.scid;
	s5 =	rddreg [dreg:$0x1]  }
0x3: {  	s9 =	stileid.u32;
	s3 =	rddreg [dreg:$0x2]  }
0x4: {  	s19 =	simm.s32 $0x7780;
	s20 =	simm.s32 $0x3;
	s23 =	simm.s32 $0x2780  }
0x5: {  	s28 =	simm.s32 $0x2;
	s29 =	simm.s32 $0x7580;
	s30 =	simm.s32 $0x7600  }
0x6: {  	s0 =	sand.u32 $0x1, s0;
	s24 =	sshll.u32 s9, $0x7;
	s8 =	smul.u32 $0x13C00, s9  }
0x7: {  	s26 =	smul.u32 $0x4F000, s9;
	s2 =	sshll.u32 s0, $0x4;
	s7 =	sand.u32 $0x380, s24  }
0x8: {  	s25 =	smul.u32 $0x13C000, s0;
	s0 =	ssub.s32 $0x2, s0;
	s2 =	sor.u32 s9, s2  }
0x9: {  	s31 =	sshrl.u32 s0, $0x1;
	s4 =	sshrl.u32 s2, $0x3;
	s2 =	smul.u32 $0xA00, s2  }
0xa: {  	s0 =	ssub.s32 s0, s31;
	s6 =	smul.u32 $0x13C00, s4;
	s4 =	simm.s32 $0x0  }
0xb: {  	s24 =	simm.s32 $0x40;
	s18 =	smax.u32 s0, $0x1;
	[smem:$0x7FF] =	sst s4  }
0xc: {  	s2 =	sadd.s32 s2, s5;
	s6 =	sor.u32 s7, s6;
	_ =	strace $0x8000004A  }
0xd: {  	s7 =	sadd.s32 s8, s25;
	s16 =	sadd.s32 $0xB000, s2;
	s6 =	sshrl.u32 s6, $0x3  }
0xe: {  	s25 =	simm.s32 $0x9780;
	s7 =	sshrl.u32 s7, $0x3;
	s15 =	sadd.s32 s6, s5  }
0xf: {  	s6 =	sshrl.u32 s26, $0x2;
	s17 =	sadd.s32 s7, s5;
	s26 =	simm.s32 $0x1  }
0x10: {  	s5 =	sadd.s32 s6, s3;
	s15 =	sadd.s32 $0x1F000, s15;
	s17 =	sadd.s32 $0x28E00, s17  }
0x11: {  	s6 =	sadd.s32 $0x2000, s5;
	s7 =	sadd.s32 $0x4000, s5;
	s8 =	sadd.s32 $0x6000, s5  }
0x12: {  	s9 =	sadd.s32 $0x8000, s5;
	s10 =	sadd.s32 $0xA000, s5;
	s11 =	sadd.s32 $0xC000, s5  }
0x13: {  	v0 =	vimm.f32 $0.0e+00;
	s12 =	sadd.s32 $0xE000, s5;
	s13 =	sadd.s32 $0x10000, s5;
	s14 =	sadd.s32 $0x12000, s5  }
.LBB2_1:
0x14: {  	s0 =	simm.s32 $0x0;
	s2 =	simm.s32 $0x200  }
.LBB2_2:
0x15: {  	p0 =	sne.s32 s2, $0x7E00;
	[tilespmem:s0+$0x77F0] =	vst v0  }
0x16: {  	[tilespmem:s0+$0x7780] =	vst v0  }
0x17: {  	[tilespmem:s0+$0x7790] =	vst v0  }
.Ltmp0:
0x18: {  	[tilespmem:s0+$0x77A0] =	vst v0;
	(pc) =	sbr.rel @p0 .LBB2_2-.Ltmp0, $4  }
0x19: {  	[tilespmem:s0+$0x77B0] =	vst v0  }
0x1a: {  	[tilespmem:s0+$0x77C0] =	vst v0  }
0x1b: {  	[tilespmem:s0+$0x77D0] =	vst v0  }
0x1c: {  	[tilespmem:s0+$0x77E0] =	vst v0;
	s0 =	sshra.s32 s2, $0x2;
	s2 =	sadd.s32 $0x200, s2  }
0x1d: {  	[tilespmem:s0+$0x77F0] =	vst v0  }
0x1e: {  	[tilespmem:s0+$0x7780] =	vst v0  }
0x1f: {  	[tilespmem:s0+$0x7790] =	vst v0  }
0x20: {  	[tilespmem:s0+$0x77A0] =	vst v0  }
0x21: {  	[tilespmem:s0+$0x77B0] =	vst v0  }
0x22: {  	[tilespmem:s0+$0x77C0] =	vst v0  }
0x23: {  	[tilespmem:s0+$0x77D0] =	vst v0  }
0x24: {  	[tilespmem:s0+$0x77E0] =	vst v0  }
0x25: {  	[spmem:s5] =	stream.linear.scatter [tilespmem:s19], [sflag:$0x3], $0x2000, $0x38;
	[tilespmem:$0x1F380] =	vst v63  }
0x26: {  	_ =	swait.ge [sflag:s20], $0x2000  }
0x27: {  	[sflag:s20] =	ssyncset.done $0x0  }
0x28: {  	[sflag:s20] =	ssyncadd.s32 $0xFFFFE000  }
0x29: {  	[spmem:s6] =	stream.linear.scatter [tilespmem:s19], [sflag:$0x3], $0x2000, $0x38;
	[tilespmem:$0x1F380] =	vst v63  }
0x2a: {  	_ =	swait.ge [sflag:s20], $0x2000  }
0x2b: {  	[sflag:s20] =	ssyncset.done $0x0  }
0x2c: {  	[sflag:s20] =	ssyncadd.s32 $0xFFFFE000  }
0x2d: {  	[spmem:s7] =	stream.linear.scatter [tilespmem:s19], [sflag:$0x3], $0x2000, $0x38;
	[tilespmem:$0x1F380] =	vst v63  }
0x2e: {  	_ =	swait.ge [sflag:s20], $0x2000  }
0x2f: {  	[sflag:s20] =	ssyncset.done $0x0  }
0x30: {  	[sflag:s20] =	ssyncadd.s32 $0xFFFFE000  }
0x31: {  	[spmem:s8] =	stream.linear.scatter [tilespmem:s19], [sflag:$0x3], $0x2000, $0x38;
	[tilespmem:$0x1F380] =	vst v63  }
0x32: {  	_ =	swait.ge [sflag:s20], $0x2000  }
0x33: {  	[sflag:s20] =	ssyncset.done $0x0  }
0x34: {  	[sflag:s20] =	ssyncadd.s32 $0xFFFFE000  }
0x35: {  	[spmem:s9] =	stream.linear.scatter [tilespmem:s19], [sflag:$0x3], $0x2000, $0x38;
	[tilespmem:$0x1F380] =	vst v63  }
0x36: {  	_ =	swait.ge [sflag:s20], $0x2000  }
0x37: {  	[sflag:s20] =	ssyncset.done $0x0  }
0x38: {  	[sflag:s20] =	ssyncadd.s32 $0xFFFFE000  }
0x39: {  	[spmem:s10] =	stream.linear.scatter [tilespmem:s19], [sflag:$0x3], $0x2000, $0x38;
	[tilespmem:$0x1F380] =	vst v63  }
0x3a: {  	_ =	swait.ge [sflag:s20], $0x2000  }
0x3b: {  	[sflag:s20] =	ssyncset.done $0x0  }
0x3c: {  	[sflag:s20] =	ssyncadd.s32 $0xFFFFE000  }
0x3d: {  	[spmem:s11] =	stream.linear.scatter [tilespmem:s19], [sflag:$0x3], $0x2000, $0x38;
	[tilespmem:$0x1F380] =	vst v63  }
0x3e: {  	_ =	swait.ge [sflag:s20], $0x2000  }
0x3f: {  	[sflag:s20] =	ssyncset.done $0x0  }
0x40: {  	[sflag:s20] =	ssyncadd.s32 $0xFFFFE000  }
0x41: {  	[spmem:s12] =	stream.linear.scatter [tilespmem:s19], [sflag:$0x3], $0x2000, $0x38;
	[tilespmem:$0x1F380] =	vst v63  }
0x42: {  	_ =	swait.ge [sflag:s20], $0x2000  }
0x43: {  	[sflag:s20] =	ssyncset.done $0x0  }
0x44: {  	[sflag:s20] =	ssyncadd.s32 $0xFFFFE000  }
0x45: {  	[spmem:s13] =	stream.linear.scatter [tilespmem:s19], [sflag:$0x3], $0x2000, $0x38;
	[tilespmem:$0x1F380] =	vst v63  }
0x46: {  	_ =	swait.ge [sflag:s20], $0x2000  }
0x47: {  	[sflag:s20] =	ssyncset.done $0x0  }
0x48: {  	[sflag:s20] =	ssyncadd.s32 $0xFFFFE000  }
0x49: {  	[spmem:s14] =	stream.linear.scatter [tilespmem:s19], [sflag:$0x3], $0x1C00, $0x38;
	[tilespmem:$0x1F380] =	vst v63  }
0x4a: {  	_ =	swait.ge [sflag:s20], $0x1C00  }
0x4b: {  	s22 =	simm.s32 $0x0;
	[sflag:s20] =	ssyncset.done $0x0  }
0x4c: {  	s2 =	simm.s32 $0x80;
	s21 =	simm.s32 $0x400;
	[sflag:s20] =	ssyncadd.s32 $0xFFFFE400  }
0x4d: {  	[tilespmem:s22], [sflag:$0x3] =	stream.strided.gather [hbm4b:s15+s2], $0x2780, s21, s2, $0x38;
	[tilespmem:$0x1F380] =	vst v63  }
0x4e: {  	_ =	swait.ge [sflag:s20], $0x2780  }
0x4f: {  	[sflag:s20] =	ssyncset.done $0x0  }
0x50: {  	[sflag:s20] =	ssyncadd.s32 $0xFFFFD880  }
0x51: {  	[tilespmem:s23], [sflag:$0x3] =	stream.linear.gather [hbm4b:s16+s22], $0x4F00, $0x38;
	[tilespmem:$0x1F380] =	vst v63  }
0x52: {  	_ =	swait.ge [sflag:s20], $0x4F00  }
0x53: {  	[sflag:s20] =	ssyncset.done $0x0  }
0x54: {  	[sflag:s20] =	ssyncadd.s32 $0xFFFFB100  }
0x55: {  	[bflag:$0x0] =	sbarrier.arrive $0xFFFF  }
0x56: {  	[tilespmem:s19], [sflag:$0x1] =	stream.indirect.gather [hbm4b:s1+s24], $0x80, s22, s24, $0xb8;
	[tilespmem:$0x1F380] =	vst v63  }
0x57: {  	_ = 	snop  }
0x58: {  	[tilespmem:s25], [sflag:$0x2] =	stream.indirect.gather [hbm4b:s1+s24], $0x80, s24, s24, $0xb8;
	[tilespmem:$0x1F380] =	vst v63  }
0x59: {  	_ =	swait.ge [sflag:s26], $0x2000  }
0x5a: {  	[sflag:s26] =	ssyncset.done $0x0  }
0x5b: {  	s2 =	simm.s32 $0x2780;
	[sflag:s26] =	ssyncadd.s32 $0xFFFFE000  }
0x5c: {  	[spmem:s3] =	stream.indirect.scatter.add.f32 [tilespmem:s19], [sflag:$0x3], $0x80, s2, s24, $0xb8;
	[tilespmem:$0x1F380] =	vst v63  }
0x5d: {  	_ =	swait.ge [sflag:s20], $0x2000  }
0x5e: {  	[sflag:s20] =	ssyncset.done $0x0  }
0x5f: {  	s21 =	simm.s32 $0x80;
	[sflag:s20] =	ssyncadd.s32 $0xFFFFE000  }
0x60: {  	[tilespmem:s19], [sflag:$0x1] =	stream.indirect.gather [hbm4b:s1+s24], $0x80, s21, s24, $0xb8;
	[tilespmem:$0x1F380] =	vst v63  }
0x61: {  	_ =	swait.ge [sflag:s28], $0x2000  }
0x62: {  	[sflag:s28] =	ssyncset.done $0x0  }
0x63: {  	s22 =	simm.s32 $0x2800;
	[sflag:s28] =	ssyncadd.s32 $0xFFFFE000  }
0x64: {  	[spmem:s3] =	stream.indirect.scatter.add.f32 [tilespmem:s25], [sflag:$0x3], $0x80, s22, s24, $0xb8;
	[tilespmem:$0x1F380] =	vst v63  }
0x65: {  	_ =	swait.ge [sflag:s20], $0x2000  }
0x66: {  	s31 =	simm.s32 $0xC0;
	[sflag:s20] =	ssyncset.done $0x0  }
0x67: {  	s0 =	simm.s32 $0x140;
	s2 =	simm.s32 $0x400;
	[sflag:s20] =	ssyncadd.s32 $0xFFFFE000  }
.LBB2_4:
0x68: {  	[tilespmem:s25], [sflag:$0x2] =	stream.indirect.gather [hbm4b:s1+s24], $0x80, s31, s24, $0xb8;
	[tilespmem:$0x1F380] =	vst v63  }
0x69: {  	s21 =	smov.u32 s2;
	s31 =	smov.u32 s0  }
0x6a: {  	p0 =	sne.s32 s2, $0x13400;
	s2 =	sadd.s32 $0x400, s2;
	_ =	swait.ge [sflag:s26], $0x2000  }
0x6b: {  	s21 =	sshra.s32 s21, $0x2;
	[sflag:s26] =	ssyncset.done $0x0  }
0x6c: {  	s22 =	sadd.s32 $0x2780, s21;
	[sflag:s26] =	ssyncadd.s32 $0xFFFFE000  }
0x6d: {  	[spmem:s3] =	stream.indirect.scatter.add.f32 [tilespmem:s19], [sflag:$0x3], $0x80, s22, s24, $0xb8;
	[tilespmem:$0x1F380] =	vst v63  }
0x6e: {  	_ =	swait.ge [sflag:s20], $0x2000  }
0x6f: {  	[sflag:s20] =	ssyncset.done $0x0  }
0x70: {  	s22 =	sadd.s32 $0xFFFFFFC0, s0;
	[sflag:s20] =	ssyncadd.s32 $0xFFFFE000  }
0x71: {  	[tilespmem:s19], [sflag:$0x1] =	stream.indirect.gather [hbm4b:s1+s24], $0x80, s22, s24, $0xb8;
	[tilespmem:$0x1F380] =	vst v63  }
0x72: {  	_ =	swait.ge [sflag:s28], $0x2000  }
0x73: {  	[sflag:s28] =	ssyncset.done $0x0  }
.Ltmp1:
0x74: {  	s21 =	sadd.s32 $0x2800, s21;
	[sflag:s28] =	ssyncadd.s32 $0xFFFFE000;
	(pc) =	sbr.rel @p0 .LBB2_4-.Ltmp1, $4  }
0x75: {  	[spmem:s3] =	stream.indirect.scatter.add.f32 [tilespmem:s25], [sflag:$0x3], $0x80, s21, s24, $0xb8;
	[tilespmem:$0x1F380] =	vst v63  }
0x76: {  	_ =	swait.ge [sflag:s20], $0x2000  }
0x77: {  	[sflag:s20] =	ssyncset.done $0x0  }
0x78: {  	s0 =	sadd.s32 $0x80, s0;
	[sflag:s20] =	ssyncadd.s32 $0xFFFFE000  }
0x79: {  	[tilespmem:s25], [sflag:$0x2] =	stream.indirect.gather [hbm4b:s1+s24], $0x80, s31, s24, $0xb8;
	[tilespmem:$0x1F380] =	vst v63  }
0x7a: {  	_ =	swait.ge [sflag:s26], $0x2000  }
0x7b: {  	[sflag:s26] =	ssyncset.done $0x0  }
0x7c: {  	[sflag:s26] =	ssyncadd.s32 $0xFFFFE000  }
0x7d: {  	[spmem:s3] =	stream.indirect.scatter.add.f32 [tilespmem:s19], [sflag:$0x3], $0x80, s29, s24, $0xb8;
	[tilespmem:$0x1F380] =	vst v63  }
0x7e: {  	_ =	swait.ge [sflag:s20], $0x2000  }
0x7f: {  	[sflag:s20] =	ssyncset.done $0x0  }
0x80: {  	[sflag:s20] =	ssyncadd.s32 $0xFFFFE000  }
0x81: {  	_ =	swait.ge [sflag:s28], $0x2000  }
0x82: {  	[sflag:s28] =	ssyncset.done $0x0  }
0x83: {  	[sflag:s28] =	ssyncadd.s32 $0xFFFFE000  }
0x84: {  	[spmem:s3] =	stream.indirect.scatter.add.f32 [tilespmem:s25], [sflag:$0x3], $0x80, s30, s24, $0xb8;
	[tilespmem:$0x1F380] =	vst v63  }
0x85: {  	s0 =	stileid.u32;
	_ =	swait.ge [sflag:s20], $0x2000  }
0x86: {  	s2 =	sshrl.u32 s5, $0x3;
	s4 =	sadd.s32 $0x1, s4;
	[sflag:s20] =	ssyncset.done $0x0  }
0x87: {  	s0 =	sshll.u32 s0, $0x6;
	p0 =	sne.s32 s4, s18;
	[sflag:s20] =	ssyncadd.s32 $0xFFFFE000  }
.Ltmp2:
0x88: {  	s0 =	sor.u32 $0x1C03, s0;
	[bflag:$0x0] =	sbarrier.arrive $0xFFFF;
	(pc) =	sbr.rel @p0 .LBB2_1-.Ltmp2, $4  }
0x89: {  	[hbm:s17], [sflag:s0] =	dma.local [spmem:s2], $0x2780  }
0x8a: {  	_ =	swait.ge [sflag:s20], $0x2780  }
0x8b: {  	[sflag:s20] =	ssyncset.done $0x0  }
0x8c: {  	[sflag:s20] =	ssyncadd.s32 $0xFFFFD880  }
0x8d: {  	_ =	sfence.sel $0x180000  }
0x8e: {  	[bflag:$0x0] =	sbarrier.arrive $0xFFFF  }
0x8f: {  	_ =	strace $0x9000004A  }
0x90: {  	s0 =	stileid.u32;
	[bflag:$0x2] =	sbarrier.arrive $0xFFFF  }
0x91: {  	p0 =	sne.s32 s0, $0x0;
	s0 =	rddreg [dreg:$0x3]  }
0x92: {  	s0 =	sadd.s32 @!p0 $0x100000, s0  }
0x93: {  	[sflag:s0] =	ssyncadd.tile.s32 @!p0 $0x1;
	_ =	shalt  }
.Lfunc_end2:
_tile_overlayer_lowered:
.L_overlay_start_2:
0x94: {  	(tag) =	ssettag $0x2  }
0x95: {  	s0 =	rddreg [dreg:$0x0];
	s2 =	stileid.u32  }
0x96: {  	s1 =	rddreg [dreg:$0x1];
	p0 =	sne.s32 s2, $0x0  }
0x97: {  	s3 =	rddreg [dreg:$0x2];
	[bflag:$0x3] =	sbarrier.arrive $0xFFFF;
	s2 =	simm.s32 @!p0 $0x1C03  }
0x98: {  	[timem:s3], [sflag:s2] =	dma.local @!p0 [hbm:s0], s1  }
0x99: {  	s0 =	simm.s32 @!p0 $0x3  }
0x9a: {  	_ =	swait.ge @!p0 [sflag:s0], s1  }
0x9b: {  	s1 =	ssub.s32 @!p0 $0x0, s1;
	[sflag:s0] =	ssyncset.done @!p0 $0x0  }
0x9c: {  	[sflag:s0] =	ssyncadd.s32 @!p0 s1  }
0x9d: {  	[bflag:$0x3] =	sbarrier.arrive $0xFFFF  }
0x9e: {  	_ =	shalt  }

// kernel: kernel.14.cloned.1.call-start
scs
__scs_entry_jumppad:
0x0: {  	(pc) =	sbr.rel $0x88, $3  }
0x1: {  	(tag) =	ssettag $0x0;
	lr =	simm.s32 $0x1  }
0x2: {  	[smem:$0x3F99] =	sst lr;
	_ =	strace $0xD0000000  }
0x3: {  	_ = 	snop  }
0x4: {  	_ = 	snop  }
0x5: {  	_ = 	snop  }
0x6: {  	_ = 	snop  }
0x7: {  	_ = 	snop  }
__scs_overlays_trampoline_lowered:
0x8: {  	[smem:$0x3FA8] =	sst s0  }
0x9: {  	[smem:$0x3FA9] =	sst s1  }
0xa: {  	[smem:$0x3FAA] =	sst s2  }
0xb: {  	[smem:$0x3FAB] =	sst s3  }
0xc: {  	[smem:$0x3FAC] =	sst s4  }
0xd: {  	[smem:$0x3FAD] =	sst s5  }
0xe: {  	[smem:$0x3FAE] =	sst s6  }
0xf: {  	[smem:$0x3FAF] =	sst s7  }
0x10: {  	[smem:$0x3FB0] =	sst s8  }
0x11: {  	[smem:$0x3FB1] =	sst s9;
	s0 =	simm.s32 @!p0 $0x0  }
0x12: {  	s1 =	sld [smem:$0x3F97];
	s0 =	simm.s32 @p0 $0x1  }
0x13: {  	[smem:$0x3FB2] =	sst s0;
	s0 =	simm.s32 @!p1 $0x0  }
0x14: {  	s2 =	sld [smem:$0x3F96];
	s0 =	simm.s32 @p1 $0x1  }
0x15: {  	[smem:$0x3FB3] =	sst s0;
	s0 =	simm.s32 @!p2 $0x0  }
0x16: {  	s3 =	sld [smem:$0x3FDB];
	s0 =	simm.s32 @p2 $0x1  }
0x17: {  	s4 =	simm.s32 $0x1BF5;
	[smem:$0x3FB5] =	sst s0  }
0x18: {  	s0 =	sld [smem:$0x3F98];
	_ =	swait.ge [sflag:s4], $0x0  }
0x19: {  	s7 =	sld [smem:$0x3F99]  }
0x1a: {  	s8 =	sadd.s32 $0xFFFFE003, lr  }
0x1b: {  	s9 =	sadd.s32 $0xFFFFFEF7, lr;
	s5 =	simm.s32 $0xFFFFFFFF;
	p2 =	slt.u32 s8, $0xFFFFF086  }
0x1c: {  	p1 =	slt.u32 s9, $0xF7A;
	s5 =	simm.s32 @!p2 $0x0  }
0x1d: {  	s5 =	simm.s32 @p1 $0x1;
	p0 =	seq.s32 s7, s2  }
0x1e: {  	s7 =	smul.u32 @!p0 $0xF7A, s2;
	p2 =	seq.s32 @!p0 s5, $0x0  }
0x1f: {  	s9 =	smul.u32 $0xF7A, s1;
	s8 =	simm.s32 @!p0 $0x1BF5;
	p2 =	por !p2, p0  }
0x20: {  	[sflag:s8] =	ssyncset.s32 @!p0 $0xFFFFF086;
	s6 =	sadd.s32 @!p0 s3, s7;
	s7 =	simm.s32 @!p0 $0x108  }
0x21: {  	s3 =	sadd.s32 s3, s9;
	s6 =	sadd.s32 @!p0 $0x88, s6;
	s7 =	simm.s32 @p2 $0x1082  }
0x22: {  	[simem:s7], [sflag:s8] =	dma.local @!p0 [hbm:s6], $0xF7A  }
0x23: {  	s9 =	sor.u32 $0xD0000000, s2;
	s6 =	simm.s32 $0x108;
	_ =	swait.ge @!p0 [sflag:s8], $0x0  }
0x24: {  	s3 =	sadd.s32 $0x88, s3;
	s6 =	simm.s32 @!p1 $0x1082;
	[sflag:s4] =	ssyncset.s32 $0xFFFFF086  }
0x25: {  	[simem:s6], [sflag:s4] =	dma.local [hbm:s3], $0xF7A  }
0x26: {  	[smem:$0x3F99] =	sst s1;
	(tag) =	ssettag s2;
	_ =	strace s9  }
0x27: {  	s1 =	sld [smem:$0x3FA9]  }
0x28: {  	s2 =	sld [smem:$0x3FAA]  }
0x29: {  	s4 =	sld [smem:$0x3FAC]  }
0x2a: {  	p0 =	seq.s32 s5, $0x0;
	s5 =	sld [smem:$0x3FAD]  }
0x2b: {  	s6 =	sld [smem:$0x3FAE]  }
0x2c: {  	s7 =	sld [smem:$0x3FAF]  }
0x2d: {  	s3 =	simm.s32 $0x108;
	s8 =	sld [smem:$0x3FB0]  }
0x2e: {  	s3 =	simm.s32 @!p0 $0x1082;
	s9 =	sld [smem:$0x3FB1]  }
0x2f: {  	lr =	sadd.s32 s0, s3;
	s0 =	sld [smem:$0x3FA8]  }
0x30: {  	s3 =	sld [smem:$0x3FAB]  }
0x31: {  	[smem:$0x3FB4] =	sst s10  }
0x32: {  	s10 =	sld [smem:$0x3FB2];
	_ =	sdelay $0x3  }
0x33: {  	p0 =	seq.s32 s10, $0x1;
	s10 =	sld [smem:$0x3FB4];
	_ =	sdelay $0x3  }
0x34: {  	[smem:$0x3FB4] =	sst s10  }
0x35: {  	s10 =	sld [smem:$0x3FB3];
	_ =	sdelay $0x3  }
0x36: {  	p1 =	seq.s32 s10, $0x1;
	s10 =	sld [smem:$0x3FB4];
	_ =	sdelay $0x3  }
0x37: {  	[smem:$0x3FB4] =	sst s10  }
0x38: {  	s10 =	sld [smem:$0x3FB5]  }
0x39: {  	_ = 	snop;
	(pc) =	sbr.ind lr, $3  }
0x3a: {  	_ = 	snop  }
0x3b: {  	_ = 	snop  }
0x3c: {  	p2 =	seq.s32 s10, $0x1;
	s10 =	sld [smem:$0x3FB4]  }
0x3d: {  	_ =	shalt  }
0x3e: {  	_ =	shalt  }
0x3f: {  	_ =	shalt  }
0x40: {  	_ =	shalt  }
0x41: {  	_ =	shalt  }
0x42: {  	_ =	shalt  }
0x43: {  	_ =	shalt  }
0x44: {  	_ =	shalt  }
0x45: {  	_ =	shalt  }
0x46: {  	_ =	shalt  }
0x47: {  	_ =	shalt  }
0x48: {  	_ =	shalt  }
0x49: {  	_ =	shalt  }
0x4a: {  	_ =	shalt  }
0x4b: {  	_ =	shalt  }
0x4c: {  	_ =	shalt  }
0x4d: {  	_ =	shalt  }
0x4e: {  	_ =	shalt  }
0x4f: {  	_ =	shalt  }
0x50: {  	_ =	shalt  }
0x51: {  	_ =	shalt  }
0x52: {  	_ =	shalt  }
0x53: {  	_ =	shalt  }
0x54: {  	_ =	shalt  }
0x55: {  	_ =	shalt  }
0x56: {  	_ =	shalt  }
0x57: {  	_ =	shalt  }
0x58: {  	_ =	shalt  }
0x59: {  	_ =	shalt  }
0x5a: {  	_ =	shalt  }
0x5b: {  	_ =	shalt  }
0x5c: {  	_ =	shalt  }
0x5d: {  	_ =	shalt  }
0x5e: {  	_ =	shalt  }
0x5f: {  	_ =	shalt  }
0x60: {  	_ =	shalt  }
0x61: {  	_ =	shalt  }
0x62: {  	_ =	shalt  }
0x63: {  	_ =	shalt  }
0x64: {  	_ =	shalt  }
0x65: {  	_ =	shalt  }
0x66: {  	_ =	shalt  }
0x67: {  	_ =	shalt  }
0x68: {  	_ =	shalt  }
0x69: {  	_ =	shalt  }
0x6a: {  	_ =	shalt  }
0x6b: {  	_ =	shalt  }
0x6c: {  	_ =	shalt  }
0x6d: {  	_ =	shalt  }
0x6e: {  	_ =	shalt  }
0x6f: {  	_ =	shalt  }
0x70: {  	_ =	shalt  }
0x71: {  	_ =	shalt  }
0x72: {  	_ =	shalt  }
0x73: {  	_ =	shalt  }
0x74: {  	_ =	shalt  }
0x75: {  	_ =	shalt  }
0x76: {  	_ =	shalt  }
0x77: {  	_ =	shalt  }
0x78: {  	_ =	shalt  }
0x79: {  	_ =	shalt  }
0x7a: {  	_ =	shalt  }
0x7b: {  	_ =	shalt  }
0x7c: {  	_ =	shalt  }
0x7d: {  	_ =	shalt  }
0x7e: {  	_ =	shalt  }
0x7f: {  	_ =	shalt  }
0x80: {  	_ =	shalt  }
0x81: {  	_ =	shalt  }
0x82: {  	_ =	shalt  }
0x83: {  	_ =	shalt  }
0x84: {  	_ =	shalt  }
0x85: {  	_ =	shalt  }
0x86: {  	_ =	shalt  }
0x87: {  	_ =	shalt  }
.Lfunc_end0:
.L_simem_size_0:
called_computation.2_lowered:
.L_overlay_start_0:
0x88: {  	s2 =	sld [smem:$0x3FD9]  }
0x89: {  	s3 =	sld [smem:$0x3FFE];
	_ =	sdelay $0x1  }
0x8a: {  	s1 =	srdreg.scid  }
0x8b: {  	s0 =	sand.u32 $0x1, s1  }
0x8c: {  	s17 =	sshll.u32 s0, $0xA;
	s2 =	sadd.s32 s3, s2  }
0x8d: {  	s2 =	sadd.s32 s2, s17  }
0x8e: {  	[smem:$0x3FC0] =	sst s2  }
0x8f: {  	_ = 	snop  }
0x90: {  	s2 =	sld [smem:$0x3FD0];
	(tm) =	ssettm $0x1  }
0x91: {  	s18 =	sld [smem:$0x3FFB];
	_ =	sdelay $0x3  }
0x92: {  	_ =	strace s18  }
0x93: {  	s3 =	sld [smem:$0x3FFC];
	_ =	sdelay $0x3  }
0x94: {  	_ =	strace s3  }
0x95: {  	s3 =	sld [smem:$0x3FFD];
	_ =	sdelay $0x3  }
0x96: {  	_ =	strace s3  }
0x97: {  	_ =	strace $0x8FFFFFFF  }
0x98: {  	s19 =	sld [smem:$0x3FDB];
	_ =	sdelay $0x1  }
0x99: {  	s4 =	simm.s32 $_scs_section_size  }
0x9a: {  	s5 =	simm.s32 $_size__tile_overlayer_lowered;
	s6 =	simm.s32 $_tile_overlayer_lowered  }
0x9b: {  	s22 =	simm.s32 $0x1BFF;
	s21 =	sshll.u32 s6, $0x1;
	s3 =	sadd.s32 s4, s19  }
0x9c: {  	s7 =	simm.s32 $0x0;
	s20 =	sshll.u32 s5, $0x1;
	s5 =	sadd.s32 s21, s3  }
0x9d: {  	[timem:s7], [sflag:s22] =	dma.local [hbm:s5], s20  }
0x9e: {  	_ =	swait.ge [sflag:s22], s20  }
0x9f: {  	s4 =	ssub.s32 $0x0, s20;
	[sflag:s22] =	ssyncset.done $0x0  }
0xa0: {  	[sflag:s22] =	ssyncadd.s32 s4;
	_ =	sdelay $0x1  }
0xa1: {  	s23 =	simm.s32 $0x1B8B  }
0xa2: {  	_ =	swait.ge [sflag:s23], $0x1  }
0xa3: {  	[sflag:s23] =	ssyncset.done $0x0  }
0xa4: {  	s25 =	simm.s32 $0x1B8E;
	s24 =	sld [smem:$0x3FFE];
	[sflag:s23] =	ssyncadd.s32 $0xFFFFFFFF  }
0xa5: {  	s26 =	simm.s32 $execute0_lowered;
	[smem:$0x3FD2] =	sst s25  }
0xa6: {  	s5 =	sshll.u32 s26, $0x1;
	_ =	strace $0x8000004C;
	[dreg:$0x1] =	wrdreg $0xFFFFFFFF  }
0xa7: {  	s28 =	simm.s32 $_size_execute0_lowered;
	s3 =	sadd.s32 s3, s5;
	[dreg:$0x0] =	wrdreg $0x0  }
0xa8: {  	s5 =	sshll.u32 s28, $0x1;
	[dreg:$0x2] =	wrdreg s3  }
0xa9: {  	[dreg:$0x3] =	wrdreg s5  }
0xaa: {  	[dreg:$0x4] =	wrdreg $0xC0  }
0xab: {  	_ =	task [dreg:s7], $0x5FFFF  }
0xac: {  	[dreg:$0x1] =	wrdreg $0xFFFFFFFF  }
0xad: {  	[dreg:$0x0] =	wrdreg $0x60  }
0xae: {  	[dreg:$0x2] =	wrdreg s2  }
0xaf: {  	[dreg:$0x3] =	wrdreg s24  }
0xb0: {  	[dreg:$0x4] =	wrdreg $0x9  }
0xb1: {  	_ =	task.clear_ibuf [dreg:s7], $0x5FFFF;
	_ =	strace $0x9000004C  }
0xb2: {  	s29 =	simm.s32 $0x9;
	_ =	strace $0x8000004E  }
0xb3: {  	_ =	swait.ge [sflag:s29], $0x1  }
0xb4: {  	[sflag:s29] =	ssyncadd.s32 $0xFFFFFFFF  }
0xb5: {  	_ =	strace $0x9000004E  }
0xb6: {  	_ =	sfence  }
0xb7: {  	s30 =	sld [smem:$0x0];
	_ =	sdelay $0x2  }
0xb8: {  	s31 =	sshll.u32 s1, $0xD;
	s1 =	sshrl.u32 s1, $0x2  }
0xb9: {  	s3 =	sand.u32 $0x4000, s31;
	s1 =	sadd.s32 s1, s30  }
0xba: {  	s0 =	sor.u32 s3, s0;
	s1 =	sshll.u32 s1, $0x11  }
0xbb: {  	s0 =	sor.u32 s1, s0  }
0xbc: {  	s0 =	sadd.s32 $0x8F2B, s0  }
0xbd: {  	[sflag:s0] =	ssyncadd.remote.s32 $0x1  }
0xbe: {  	_ =	sfence.sel $0xFFFF  }
0xbf: {  	[dreg:$0x0] =	wrdreg $0xFFFFFFFF;
	(pc) =	sbr.abs _section_cstart, $3  }
0xc0: {  	[dreg:$0x1] =	wrdreg $0xFFFFFFFF  }
0xc1: {  	_ =	task.clear_ibuf [dreg:s7], $0x2FFFF;
	_ =	strace $0x9FFFFFFF  }
0xc2: {  	(tm) =	ssettm $0x7FFFFFFF  }
0xc3: {  	_ =	shalt  }
tec
execute0_lowered:
.L_overlay_start_1:
0x0: {  	(tag) =	ssettag $0x1  }
0x1: {  	s0 =	srdreg.scid;
	s2 =	rddreg [dreg:$0x0]  }
0x2: {  	s6 =	rddreg [dreg:$0x1];
	s3 =	simm.s32 $0x0;
	s4 =	sand.u32 $0x1, s0  }
0x3: {  	s13 =	simm.s32 $0x400;
	s0 =	stileid.u32;
	s1 =	sshll.u32 s4, $0x4  }
0x4: {  	s14 =	simm.s32 $0x9C80;
	s15 =	simm.s32 $0xC400;
	s1 =	sor.u32 s0, s1  }
0x5: {  	s16 =	simm.s32 $0x0;
	[smem:$0x7FF] =	sst s3;
	s1 =	sshrl.u32 s1, $0x3  }
0x6: {  	s25 =	sshll.u32 s0, $0x7;
	s4 =	ssub.s32 $0x2, s4;
	s5 =	smul.u32 $0x13C00, s1  }
0x7: {  	s10 =	sadd.s32 $0xB000, s6;
	s7 =	sand.u32 $0x380, s25;
	s9 =	sshrl.u32 s4, $0x1  }
0x8: {  	s11 =	ssub.s32 s4, s9;
	s1 =	rddreg [dreg:$0x2];
	s7 =	sor.u32 s7, s5  }
0x9: {  	_ =	strace $0x8000004D;
	s8 =	sshrl.u32 s7, $0x3;
	s28 =	sadd.s32 $0x4F000, s7  }
0xa: {  	s29 =	sadd.s32 $0x9E000, s7;
	s12 =	sadd.s32 $0xED000, s7;
	s26 =	sadd.s32 s8, s6  }
0xb: {  	s6 =	sadd.s32 s10, s8;
	s8 =	sshrl.u32 s28, $0x3;
	s30 =	sshrl.u32 s29, $0x3  }
0xc: {  	s31 =	sshrl.u32 s12, $0x3;
	s12 =	simm.s32 $0x80;
	s4 =	sadd.s32 $0x77E00, s26  }
0xd: {  	s5 =	sadd.s32 $0x1200, s26;
	s7 =	sadd.s32 s10, s8;
	s8 =	sadd.s32 s10, s30  }
0xe: {  	s9 =	sadd.s32 s10, s31;
	s10 =	smax.u32 s11, $0x1;
	s11 =	simm.s32 $0x1  }
.LBB2_1:
0xf: {  	[tilespmem:s3], [sflag:$0x1] =	stream.linear.gather [hbm4b:s2+s3], $0x9C80, $0x38;
	[tilespmem:$0x18980] =	vst v63  }
0x10: {  	_ =	swait.ge [sflag:s11], $0x9C80  }
0x11: {  	[sflag:s11] =	ssyncset.done $0x0  }
0x12: {  	[sflag:s11] =	ssyncadd.s32 $0xFFFF6380  }
0x13: {  	[tilespmem:s14], [sflag:$0x1] =	stream.strided.gather [hbm4b:s4+s12], $0x2780, s13, s12, $0x38;
	[tilespmem:$0x18980] =	vst v63  }
0x14: {  	_ =	swait.ge [sflag:s11], $0x2780  }
0x15: {  	[sflag:s11] =	ssyncset.done $0x0  }
0x16: {  	[sflag:s11] =	ssyncadd.s32 $0xFFFFD880  }
0x17: {  	[tilespmem:s15], [sflag:$0x1] =	stream.strided.gather [hbm4b:s5+s12], $0x2780, s13, s12, $0x38;
	[tilespmem:$0x18980] =	vst v63  }
0x18: {  	s19 =	simm.s32 $0x10;
	_ =	swait.ge [sflag:s11], $0x2780  }
0x19: {  	s17 =	sand.u32 $0xFE00, s3;
	s21 =	simm.s32 $0x0;
	[sflag:s11] =	ssyncset.done $0x0  }
0x1a: {  	s20 =	simm.s32 $0x0;
	s18 =	simm.s32 $0x0;
	[sflag:s11] =	ssyncadd.s32 $0xFFFFD880  }
.LBB2_2:
0x1b: {  	p0 =	sne.s32 s19, $0x2700  }
0x1c: {  	v0 =	vld [tilespmem:s21+$0x9C80];
	s20 =	sadd.s32 $0x40, s20;
	s22 =	smov.u32 s19;
	s19 =	sadd.s32 $0x10, s19  }
0x1d: {  	s23 =	sand.u32 $0xFE00, s20;
	v1 =	vld [tilespmem:s21+$0xC400];
	_ =	sdelay $0x2  }
0x1e: {  	s21 =	sshra.s32 s20, $0x2  }
0x1f: {  	v0 =	vshll.u32 v0, $0x2  }
0x20: {  	v1 =	vshll.u32 v1, $0x2;
	v2 =	vor.u32 $0x1, v0  }
0x21: {  	v3 =	vor.u32 $0x2, v1;
	v1 =	vor.u32 $0x3, v1;
	_ =	sdelay $0x2  }
0x22: {  	v0 =	vld.idx.msk [tilespmem:v0+s3+$0x0], $0xffff  }
0x23: {  	v2 =	vld.idx.msk [tilespmem:v2+s3+$0x0], $0xffff  }
0x24: {  	v3 =	vld.idx.msk [tilespmem:v3+s3+$0x0], $0xffff  }
0x25: {  	v1 =	vld.idx.msk [tilespmem:v1+s3+$0x0], $0xffff;
	_ =	sdelay $0x4  }
0x26: {  	v0 =	vadd.f32 v3, v0  }
0x27: {  	v1 =	vadd.f32 v1, v2  }
0x28: {  	v2 =	vand.u32 $0x7F800000, v0;
	v3 =	vand.u32 $0x7FFFFFFF, v0;
	v4 =	vshll.u32 v0, $0x1D  }
0x29: {  	v0 =	vand.u32 $0x80000000, v0;
	v3 =	vshrl.u32 v3, $0x3;
	v5 =	vand.u32 $0x7FFFFFFF, v1  }
0x2a: {  	v0 =	vor.u32 v0, v3;
	v3 =	vand.u32 $0x80000000, v1;
	v5 =	vshrl.u32 v5, $0x3  }
0x2b: {  	s24 =	sand.u32 $0x70, s18;
	s18 =	smov.u32 s22;
	vm0 =	veq.s32 v2, $0x0;
	v0 =	vadd.s32 $0x38000000, v0;
	v2 =	vor.u32 v3, v5  }
.Ltmp0:
0x2c: {  	s22 =	sor.u32 s24, s17;
	s17 =	smov.u32 s23;
	v3 =	vsel vm0, $0x0, v4;
	v4 =	vand.u32 $0x7F800000, v1;
	v2 =	vadd.s32 $0x38000000, v2;
	(pc) =	sbr.rel @p0 .LBB2_2-.Ltmp0, $4  }
0x2d: {  	v1 =	vshll.u32 v1, $0x1D;
	v0 =	vsel vm0, $0x0, v0;
	vm0 =	veq.s32 v4, $0x0;
	[tilespmem:s22+$0xEB80] =	vst v3  }
0x2e: {  	v1 =	vsel vm0, $0x0, v1;
	v2 =	vsel vm0, $0x0, v2;
	[tilespmem:s22+$0xEC80] =	vst v0  }
0x2f: {  	[tilespmem:s22+$0xEC00] =	vst v1  }
0x30: {  	[tilespmem:s22+$0xED00] =	vst v2  }
0x31: {  	v0 =	vld [tilespmem:s21+$0x9C80]  }
0x32: {  	v1 =	vld [tilespmem:s21+$0xC400];
	_ =	sdelay $0x4  }
0x33: {  	v0 =	vshll.u32 v0, $0x2;
	v1 =	vshll.u32 v1, $0x2  }
0x34: {  	v2 =	vor.u32 $0x2, v1  }
0x35: {  	v3 =	vor.u32 $0x1, v0  }
0x36: {  	v1 =	vor.u32 $0x3, v1;
	_ =	sdelay $0x1  }
0x37: {  	v0 =	vld.idx.msk [tilespmem:v0+s3+$0x0], $0xffff  }
0x38: {  	v2 =	vld.idx.msk [tilespmem:v2+s3+$0x0], $0xffff  }
0x39: {  	v3 =	vld.idx.msk [tilespmem:v3+s3+$0x0], $0xffff  }
0x3a: {  	v1 =	vld.idx.msk [tilespmem:v1+s3+$0x0], $0xffff;
	_ =	sdelay $0x3  }
0x3b: {  	v0 =	vadd.f32 v2, v0  }
0x3c: {  	v1 =	vadd.f32 v1, v3  }
0x3d: {  	v2 =	vand.u32 $0x7F800000, v0;
	v58 =	vand.u32 $0x7FFFFFFF, v0  }
0x3e: {  	v4 =	vshll.u32 v0, $0x1D;
	v0 =	vand.u32 $0x80000000, v0;
	v5 =	vand.u32 $0x7FFFFFFF, v1  }
0x3f: {  	v59 =	vand.u32 $0x80000000, v1;
	v62 =	vand.u32 $0x7F800000, v1;
	v1 =	vshll.u32 v1, $0x1D  }
0x40: {  	s18 =	sand.u32 $0x70, s18;
	v3 =	vshrl.u32 v58, $0x3;
	v5 =	vshrl.u32 v5, $0x3;
	vm0 =	veq.s32 v2, $0x0  }
0x41: {  	s18 =	sor.u32 s18, s17;
	vm15 =	veq.s32 v62, $0x0;
	v0 =	vor.u32 v0, v3;
	v61 =	vsel vm0, $0x0, v4  }
0x42: {  	v60 =	vor.u32 v59, v5;
	v1 =	vsel vm15, $0x0, v1;
	v0 =	vadd.s32 $0x38000000, v0;
	[tilespmem:s18+$0xEB80] =	vst v61  }
0x43: {  	v2 =	vadd.s32 $0x38000000, v60;
	[tilespmem:s18+$0xEC00] =	vst v1;
	v0 =	vsel vm0, $0x0, v0  }
0x44: {  	s20 =	sadd.s32 $0x0, s6;
	v63 =	vsel vm15, $0x0, v2;
	[tilespmem:s18+$0xEC80] =	vst v0  }
0x45: {  	s19 =	simm.s32 $0xED80;
	s17 =	simm.s32 $0xEB80;
	[tilespmem:s18+$0xED00] =	vst v63;
	s18 =	simm.s32 $0x80  }
.LBB2_4:
0x46: {  	[hbm4b:s20+s3] =	stream.linear.scatter [tilespmem:s17], [sflag:$0x1], $0x80, $0x38;
	[tilespmem:$0x18980] =	vst v63  }
0x47: {  	s20 =	smov.u32 s18;
	s17 =	smov.u32 s19;
	p0 =	sne.s32 s18, $0x2700  }
.Ltmp1:
0x48: {  	s18 =	sadd.s32 $0x80, s18;
	(pc) =	sbr.rel @p0 .LBB2_4-.Ltmp1, $2  }
0x49: {  	_ =	sdelay $0x2  }
0x4a: {  	s19 =	sadd.s32 $0x200, s19;
	s20 =	sadd.s32 s20, s6  }
0x4b: {  	[hbm4b:s20+s3] =	stream.linear.scatter [tilespmem:s17], [sflag:$0x1], $0x80, $0x38;
	[tilespmem:$0x18980] =	vst v63  }
0x4c: {  	_ =	swait.ge [sflag:s11], $0x2780  }
0x4d: {  	s17 =	simm.s32 $0xEC00;
	s18 =	simm.s32 $0x80;
	[sflag:s11] =	ssyncset.done $0x0  }
0x4e: {  	s20 =	sadd.s32 $0x0, s7;
	s19 =	simm.s32 $0xEE00;
	[sflag:s11] =	ssyncadd.s32 $0xFFFFD880  }
.LBB2_6:
0x4f: {  	[hbm4b:s20+s3] =	stream.linear.scatter [tilespmem:s17], [sflag:$0x1], $0x80, $0x38;
	[tilespmem:$0x18980] =	vst v63  }
0x50: {  	s20 =	smov.u32 s18;
	s17 =	smov.u32 s19;
	p0 =	sne.s32 s18, $0x2700  }
.Ltmp2:
0x51: {  	s18 =	sadd.s32 $0x80, s18;
	(pc) =	sbr.rel @p0 .LBB2_6-.Ltmp2, $2  }
0x52: {  	_ =	sdelay $0x2  }
0x53: {  	s19 =	sadd.s32 $0x200, s19;
	s20 =	sadd.s32 s20, s7  }
0x54: {  	[hbm4b:s20+s3] =	stream.linear.scatter [tilespmem:s17], [sflag:$0x1], $0x80, $0x38;
	[tilespmem:$0x18980] =	vst v63  }
0x55: {  	_ =	swait.ge [sflag:s11], $0x2780  }
0x56: {  	s17 =	simm.s32 $0xEC80;
	s18 =	simm.s32 $0x80;
	[sflag:s11] =	ssyncset.done $0x0  }
0x57: {  	s20 =	sadd.s32 $0x0, s8;
	s19 =	simm.s32 $0xEE80;
	[sflag:s11] =	ssyncadd.s32 $0xFFFFD880  }
.LBB2_8:
0x58: {  	[hbm4b:s20+s3] =	stream.linear.scatter [tilespmem:s17], [sflag:$0x1], $0x80, $0x38;
	[tilespmem:$0x18980] =	vst v63  }
0x59: {  	s20 =	smov.u32 s18;
	s17 =	smov.u32 s19;
	p0 =	sne.s32 s18, $0x2700  }
.Ltmp3:
0x5a: {  	s18 =	sadd.s32 $0x80, s18;
	(pc) =	sbr.rel @p0 .LBB2_8-.Ltmp3, $2  }
0x5b: {  	_ =	sdelay $0x2  }
0x5c: {  	s19 =	sadd.s32 $0x200, s19;
	s20 =	sadd.s32 s20, s8  }
0x5d: {  	[hbm4b:s20+s3] =	stream.linear.scatter [tilespmem:s17], [sflag:$0x1], $0x80, $0x38;
	[tilespmem:$0x18980] =	vst v63  }
0x5e: {  	_ =	swait.ge [sflag:s11], $0x2780  }
0x5f: {  	s17 =	simm.s32 $0xED00;
	s18 =	simm.s32 $0x80;
	[sflag:s11] =	ssyncset.done $0x0  }
0x60: {  	s20 =	sadd.s32 $0x0, s9;
	s19 =	simm.s32 $0xEF00;
	[sflag:s11] =	ssyncadd.s32 $0xFFFFD880  }
.LBB2_10:
0x61: {  	[hbm4b:s20+s3] =	stream.linear.scatter [tilespmem:s17], [sflag:$0x1], $0x80, $0x38;
	[tilespmem:$0x18980] =	vst v63  }
0x62: {  	s20 =	smov.u32 s18;
	s17 =	smov.u32 s19;
	p0 =	sne.s32 s18, $0x2700  }
.Ltmp4:
0x63: {  	s18 =	sadd.s32 $0x80, s18;
	(pc) =	sbr.rel @p0 .LBB2_10-.Ltmp4, $2  }
0x64: {  	_ =	sdelay $0x2  }
0x65: {  	s19 =	sadd.s32 $0x200, s19;
	s20 =	sadd.s32 s20, s9  }
0x66: {  	s16 =	sadd.s32 $0x1, s16  }
0x67: {  	p0 =	sne.s32 s16, s10  }
.Ltmp5:
0x68: {  	_ = 	snop;
	(pc) =	sbr.rel @p0 .LBB2_1-.Ltmp5, $4  }
0x69: {  	[hbm4b:s20+s3] =	stream.linear.scatter [tilespmem:s17], [sflag:$0x1], $0x80, $0x38;
	[tilespmem:$0x18980] =	vst v63  }
0x6a: {  	_ =	swait.ge [sflag:s11], $0x2780  }
0x6b: {  	[sflag:s11] =	ssyncset.done $0x0  }
0x6c: {  	[sflag:s11] =	ssyncadd.s32 $0xFFFFD880  }
0x6d: {  	_ =	sfence.sel $0x180000  }
0x6e: {  	[bflag:$0x0] =	sbarrier.arrive $0xFFFF  }
0x6f: {  	p0 =	sne.s32 s0, $0x0;
	_ =	strace $0x9000004D  }
0x70: {  	s0 =	sadd.s32 @!p0 $0x100000, s1;
	[bflag:$0x2] =	sbarrier.arrive $0xFFFF  }
0x71: {  	[sflag:s0] =	ssyncadd.tile.s32 @!p0 $0x1;
	_ =	shalt  }
.Lfunc_end2:
_tile_overlayer_lowered:
.L_overlay_start_2:
0x72: {  	(tag) =	ssettag $0x2  }
0x73: {  	s0 =	rddreg [dreg:$0x0];
	s2 =	stileid.u32  }
0x74: {  	s1 =	rddreg [dreg:$0x1];
	p0 =	sne.s32 s2, $0x0  }
0x75: {  	s3 =	rddreg [dreg:$0x2];
	[bflag:$0x3] =	sbarrier.arrive $0xFFFF;
	s2 =	simm.s32 @!p0 $0x1C01  }
0x76: {  	[timem:s3], [sflag:s2] =	dma.local @!p0 [hbm:s0], s1  }
0x77: {  	s0 =	simm.s32 @!p0 $0x1  }
0x78: {  	_ =	swait.ge @!p0 [sflag:s0], s1  }
0x79: {  	s1 =	ssub.s32 @!p0 $0x0, s1;
	[sflag:s0] =	ssyncset.done @!p0 $0x0  }
0x7a: {  	[sflag:s0] =	ssyncadd.s32 @!p0 s1  }
0x7b: {  	[bflag:$0x3] =	sbarrier.arrive $0xFFFF  }
0x7c: {  	_ =	shalt  }

// kernel: kernel.8.cloned.1.call-start
scs
__scs_entry_jumppad:
0x0: {  	(pc) =	sbr.rel $0x88, $3  }
0x1: {  	(tag) =	ssettag $0x0;
	lr =	simm.s32 $0x1  }
0x2: {  	[smem:$0x3F99] =	sst lr;
	_ =	strace $0xD0000000  }
0x3: {  	_ = 	snop  }
0x4: {  	_ = 	snop  }
0x5: {  	_ = 	snop  }
0x6: {  	_ = 	snop  }
0x7: {  	_ = 	snop  }
__scs_overlays_trampoline_lowered:
0x8: {  	[smem:$0x3FA8] =	sst s0  }
0x9: {  	[smem:$0x3FA9] =	sst s1  }
0xa: {  	[smem:$0x3FAA] =	sst s2  }
0xb: {  	[smem:$0x3FAB] =	sst s3  }
0xc: {  	[smem:$0x3FAC] =	sst s4  }
0xd: {  	[smem:$0x3FAD] =	sst s5  }
0xe: {  	[smem:$0x3FAE] =	sst s6  }
0xf: {  	[smem:$0x3FAF] =	sst s7  }
0x10: {  	[smem:$0x3FB0] =	sst s8  }
0x11: {  	[smem:$0x3FB1] =	sst s9;
	s0 =	simm.s32 @!p0 $0x0  }
0x12: {  	s1 =	sld [smem:$0x3F97];
	s0 =	simm.s32 @p0 $0x1  }
0x13: {  	[smem:$0x3FB2] =	sst s0;
	s0 =	simm.s32 @!p1 $0x0  }
0x14: {  	s2 =	sld [smem:$0x3F96];
	s0 =	simm.s32 @p1 $0x1  }
0x15: {  	[smem:$0x3FB3] =	sst s0;
	s0 =	simm.s32 @!p2 $0x0  }
0x16: {  	s3 =	sld [smem:$0x3FDB];
	s0 =	simm.s32 @p2 $0x1  }
0x17: {  	s4 =	simm.s32 $0x1BF5;
	[smem:$0x3FB5] =	sst s0  }
0x18: {  	s0 =	sld [smem:$0x3F98];
	_ =	swait.ge [sflag:s4], $0x0  }
0x19: {  	s7 =	sld [smem:$0x3F99]  }
0x1a: {  	s8 =	sadd.s32 $0xFFFFE003, lr  }
0x1b: {  	s9 =	sadd.s32 $0xFFFFFEF7, lr;
	s5 =	simm.s32 $0xFFFFFFFF;
	p2 =	slt.u32 s8, $0xFFFFF086  }
0x1c: {  	p1 =	slt.u32 s9, $0xF7A;
	s5 =	simm.s32 @!p2 $0x0  }
0x1d: {  	s5 =	simm.s32 @p1 $0x1;
	p0 =	seq.s32 s7, s2  }
0x1e: {  	s7 =	smul.u32 @!p0 $0xF7A, s2;
	p2 =	seq.s32 @!p0 s5, $0x0  }
0x1f: {  	s9 =	smul.u32 $0xF7A, s1;
	s8 =	simm.s32 @!p0 $0x1BF5;
	p2 =	por !p2, p0  }
0x20: {  	[sflag:s8] =	ssyncset.s32 @!p0 $0xFFFFF086;
	s6 =	sadd.s32 @!p0 s3, s7;
	s7 =	simm.s32 @!p0 $0x108  }
0x21: {  	s3 =	sadd.s32 s3, s9;
	s6 =	sadd.s32 @!p0 $0x88, s6;
	s7 =	simm.s32 @p2 $0x1082  }
0x22: {  	[simem:s7], [sflag:s8] =	dma.local @!p0 [hbm:s6], $0xF7A  }
0x23: {  	s9 =	sor.u32 $0xD0000000, s2;
	s6 =	simm.s32 $0x108;
	_ =	swait.ge @!p0 [sflag:s8], $0x0  }
0x24: {  	s3 =	sadd.s32 $0x88, s3;
	s6 =	simm.s32 @!p1 $0x1082;
	[sflag:s4] =	ssyncset.s32 $0xFFFFF086  }
0x25: {  	[simem:s6], [sflag:s4] =	dma.local [hbm:s3], $0xF7A  }
0x26: {  	[smem:$0x3F99] =	sst s1;
	(tag) =	ssettag s2;
	_ =	strace s9  }
0x27: {  	s1 =	sld [smem:$0x3FA9]  }
0x28: {  	s2 =	sld [smem:$0x3FAA]  }
0x29: {  	s4 =	sld [smem:$0x3FAC]  }
0x2a: {  	p0 =	seq.s32 s5, $0x0;
	s5 =	sld [smem:$0x3FAD]  }
0x2b: {  	s6 =	sld [smem:$0x3FAE]  }
0x2c: {  	s7 =	sld [smem:$0x3FAF]  }
0x2d: {  	s3 =	simm.s32 $0x108;
	s8 =	sld [smem:$0x3FB0]  }
0x2e: {  	s3 =	simm.s32 @!p0 $0x1082;
	s9 =	sld [smem:$0x3FB1]  }
0x2f: {  	lr =	sadd.s32 s0, s3;
	s0 =	sld [smem:$0x3FA8]  }
0x30: {  	s3 =	sld [smem:$0x3FAB]  }
0x31: {  	[smem:$0x3FB4] =	sst s10  }
0x32: {  	s10 =	sld [smem:$0x3FB2];
	_ =	sdelay $0x3  }
0x33: {  	p0 =	seq.s32 s10, $0x1;
	s10 =	sld [smem:$0x3FB4];
	_ =	sdelay $0x3  }
0x34: {  	[smem:$0x3FB4] =	sst s10  }
0x35: {  	s10 =	sld [smem:$0x3FB3];
	_ =	sdelay $0x3  }
0x36: {  	p1 =	seq.s32 s10, $0x1;
	s10 =	sld [smem:$0x3FB4];
	_ =	sdelay $0x3  }
0x37: {  	[smem:$0x3FB4] =	sst s10  }
0x38: {  	s10 =	sld [smem:$0x3FB5]  }
0x39: {  	_ = 	snop;
	(pc) =	sbr.ind lr, $3  }
0x3a: {  	_ = 	snop  }
0x3b: {  	_ = 	snop  }
0x3c: {  	p2 =	seq.s32 s10, $0x1;
	s10 =	sld [smem:$0x3FB4]  }
0x3d: {  	_ =	shalt  }
0x3e: {  	_ =	shalt  }
0x3f: {  	_ =	shalt  }
0x40: {  	_ =	shalt  }
0x41: {  	_ =	shalt  }
0x42: {  	_ =	shalt  }
0x43: {  	_ =	shalt  }
0x44: {  	_ =	shalt  }
0x45: {  	_ =	shalt  }
0x46: {  	_ =	shalt  }
0x47: {  	_ =	shalt  }
0x48: {  	_ =	shalt  }
0x49: {  	_ =	shalt  }
0x4a: {  	_ =	shalt  }
0x4b: {  	_ =	shalt  }
0x4c: {  	_ =	shalt  }
0x4d: {  	_ =	shalt  }
0x4e: {  	_ =	shalt  }
0x4f: {  	_ =	shalt  }
0x50: {  	_ =	shalt  }
0x51: {  	_ =	shalt  }
0x52: {  	_ =	shalt  }
0x53: {  	_ =	shalt  }
0x54: {  	_ =	shalt  }
0x55: {  	_ =	shalt  }
0x56: {  	_ =	shalt  }
0x57: {  	_ =	shalt  }
0x58: {  	_ =	shalt  }
0x59: {  	_ =	shalt  }
0x5a: {  	_ =	shalt  }
0x5b: {  	_ =	shalt  }
0x5c: {  	_ =	shalt  }
0x5d: {  	_ =	shalt  }
0x5e: {  	_ =	shalt  }
0x5f: {  	_ =	shalt  }
0x60: {  	_ =	shalt  }
0x61: {  	_ =	shalt  }
0x62: {  	_ =	shalt  }
0x63: {  	_ =	shalt  }
0x64: {  	_ =	shalt  }
0x65: {  	_ =	shalt  }
0x66: {  	_ =	shalt  }
0x67: {  	_ =	shalt  }
0x68: {  	_ =	shalt  }
0x69: {  	_ =	shalt  }
0x6a: {  	_ =	shalt  }
0x6b: {  	_ =	shalt  }
0x6c: {  	_ =	shalt  }
0x6d: {  	_ =	shalt  }
0x6e: {  	_ =	shalt  }
0x6f: {  	_ =	shalt  }
0x70: {  	_ =	shalt  }
0x71: {  	_ =	shalt  }
0x72: {  	_ =	shalt  }
0x73: {  	_ =	shalt  }
0x74: {  	_ =	shalt  }
0x75: {  	_ =	shalt  }
0x76: {  	_ =	shalt  }
0x77: {  	_ =	shalt  }
0x78: {  	_ =	shalt  }
0x79: {  	_ =	shalt  }
0x7a: {  	_ =	shalt  }
0x7b: {  	_ =	shalt  }
0x7c: {  	_ =	shalt  }
0x7d: {  	_ =	shalt  }
0x7e: {  	_ =	shalt  }
0x7f: {  	_ =	shalt  }
0x80: {  	_ =	shalt  }
0x81: {  	_ =	shalt  }
0x82: {  	_ =	shalt  }
0x83: {  	_ =	shalt  }
0x84: {  	_ =	shalt  }
0x85: {  	_ =	shalt  }
0x86: {  	_ =	shalt  }
0x87: {  	_ =	shalt  }
.Lfunc_end0:
.L_simem_size_0:
called_computation_lowered:
.L_overlay_start_0:
0x88: {  	s2 =	sld [smem:$0x3FD9]  }
0x89: {  	s3 =	sld [smem:$0x3FFE];
	_ =	sdelay $0x1  }
0x8a: {  	s1 =	srdreg.scid  }
0x8b: {  	s0 =	sand.u32 $0x1, s1  }
0x8c: {  	s17 =	sshll.u32 s0, $0xA;
	s2 =	sadd.s32 s3, s2  }
0x8d: {  	s2 =	sadd.s32 s2, s17  }
0x8e: {  	[smem:$0x3FC0] =	sst s2  }
0x8f: {  	_ = 	snop  }
0x90: {  	s2 =	sld [smem:$0x3FD0];
	(tm) =	ssettm $0x1  }
0x91: {  	s18 =	sld [smem:$0x3FFB];
	_ =	sdelay $0x3  }
0x92: {  	_ =	strace s18  }
0x93: {  	s3 =	sld [smem:$0x3FFC];
	_ =	sdelay $0x3  }
0x94: {  	_ =	strace s3  }
0x95: {  	s3 =	sld [smem:$0x3FFD];
	_ =	sdelay $0x3  }
0x96: {  	_ =	strace s3  }
0x97: {  	_ =	strace $0x8FFFFFFF  }
0x98: {  	s19 =	sld [smem:$0x3FDB];
	_ =	sdelay $0x1  }
0x99: {  	s4 =	simm.s32 $_scs_section_size  }
0x9a: {  	s5 =	simm.s32 $_size__tile_overlayer_lowered;
	s6 =	simm.s32 $_tile_overlayer_lowered  }
0x9b: {  	s22 =	simm.s32 $0x1BFF;
	s21 =	sshll.u32 s6, $0x1;
	s3 =	sadd.s32 s4, s19  }
0x9c: {  	s7 =	simm.s32 $0x0;
	s20 =	sshll.u32 s5, $0x1;
	s5 =	sadd.s32 s21, s3  }
0x9d: {  	[timem:s7], [sflag:s22] =	dma.local [hbm:s5], s20  }
0x9e: {  	_ =	swait.ge [sflag:s22], s20  }
0x9f: {  	s4 =	ssub.s32 $0x0, s20;
	[sflag:s22] =	ssyncset.done $0x0  }
0xa0: {  	[sflag:s22] =	ssyncadd.s32 s4;
	_ =	sdelay $0x1  }
0xa1: {  	s23 =	simm.s32 $0x1B8B  }
0xa2: {  	_ =	swait.ge [sflag:s23], $0x1  }
0xa3: {  	[sflag:s23] =	ssyncset.done $0x0  }
0xa4: {  	s25 =	simm.s32 $0x1B8E;
	s24 =	sld [smem:$0x3FFE];
	[sflag:s23] =	ssyncadd.s32 $0xFFFFFFFF  }
0xa5: {  	s26 =	simm.s32 $execute0_lowered;
	[smem:$0x3FD2] =	sst s25  }
0xa6: {  	s5 =	sshll.u32 s26, $0x1;
	_ =	strace $0x80000046;
	[dreg:$0x1] =	wrdreg $0xFFFFFFFF  }
0xa7: {  	s28 =	simm.s32 $_size_execute0_lowered;
	s3 =	sadd.s32 s3, s5;
	[dreg:$0x0] =	wrdreg $0x0  }
0xa8: {  	s5 =	sshll.u32 s28, $0x1;
	[dreg:$0x2] =	wrdreg s3  }
0xa9: {  	[dreg:$0x3] =	wrdreg s5  }
0xaa: {  	[dreg:$0x4] =	wrdreg $0xC0  }
0xab: {  	_ =	task [dreg:s7], $0x5FFFF  }
0xac: {  	[dreg:$0x1] =	wrdreg $0xFFFFFFFF  }
0xad: {  	[dreg:$0x0] =	wrdreg $0x60  }
0xae: {  	[dreg:$0x2] =	wrdreg s24  }
0xaf: {  	[dreg:$0x3] =	wrdreg s2  }
0xb0: {  	[dreg:$0x4] =	wrdreg $0x9  }
0xb1: {  	_ =	task.clear_ibuf [dreg:s7], $0x5FFFF;
	_ =	strace $0x90000046  }
0xb2: {  	s29 =	simm.s32 $0x9;
	_ =	strace $0x80000048  }
0xb3: {  	_ =	swait.ge [sflag:s29], $0x1  }
0xb4: {  	[sflag:s29] =	ssyncadd.s32 $0xFFFFFFFF  }
0xb5: {  	_ =	strace $0x90000048  }
0xb6: {  	_ =	sfence  }
0xb7: {  	s30 =	sld [smem:$0x0];
	_ =	sdelay $0x2  }
0xb8: {  	s31 =	sshll.u32 s1, $0xD;
	s1 =	sshrl.u32 s1, $0x2  }
0xb9: {  	s3 =	sand.u32 $0x4000, s31;
	s1 =	sadd.s32 s1, s30  }
0xba: {  	s0 =	sor.u32 s3, s0;
	s1 =	sshll.u32 s1, $0x11  }
0xbb: {  	s0 =	sor.u32 s1, s0  }
0xbc: {  	s0 =	sadd.s32 $0x8F2B, s0  }
0xbd: {  	[sflag:s0] =	ssyncadd.remote.s32 $0x1  }
0xbe: {  	_ =	sfence.sel $0xFFFF  }
0xbf: {  	[dreg:$0x0] =	wrdreg $0xFFFFFFFF;
	(pc) =	sbr.abs _section_cstart, $3  }
0xc0: {  	[dreg:$0x1] =	wrdreg $0xFFFFFFFF  }
0xc1: {  	_ =	task.clear_ibuf [dreg:s7], $0x2FFFF;
	_ =	strace $0x9FFFFFFF  }
0xc2: {  	(tm) =	ssettm $0x7FFFFFFF  }
0xc3: {  	_ =	shalt  }
tec
execute0_lowered:
.L_overlay_start_1:
0x0: {  	(tag) =	ssettag $0x1  }
0x1: {  	s0 =	srdreg.scid  }
0x2: {  	s3 =	sand.u32 $0x1, s0  }
0x3: {  	s0 =	stileid.u32;
	s1 =	sshll.u32 s3, $0x4  }
0x4: {  	s1 =	sor.u32 s0, s1  }
0x5: {  	s4 =	rddreg [dreg:$0x0];
	s1 =	sshrl.u32 s1, $0x3  }
0x6: {  	s5 =	rddreg [dreg:$0x1];
	s31 =	sshll.u32 s0, $0x7;
	s2 =	smul.u32 $0x13C00, s1  }
0x7: {  	s8 =	simm.s32 $0x1;
	s3 =	ssub.s32 $0x2, s3;
	s6 =	sand.u32 $0x380, s31  }
0x8: {  	s9 =	simm.s32 $0x2780;
	s7 =	sshrl.u32 s3, $0x1;
	s6 =	sor.u32 s6, s2  }
0x9: {  	s1 =	rddreg [dreg:$0x2];
	s2 =	simm.s32 $0x0;
	s6 =	sshrl.u32 s6, $0x3  }
0xa: {  	s7 =	ssub.s32 s3, s7;
	[smem:$0x7FF] =	sst s2;
	s4 =	sadd.s32 s6, s4  }
0xb: {  	_ =	strace $0x80000047;
	s3 =	sadd.s32 $0x1200, s4;
	s4 =	sadd.s32 s5, s6  }
0xc: {  	v0 =	vimm.f32 $0.0e+00;
	v1 =	vimm.f32 $1.000000000e+00;
	s5 =	smax.u32 s7, $0x1;
	s6 =	simm.s32 $0x80;
	s7 =	simm.s32 $0x400  }
.LBB2_1:
0xd: {  	s10 =	simm.s32 $0x40;
	s11 =	simm.s32 $0x0  }
.LBB2_2:
0xe: {  	p0 =	sne.s32 s10, $0x9C00;
	[tilespmem:s11+$0x2780] =	vst v0;
	s11 =	smov.u32 s10;
	s10 =	sadd.s32 $0x40, s10  }
.Ltmp0:
0xf: {  	(pc) =	sbr.rel @p0 .LBB2_2-.Ltmp0, $2  }
0x10: {  	_ =	sdelay $0x2  }
0x11: {  	s11 =	sshra.s32 s11, $0x2  }
0x12: {  	[tilespmem:s11+$0x2780] =	vst v0;
	s10 =	simm.s32 $0x0  }
0x13: {  	[tilespmem:s10], [sflag:$0x1] =	stream.strided.gather [hbm4b:s3+s6], $0x2780, s7, s6, $0x38;
	[tilespmem:$0x4F00] =	vst v63  }
0x14: {  	_ =	swait.ge [sflag:s8], $0x2780  }
0x15: {  	[sflag:s8] =	ssyncset.done $0x0  }
0x16: {  	s11 =	simm.s32 $0x0;
	s10 =	simm.s32 $0x40;
	[sflag:s8] =	ssyncadd.s32 $0xFFFFD880  }
.LBB2_4:
0x17: {  	p0 =	sne.s32 s10, $0x9C00;
	v2 =	vld [tilespmem:s11+$0x0];
	_ =	sdelay $0x3  }
.Ltmp1:
0x18: {  	(pc) =	sbr.rel @p0 .LBB2_4-.Ltmp1, $2  }
0x19: {  	_ =	sdelay $0x2  }
0x1a: {  	s11 =	sshra.s32 s10, $0x2;
	s10 =	sadd.s32 $0x40, s10;
	[tilespmem:v2+s9+$0x0] =	vst.idx.add.f32.msk $0xffff, v1  }
0x1b: {  	v2 =	vld [tilespmem:s11+$0x0];
	_ =	sdelay $0x5  }
0x1c: {  	s2 =	sadd.s32 $0x1, s2  }
0x1d: {  	p0 =	sne.s32 s2, s5  }
.Ltmp2:
0x1e: {  	[tilespmem:v2+s9+$0x0] =	vst.idx.add.f32.msk $0xffff, v1;
	(pc) =	sbr.rel @p0 .LBB2_1-.Ltmp2, $4  }
0x1f: {  	[hbm4b:s4+s6] =	stream.strided.scatter [tilespmem:s9], [sflag:$0x1], $0x2780, s7, s6, $0x38;
	[tilespmem:$0x4F00] =	vst v63  }
0x20: {  	_ =	swait.ge [sflag:s8], $0x2780  }
0x21: {  	[sflag:s8] =	ssyncset.done $0x0  }
0x22: {  	[sflag:s8] =	ssyncadd.s32 $0xFFFFD880  }
0x23: {  	_ =	sfence.sel $0x180000  }
0x24: {  	[bflag:$0x0] =	sbarrier.arrive $0xFFFF  }
0x25: {  	p0 =	sne.s32 s0, $0x0;
	_ =	strace $0x90000047  }
0x26: {  	s0 =	sadd.s32 @!p0 $0x100000, s1;
	[bflag:$0x2] =	sbarrier.arrive $0xFFFF  }
0x27: {  	[sflag:s0] =	ssyncadd.tile.s32 @!p0 $0x1;
	_ =	shalt  }
.Lfunc_end2:
_tile_overlayer_lowered:
.L_overlay_start_2:
0x28: {  	(tag) =	ssettag $0x2  }
0x29: {  	s0 =	rddreg [dreg:$0x0];
	s2 =	stileid.u32  }
0x2a: {  	s1 =	rddreg [dreg:$0x1];
	p0 =	sne.s32 s2, $0x0  }
0x2b: {  	s3 =	rddreg [dreg:$0x2];
	[bflag:$0x3] =	sbarrier.arrive $0xFFFF;
	s2 =	simm.s32 @!p0 $0x1C01  }
0x2c: {  	[timem:s3], [sflag:s2] =	dma.local @!p0 [hbm:s0], s1  }
0x2d: {  	s0 =	simm.s32 @!p0 $0x1  }
0x2e: {  	_ =	swait.ge @!p0 [sflag:s0], s1  }
0x2f: {  	s1 =	ssub.s32 @!p0 $0x0, s1;
	[sflag:s0] =	ssyncset.done @!p0 $0x0  }
0x30: {  	[sflag:s0] =	ssyncadd.s32 @!p0 s1  }
0x31: {  	[bflag:$0x3] =	sbarrier.arrive $0xFFFF  }
0x32: {  	_ =	shalt  }

</sc_bundles>
